<compile_context>
chip_gen: v7x
topology: tpu7x:2x2x1
jax: 0.10.2.dev20260603
libtpu: 0.0.44.dev20260713+nightly
codegen_flags: <defaults>
</compile_context>

<pallas_src>
import functools

import jax
import jax.numpy as jnp
from jax import lax
from jax.experimental import pallas as pl
from jax.experimental.pallas import tpu as pltpu
from jax.experimental.pallas import tpu_sc as plsc


def _sc_body(dsp_hbm, hsp_hbm, wpt_hbm, out_hbm,
             dspv, hspv, wv, hwv, rows, sem0, sem1):
    wid = lax.axis_index("s") * 2 + lax.axis_index("c")
    ch0 = wid * 8
    pltpu.sync_copy(dsp_hbm.at[pl.ds(ch0, 8)], dspv)
    pltpu.sync_copy(hsp_hbm.at[pl.ds(ch0, 8)], hspv)
    pltpu.sync_copy(wpt_hbm.at[pl.ds(ch0, 8)], wv)
    sems = (sem0, sem1)
    pending = {0: [], 1: []}

    for cc in range(8):
        buf = cc % 2
        w0 = wv[cc, 0:16]
        w1 = wv[cc, 16:32]

        @plsc.parallel_loop(0, 32, unroll=4)
        def _build_hw(j):
            hj = hspv[cc, pl.ds(j * 16, 16)]
            hwv[pl.ds(j * 32, 16)] = hj + w0
            hwv[pl.ds(j * 32 + 16, 16)] = hj + w1

        for cp in pending[buf]:
            cp.wait()
        pending[buf] = []

        def build_row(i, _):
            di = dspv[cc, pl.ds(i * 16, 16)]

            @plsc.parallel_loop(0, 64, unroll=8)
            def _inner(m):
                rows[buf, i, pl.ds(m * 16, 16)] = hwv[pl.ds(m * 16, 16)] + di

            return 0

        lax.fori_loop(0, 32, build_row, 0)

        r = ch0 + cc
        cp0 = pltpu.make_async_copy(rows.at[buf], out_hbm.at[0, r], sems[buf])
        cp0.start()
        cp1 = pltpu.make_async_copy(rows.at[buf], out_hbm.at[1, r], sems[buf])
        cp1.start()
        pending[buf] += [cp0, cp1]

    for buf in range(2):
        for cp in pending[buf]:
            cp.wait()


def kernel(x, d_weight, h_weight, w_weight):
    B = x.shape[0]
    d, h, w = x.shape[-3:]
    c = d_weight.shape[1]
    C = 256

    f32 = jnp.float32
    dpt = jnp.zeros((C, d), f32).at[0:c, :].set(d_weight[:d].T.astype(f32))
    hpt = jnp.zeros((C, h), f32).at[c:2 * c, :].set(h_weight[:h].T.astype(f32))
    wpt = jnp.zeros((C, w), f32).at[2 * c:C, :].set(
        w_weight[:w, : C - 2 * c].T.astype(f32))
    dsp = jnp.repeat(dpt, 16, axis=1)
    hsp = jnp.repeat(hpt, 16, axis=1)

    mesh = plsc.VectorSubcoreMesh(core_axis_name="c", subcore_axis_name="s")
    sc = functools.partial(
        pl.kernel,
        mesh=mesh,
        out_type=jax.ShapeDtypeStruct((B, C, d, h * w), f32),
        scratch_types=[
            pltpu.VMEM((8, 16 * d), f32),
            pltpu.VMEM((8, 16 * h), f32),
            pltpu.VMEM((8, w), f32),
            pltpu.VMEM((h * w,), f32),
            pltpu.VMEM((2, d, h * w), f32),
            pltpu.SemaphoreType.DMA,
            pltpu.SemaphoreType.DMA,
        ],
    )(_sc_body)
    out4 = sc(dsp, hsp, wpt)
    return out4.reshape(B, C, d, h, w)

# --- scband reference (transcript-rebuilt; emitter-appended) ---
"""Pipeline reference for scband-position-embedding-learned-80144089743521 (READ-ONLY COPY).

The authoritative reference and input builder live on the scoring server;
editing this copy changes nothing except your own understanding.
"""

import jax, jax.numpy as jnp
import numpy as np

ORIG_CHANNELS = 256

def setup_inputs(seed: int = 0) -> dict:
    key = jax.random.key(seed)
    k1, k2, k3, k4 = jax.random.split(key, 4)
    channels = int(np.ceil(ORIG_CHANNELS / 6) * 2)  # 86
    x = jax.random.normal(k1, (2, 96, 32, 32, 32), dtype=jnp.float32)
    d_weight = jax.random.uniform(k2, (50, channels), dtype=jnp.float32)
    h_weight = jax.random.uniform(k3, (50, channels), dtype=jnp.float32)
    w_weight = jax.random.uniform(k4, (50, channels), dtype=jnp.float32)
    return {"x": x, "d_weight": d_weight, "h_weight": h_weight, "w_weight": w_weight}

def reference(x, d_weight, h_weight, w_weight):
    d, h, w = x.shape[-3:]
    i = jnp.arange(d)
    j = jnp.arange(h)
    k = jnp.arange(w)
    x_emb = jnp.take(d_weight, i, axis=0)  # [d, c]
    y_emb = jnp.take(h_weight, j, axis=0)  # [h, c]
    z_emb = jnp.take(w_weight, k, axis=0)  # [w, c]
    c = x_emb.shape[-1]
    a = jnp.broadcast_to(x_emb[:, None, None, :], (d, h, w, c))
    b = jnp.broadcast_to(y_emb[None, :, None, :], (d, h, w, c))
    cz = jnp.broadcast_to(z_emb[None, None, :, :], (d, h, w, c))
    pos = jnp.concatenate([a, b, cz], axis=-1)          # [d, h, w, 3c]
    pos = jnp.transpose(pos, (3, 0, 1, 2))[None]         # [1, 3c, d, h, w]
    pos = jnp.broadcast_to(pos, (x.shape[0],) + pos.shape[1:])  # [B, 3c, d, h, w]
    return pos[:, :ORIG_CHANNELS]

if __name__ == "__main__":
    import jax
    _d = setup_inputs()
    print(jax.jit(kernel)(*tuple(_d.values())))

</pallas_src>

<mosaic_0001>
#map = affine_map<(d0, d1) -> (0, 0)>
#map1 = affine_map<(d0, d1) -> (0, 0, 0, 0)>
module attributes {stable_mosaic.version = 14 : i64} {
  func.func @_sc_body(%arg0: i32, %arg1: i32, %arg2: memref<256x512xf32, #tpu.memory_space<hbm>>, %arg3: memref<256x512xf32, #tpu.memory_space<hbm>>, %arg4: memref<256x32xf32, #tpu.memory_space<hbm>>, %arg5: memref<2x256x32x1024xf32, #tpu.memory_space<hbm>>, %arg6: memref<8x512xf32, #tpu.memory_space<vmem>>, %arg7: memref<8x512xf32, #tpu.memory_space<vmem>>, %arg8: memref<8x32xf32, #tpu.memory_space<vmem>>, %arg9: memref<1024xf32, #tpu.memory_space<vmem>>, %arg10: memref<2x32x1024xf32, #tpu.memory_space<vmem>>, %arg11: memref<!tpu.dma_semaphore, #tpu.memory_space<semaphore_mem>>, %arg12: memref<!tpu.dma_semaphore, #tpu.memory_space<semaphore_mem>>) attributes {dimension_semantics = [#tpu.dimension_semantics<core_parallel>, #tpu.dimension_semantics<subcore_parallel>], iteration_bounds = array<i64: 2, 16>, scalar_prefetch = 0 : i64, scratch_operands = 7 : i64, tpu.core_type = #tpu.core_type<sc_vector_subcore>, window_params = [{transform_indices = #map}, {transform_indices = #map}, {transform_indices = #map}, {transform_indices = #map1}]} {
    %mul3A = arith.constant 2 : i32
    %mul3A_0 = arith.muli %arg1, %mul3A : i32
    %add3A = arith.addi %mul3A_0, %arg0 : i32
    %mul3A_1 = arith.constant 8 : i32
    %mul3A_2 = arith.muli %add3A, %mul3A_1 : i32
    "tpu.region"() ({
      %run_scoped3A = tpu.sem_alloc : memref<!tpu.dma_semaphore, #tpu.memory_space<semaphore_mem>>
      %dma_start3A_750 = arith.constant 0 : i32
      %dma_start3A_751 = tpu.memref_slice %arg2[%mul3A_2, %dma_start3A_750] : memref<256x512xf32, #tpu.memory_space<hbm>> -> memref<8x512xf32, #tpu.memory_space<hbm>>
      %dma_start3A_752 = arith.constant 0 : i32
      %dma_start3A_753 = tpu.memref_slice %arg2[%mul3A_2, %dma_start3A_752] : memref<256x512xf32, #tpu.memory_space<hbm>> -> memref<8x512xf32, #tpu.memory_space<hbm>>
      tpu.enqueue_dma source(%dma_start3A_753 : memref<8x512xf32, #tpu.memory_space<hbm>>) target(%arg6 : memref<8x512xf32, #tpu.memory_space<vmem>>) target_semaphore(%run_scoped3A : memref<!tpu.dma_semaphore, #tpu.memory_space<semaphore_mem>>)
      %dma_wait3A_754 = arith.constant 0 : i32
      %dma_wait3A_755 = tpu.memref_slice %arg2[%mul3A_2, %dma_wait3A_754] : memref<256x512xf32, #tpu.memory_space<hbm>> -> memref<8x512xf32, #tpu.memory_space<hbm>>
      %dma_wait3A_756 = arith.constant 0 : i32
      %dma_wait3A_757 = tpu.memref_slice %arg2[%mul3A_2, %dma_wait3A_756] : memref<256x512xf32, #tpu.memory_space<hbm>> -> memref<8x512xf32, #tpu.memory_space<hbm>>
      tpu.wait_dma2 semaphore(%run_scoped3A : memref<!tpu.dma_semaphore, #tpu.memory_space<semaphore_mem>>) src(%dma_wait3A_757 : memref<8x512xf32, #tpu.memory_space<hbm>>) dst(%arg6 : memref<8x512xf32, #tpu.memory_space<vmem>>)
      tpu.yield
    }) : () -> ()
    "tpu.region"() ({
      %run_scoped3A = tpu.sem_alloc : memref<!tpu.dma_semaphore, #tpu.memory_space<semaphore_mem>>
      %dma_start3A_750 = arith.constant 0 : i32
      %dma_start3A_751 = tpu.memref_slice %arg3[%mul3A_2, %dma_start3A_750] : memref<256x512xf32, #tpu.memory_space<hbm>> -> memref<8x512xf32, #tpu.memory_space<hbm>>
      %dma_start3A_752 = arith.constant 0 : i32
      %dma_start3A_753 = tpu.memref_slice %arg3[%mul3A_2, %dma_start3A_752] : memref<256x512xf32, #tpu.memory_space<hbm>> -> memref<8x512xf32, #tpu.memory_space<hbm>>
      tpu.enqueue_dma source(%dma_start3A_753 : memref<8x512xf32, #tpu.memory_space<hbm>>) target(%arg7 : memref<8x512xf32, #tpu.memory_space<vmem>>) target_semaphore(%run_scoped3A : memref<!tpu.dma_semaphore, #tpu.memory_space<semaphore_mem>>)
      %dma_wait3A_754 = arith.constant 0 : i32
      %dma_wait3A_755 = tpu.memref_slice %arg3[%mul3A_2, %dma_wait3A_754] : memref<256x512xf32, #tpu.memory_space<hbm>> -> memref<8x512xf32, #tpu.memory_space<hbm>>
      %dma_wait3A_756 = arith.constant 0 : i32
      %dma_wait3A_757 = tpu.memref_slice %arg3[%mul3A_2, %dma_wait3A_756] : memref<256x512xf32, #tpu.memory_space<hbm>> -> memref<8x512xf32, #tpu.memory_space<hbm>>
      tpu.wait_dma2 semaphore(%run_scoped3A : memref<!tpu.dma_semaphore, #tpu.memory_space<semaphore_mem>>) src(%dma_wait3A_757 : memref<8x512xf32, #tpu.memory_space<hbm>>) dst(%arg7 : memref<8x512xf32, #tpu.memory_space<vmem>>)
      tpu.yield
    }) : () -> ()
    "tpu.region"() ({
      %run_scoped3A = tpu.sem_alloc : memref<!tpu.dma_semaphore, #tpu.memory_space<semaphore_mem>>
      %dma_start3A_750 = arith.constant 0 : i32
      %dma_start3A_751 = tpu.memref_slice %arg4[%mul3A_2, %dma_start3A_750] : memref<256x32xf32, #tpu.memory_space<hbm>> -> memref<8x32xf32, #tpu.memory_space<hbm>>
      %dma_start3A_752 = arith.constant 0 : i32
      %dma_start3A_753 = tpu.memref_slice %arg4[%mul3A_2, %dma_start3A_752] : memref<256x32xf32, #tpu.memory_space<hbm>> -> memref<8x32xf32, #tpu.memory_space<hbm>>
      tpu.enqueue_dma source(%dma_start3A_753 : memref<8x32xf32, #tpu.memory_space<hbm>>) target(%arg8 : memref<8x32xf32, #tpu.memory_space<vmem>>) target_semaphore(%run_scoped3A : memref<!tpu.dma_semaphore, #tpu.memory_space<semaphore_mem>>)
      %dma_wait3A_754 = arith.constant 0 : i32
      %dma_wait3A_755 = tpu.memref_slice %arg4[%mul3A_2, %dma_wait3A_754] : memref<256x32xf32, #tpu.memory_space<hbm>> -> memref<8x32xf32, #tpu.memory_space<hbm>>
      %dma_wait3A_756 = arith.constant 0 : i32
      %dma_wait3A_757 = tpu.memref_slice %arg4[%mul3A_2, %dma_wait3A_756] : memref<256x32xf32, #tpu.memory_space<hbm>> -> memref<8x32xf32, #tpu.memory_space<hbm>>
      tpu.wait_dma2 semaphore(%run_scoped3A : memref<!tpu.dma_semaphore, #tpu.memory_space<semaphore_mem>>) src(%dma_wait3A_757 : memref<8x32xf32, #tpu.memory_space<hbm>>) dst(%arg8 : memref<8x32xf32, #tpu.memory_space<vmem>>)
      tpu.yield
    }) : () -> ()
    %get3A = arith.constant 0 : i32
    %get3A_3 = arith.index_cast %get3A : i32 to index
    %get3A_4 = arith.constant 0 : index
    %get3A_5 = tpu.vector_load %arg8[%get3A_3, %get3A_4] {strides = array<i32>} : memref<8x32xf32, #tpu.memory_space<vmem>>, vector<1x16xf32>,
    %get3A_6 = vector.shape_cast %get3A_5 : vector<1x16xf32> to vector<16xf32>
    %get3A_7 = arith.constant 0 : i32
    %get3A_8 = arith.index_cast %get3A_7 : i32 to index
    %get3A_9 = arith.constant 16 : index
    %get3A_10 = tpu.vector_load %arg8[%get3A_8, %get3A_9] {strides = array<i32>} : memref<8x32xf32, #tpu.memory_space<vmem>>, vector<1x16xf32>,
    %get3A_11 = vector.shape_cast %get3A_10 : vector<1x16xf32> to vector<16xf32>
    %parallel_loop3A = arith.constant 0 : i32
    %parallel_loop3A_12 = arith.constant 32 : i32
    %parallel_loop3A_13 = arith.constant 1 : i32
    scf.for %parallel_loop3A_750 = %parallel_loop3A to %parallel_loop3A_12 step %parallel_loop3A_13  : i32 {
      %parallel_loop3A_751 = arith.constant 16 : i32
      %parallel_loop3A_752 = arith.muli %parallel_loop3A_750, %parallel_loop3A_751 : i32
      %parallel_loop3A_753 = arith.constant 0 : i32
      %parallel_loop3A_754 = arith.index_cast %parallel_loop3A_753 : i32 to index
      %parallel_loop3A_755 = arith.index_cast %parallel_loop3A_752 : i32 to index
      %parallel_loop3A_756 = tpu.vector_load %arg7[%parallel_loop3A_754, %parallel_loop3A_755] {strides = array<i32>} : memref<8x512xf32, #tpu.memory_space<vmem>>, vector<1x16xf32>,
      %parallel_loop3A_757 = vector.shape_cast %parallel_loop3A_756 : vector<1x16xf32> to vector<16xf32>
      %parallel_loop3A_758 = arith.addf %parallel_loop3A_757, %get3A_6 : vector<16xf32>
      %parallel_loop3A_759 = arith.constant 32 : i32
      %parallel_loop3A_760 = arith.muli %parallel_loop3A_750, %parallel_loop3A_759 : i32
      %parallel_loop3A_761 = arith.index_cast %parallel_loop3A_760 : i32 to index
      %parallel_loop3A_762 = tpu.vector_load %arg9[%parallel_loop3A_761] {strides = array<i32>} : memref<1024xf32, #tpu.memory_space<vmem>>, vector<16xf32>,
      %parallel_loop3A_763 = vector.shape_cast %parallel_loop3A_762 : vector<16xf32> to vector<16xf32>
      %parallel_loop3A_764 = vector.shape_cast %parallel_loop3A_758 : vector<16xf32> to vector<16xf32>
      tpu.vector_store %arg9[%parallel_loop3A_761], %parallel_loop3A_764 {strides = array<i32>} : memref<1024xf32, #tpu.memory_space<vmem>>, vector<16xf32>,
      %parallel_loop3A_765 = arith.addf %parallel_loop3A_757, %get3A_11 : vector<16xf32>
      %parallel_loop3A_766 = arith.constant 32 : i32
      %parallel_loop3A_767 = arith.muli %parallel_loop3A_750, %parallel_loop3A_766 : i32
      %parallel_loop3A_768 = arith.constant 16 : i32
      %parallel_loop3A_769 = arith.addi %parallel_loop3A_767, %parallel_loop3A_768 : i32
      %parallel_loop3A_770 = arith.index_cast %parallel_loop3A_769 : i32 to index
      %parallel_loop3A_771 = tpu.vector_load %arg9[%parallel_loop3A_770] {strides = array<i32>} : memref<1024xf32, #tpu.memory_space<vmem>>, vector<16xf32>,
      %parallel_loop3A_772 = vector.shape_cast %parallel_loop3A_771 : vector<16xf32> to vector<16xf32>
      %parallel_loop3A_773 = vector.shape_cast %parallel_loop3A_765 : vector<16xf32> to vector<16xf32>
      tpu.vector_store %arg9[%parallel_loop3A_770], %parallel_loop3A_773 {strides = array<i32>} : memref<1024xf32, #tpu.memory_space<vmem>>, vector<16xf32>,
    } {sc.loop_unroll_factor = 4 : i64, sc.parallel_access}
    %scan3A = arith.constant 0 : i32
    %scan3A_14 = arith.constant 0 : i32
    %scan3A_15 = arith.constant 32 : i32
    %scan3A_16 = arith.addi %scan3A_14, %scan3A_15 : i32
    %scan3A_17 = arith.constant 1 : i32
    %scan3A_18 = scf.for %scan3A_750 = %scan3A_14 to %scan3A_16 step %scan3A_17 iter_args(%scan3A_751 = %scan3A) -> (i32)  : i32 {
      %mul3A_752 = arith.constant 16 : i32
      %mul3A_753 = arith.muli %scan3A_750, %mul3A_752 : i32
      %get3A_754 = arith.constant 0 : i32
      %get3A_755 = arith.index_cast %get3A_754 : i32 to index
      %get3A_756 = arith.index_cast %mul3A_753 : i32 to index
      %get3A_757 = tpu.vector_load %arg6[%get3A_755, %get3A_756] {strides = array<i32>} : memref<8x512xf32, #tpu.memory_space<vmem>>, vector<1x16xf32>,
      %get3A_758 = vector.shape_cast %get3A_757 : vector<1x16xf32> to vector<16xf32>
      %parallel_loop3A_759 = arith.constant 0 : i32
      %parallel_loop3A_760 = arith.constant 64 : i32
      %parallel_loop3A_761 = arith.constant 1 : i32
      scf.for %parallel_loop3A_763 = %parallel_loop3A_759 to %parallel_loop3A_760 step %parallel_loop3A_761  : i32 {
        %parallel_loop3A_764 = arith.constant 16 : i32
        %parallel_loop3A_765 = arith.muli %parallel_loop3A_763, %parallel_loop3A_764 : i32
        %parallel_loop3A_766 = arith.index_cast %parallel_loop3A_765 : i32 to index
        %parallel_loop3A_767 = tpu.vector_load %arg9[%parallel_loop3A_766] {strides = array<i32>} : memref<1024xf32, #tpu.memory_space<vmem>>, vector<16xf32>,
        %parallel_loop3A_768 = vector.shape_cast %parallel_loop3A_767 : vector<16xf32> to vector<16xf32>
        %parallel_loop3A_769 = arith.addf %parallel_loop3A_768, %get3A_758 : vector<16xf32>
        %parallel_loop3A_770 = arith.constant 16 : i32
        %parallel_loop3A_771 = arith.muli %parallel_loop3A_763, %parallel_loop3A_770 : i32
        %parallel_loop3A_772 = arith.constant 0 : i32
        %parallel_loop3A_773 = arith.index_cast %parallel_loop3A_772 : i32 to index
        %parallel_loop3A_774 = arith.index_cast %scan3A_750 : i32 to index
        %parallel_loop3A_775 = arith.index_cast %parallel_loop3A_771 : i32 to index
        %parallel_loop3A_776 = tpu.vector_load %arg10[%parallel_loop3A_773, %parallel_loop3A_774, %parallel_loop3A_775] {strides = array<i32>} : memref<2x32x1024xf32, #tpu.memory_space<vmem>>, vector<1x1x16xf32>,
        %parallel_loop3A_777 = vector.shape_cast %parallel_loop3A_776 : vector<1x1x16xf32> to vector<16xf32>
        %parallel_loop3A_778 = vector.shape_cast %parallel_loop3A_769 : vector<16xf32> to vector<1x1x16xf32>
        tpu.vector_store %arg10[%parallel_loop3A_773, %parallel_loop3A_774, %parallel_loop3A_775], %parallel_loop3A_778 {strides = array<i32>} : memref<2x32x1024xf32, #tpu.memory_space<vmem>>, vector<1x1x16xf32>,
      } {sc.loop_unroll_factor = 8 : i64, sc.parallel_access}
      %scan3A_762 = arith.constant 0 : i32
      scf.yield %scan3A_762 : i32
    }
    %scan3A_19 = arith.constant 32 : i32
    %add3A_20 = arith.constant 0 : i32
    %add3A_21 = arith.addi %mul3A_2, %add3A_20 : i32
    %dma_start3A = arith.constant 0 : i32
    %dma_start3A_22 = arith.constant 0 : i32
    %dma_start3A_23 = arith.constant 0 : i32
    %dma_start3A_24 = arith.constant 0 : i32
    %dma_start3A_25 = tpu.memref_slice %arg10[%dma_start3A, %dma_start3A_23, %dma_start3A_24] : memref<2x32x1024xf32, #tpu.memory_space<vmem>> -> memref<1x32x1024xf32, #tpu.memory_space<vmem>>
    %dma_start3A_26 = tpu.memref_squeeze %dma_start3A_25 : memref<1x32x1024xf32, #tpu.memory_space<vmem>> -> memref<32x1024xf32, #tpu.memory_space<vmem>>
    %dma_start3A_27 = arith.constant 0 : i32
    %dma_start3A_28 = arith.constant 0 : i32
    %dma_start3A_29 = tpu.memref_slice %arg5[%dma_start3A_22, %add3A_21, %dma_start3A_27, %dma_start3A_28] : memref<2x256x32x1024xf32, #tpu.memory_space<hbm>> -> memref<1x1x32x1024xf32, #tpu.memory_space<hbm>>
    %dma_start3A_30 = tpu.memref_squeeze %dma_start3A_29 : memref<1x1x32x1024xf32, #tpu.memory_space<hbm>> -> memref<32x1024xf32, #tpu.memory_space<hbm>>
    %dma_start3A_31 = arith.constant 0 : i32
    %dma_start3A_32 = arith.constant 0 : i32
    %dma_start3A_33 = tpu.memref_slice %arg5[%dma_start3A_22, %add3A_21, %dma_start3A_31, %dma_start3A_32] : memref<2x256x32x1024xf32, #tpu.memory_space<hbm>> -> memref<1x1x32x1024xf32, #tpu.memory_space<hbm>>
    %dma_start3A_34 = tpu.memref_squeeze %dma_start3A_33 : memref<1x1x32x1024xf32, #tpu.memory_space<hbm>> -> memref<32x1024xf32, #tpu.memory_space<hbm>>
    %dma_start3A_35 = arith.constant 0 : i32
    %dma_start3A_36 = arith.constant 0 : i32
    %dma_start3A_37 = tpu.memref_slice %arg10[%dma_start3A, %dma_start3A_35, %dma_start3A_36] : memref<2x32x1024xf32, #tpu.memory_space<vmem>> -> memref<1x32x1024xf32, #tpu.memory_space<vmem>>
    %dma_start3A_38 = tpu.memref_squeeze %dma_start3A_37 : memref<1x32x1024xf32, #tpu.memory_space<vmem>> -> memref<32x1024xf32, #tpu.memory_space<vmem>>
    tpu.enqueue_dma source(%dma_start3A_38 : memref<32x1024xf32, #tpu.memory_space<vmem>>) target(%dma_start3A_34 : memref<32x1024xf32, #tpu.memory_space<hbm>>) target_semaphore(%arg11 : memref<!tpu.dma_semaphore, #tpu.memory_space<semaphore_mem>>)
    %dma_start3A_39 = arith.constant 0 : i32
    %dma_start3A_40 = arith.constant 1 : i32
    %dma_start3A_41 = arith.constant 0 : i32
    %dma_start3A_42 = arith.constant 0 : i32
    %dma_start3A_43 = tpu.memref_slice %arg10[%dma_start3A_39, %dma_start3A_41, %dma_start3A_42] : memref<2x32x1024xf32, #tpu.memory_space<vmem>> -> memref<1x32x1024xf32, #tpu.memory_space<vmem>>
    %dma_start3A_44 = tpu.memref_squeeze %dma_start3A_43 : memref<1x32x1024xf32, #tpu.memory_space<vmem>> -> memref<32x1024xf32, #tpu.memory_space<vmem>>
    %dma_start3A_45 = arith.constant 0 : i32
    %dma_start3A_46 = arith.constant 0 : i32
    %dma_start3A_47 = tpu.memref_slice %arg5[%dma_start3A_40, %add3A_21, %dma_start3A_45, %dma_start3A_46] : memref<2x256x32x1024xf32, #tpu.memory_space<hbm>> -> memref<1x1x32x1024xf32, #tpu.memory_space<hbm>>
    %dma_start3A_48 = tpu.memref_squeeze %dma_start3A_47 : memref<1x1x32x1024xf32, #tpu.memory_space<hbm>> -> memref<32x1024xf32, #tpu.memory_space<hbm>>
    %dma_start3A_49 = arith.constant 0 : i32
    %dma_start3A_50 = arith.constant 0 : i32
    %dma_start3A_51 = tpu.memref_slice %arg5[%dma_start3A_40, %add3A_21, %dma_start3A_49, %dma_start3A_50] : memref<2x256x32x1024xf32, #tpu.memory_space<hbm>> -> memref<1x1x32x1024xf32, #tpu.memory_space<hbm>>
    %dma_start3A_52 = tpu.memref_squeeze %dma_start3A_51 : memref<1x1x32x1024xf32, #tpu.memory_space<hbm>> -> memref<32x1024xf32, #tpu.memory_space<hbm>>
    %dma_start3A_53 = arith.constant 0 : i32
    %dma_start3A_54 = arith.constant 0 : i32
    %dma_start3A_55 = tpu.memref_slice %arg10[%dma_start3A_39, %dma_start3A_53, %dma_start3A_54] : memref<2x32x1024xf32, #tpu.memory_space<vmem>> -> memref<1x32x1024xf32, #tpu.memory_space<vmem>>
    %dma_start3A_56 = tpu.memref_squeeze %dma_start3A_55 : memref<1x32x1024xf32, #tpu.memory_space<vmem>> -> memref<32x1024xf32, #tpu.memory_space<vmem>>
    tpu.enqueue_dma source(%dma_start3A_56 : memref<32x1024xf32, #tpu.memory_space<vmem>>) target(%dma_start3A_52 : memref<32x1024xf32, #tpu.memory_space<hbm>>) target_semaphore(%arg11 : memref<!tpu.dma_semaphore, #tpu.memory_space<semaphore_mem>>)
    %get3A_57 = arith.constant 1 : i32
    %get3A_58 = arith.index_cast %get3A_57 : i32 to index
    %get3A_59 = arith.constant 0 : index
    %get3A_60 = tpu.vector_load %arg8[%get3A_58, %get3A_59] {strides = array<i32>} : memref<8x32xf32, #tpu.memory_space<vmem>>, vector<1x16xf32>,
    %get3A_61 = vector.shape_cast %get3A_60 : vector<1x16xf32> to vector<16xf32>
    %get3A_62 = arith.constant 1 : i32
    %get3A_63 = arith.index_cast %get3A_62 : i32 to index
    %get3A_64 = arith.constant 16 : index
    %get3A_65 = tpu.vector_load %arg8[%get3A_63, %get3A_64] {strides = array<i32>} : memref<8x32xf32, #tpu.memory_space<vmem>>, vector<1x16xf32>,
    %get3A_66 = vector.shape_cast %get3A_65 : vector<1x16xf32> to vector<16xf32>
    %parallel_loop3A_67 = arith.constant 0 : i32
    %parallel_loop3A_68 = arith.constant 32 : i32
    %parallel_loop3A_69 = arith.constant 1 : i32
    scf.for %parallel_loop3A_750 = %parallel_loop3A_67 to %parallel_loop3A_68 step %parallel_loop3A_69  : i32 {
      %parallel_loop3A_751 = arith.constant 16 : i32
      %parallel_loop3A_752 = arith.muli %parallel_loop3A_750, %parallel_loop3A_751 : i32
      %parallel_loop3A_753 = arith.constant 1 : i32
      %parallel_loop3A_754 = arith.index_cast %parallel_loop3A_753 : i32 to index
      %parallel_loop3A_755 = arith.index_cast %parallel_loop3A_752 : i32 to index
      %parallel_loop3A_756 = tpu.vector_load %arg7[%parallel_loop3A_754, %parallel_loop3A_755] {strides = array<i32>} : memref<8x512xf32, #tpu.memory_space<vmem>>, vector<1x16xf32>,
      %parallel_loop3A_757 = vector.shape_cast %parallel_loop3A_756 : vector<1x16xf32> to vector<16xf32>
      %parallel_loop3A_758 = arith.addf %parallel_loop3A_757, %get3A_61 : vector<16xf32>
      %parallel_loop3A_759 = arith.constant 32 : i32
      %parallel_loop3A_760 = arith.muli %parallel_loop3A_750, %parallel_loop3A_759 : i32
      %parallel_loop3A_761 = arith.index_cast %parallel_loop3A_760 : i32 to index
      %parallel_loop3A_762 = tpu.vector_load %arg9[%parallel_loop3A_761] {strides = array<i32>} : memref<1024xf32, #tpu.memory_space<vmem>>, vector<16xf32>,
      %parallel_loop3A_763 = vector.shape_cast %parallel_loop3A_762 : vector<16xf32> to vector<16xf32>
      %parallel_loop3A_764 = vector.shape_cast %parallel_loop3A_758 : vector<16xf32> to vector<16xf32>
      tpu.vector_store %arg9[%parallel_loop3A_761], %parallel_loop3A_764 {strides = array<i32>} : memref<1024xf32, #tpu.memory_space<vmem>>, vector<16xf32>,
      %parallel_loop3A_765 = arith.addf %parallel_loop3A_757, %get3A_66 : vector<16xf32>
      %parallel_loop3A_766 = arith.constant 32 : i32
      %parallel_loop3A_767 = arith.muli %parallel_loop3A_750, %parallel_loop3A_766 : i32
      %parallel_loop3A_768 = arith.constant 16 : i32
      %parallel_loop3A_769 = arith.addi %parallel_loop3A_767, %parallel_loop3A_768 : i32
      %parallel_loop3A_770 = arith.index_cast %parallel_loop3A_769 : i32 to index
      %parallel_loop3A_771 = tpu.vector_load %arg9[%parallel_loop3A_770] {strides = array<i32>} : memref<1024xf32, #tpu.memory_space<vmem>>, vector<16xf32>,
      %parallel_loop3A_772 = vector.shape_cast %parallel_loop3A_771 : vector<16xf32> to vector<16xf32>
      %parallel_loop3A_773 = vector.shape_cast %parallel_loop3A_765 : vector<16xf32> to vector<16xf32>
      tpu.vector_store %arg9[%parallel_loop3A_770], %parallel_loop3A_773 {strides = array<i32>} : memref<1024xf32, #tpu.memory_space<vmem>>, vector<16xf32>,
    } {sc.loop_unroll_factor = 4 : i64, sc.parallel_access}
    %scan3A_70 = arith.constant 0 : i32
    %scan3A_71 = arith.constant 0 : i32
    %scan3A_72 = arith.constant 32 : i32
    %scan3A_73 = arith.addi %scan3A_71, %scan3A_72 : i32
    %scan3A_74 = arith.constant 1 : i32
    %scan3A_75 = scf.for %scan3A_750 = %scan3A_71 to %scan3A_73 step %scan3A_74 iter_args(%scan3A_751 = %scan3A_70) -> (i32)  : i32 {
      %mul3A_752 = arith.constant 16 : i32
      %mul3A_753 = arith.muli %scan3A_750, %mul3A_752 : i32
      %get3A_754 = arith.constant 1 : i32
      %get3A_755 = arith.index_cast %get3A_754 : i32 to index
      %get3A_756 = arith.index_cast %mul3A_753 : i32 to index
      %get3A_757 = tpu.vector_load %arg6[%get3A_755, %get3A_756] {strides = array<i32>} : memref<8x512xf32, #tpu.memory_space<vmem>>, vector<1x16xf32>,
      %get3A_758 = vector.shape_cast %get3A_757 : vector<1x16xf32> to vector<16xf32>
      %parallel_loop3A_759 = arith.constant 0 : i32
      %parallel_loop3A_760 = arith.constant 64 : i32
      %parallel_loop3A_761 = arith.constant 1 : i32
      scf.for %parallel_loop3A_763 = %parallel_loop3A_759 to %parallel_loop3A_760 step %parallel_loop3A_761  : i32 {
        %parallel_loop3A_764 = arith.constant 16 : i32
        %parallel_loop3A_765 = arith.muli %parallel_loop3A_763, %parallel_loop3A_764 : i32
        %parallel_loop3A_766 = arith.index_cast %parallel_loop3A_765 : i32 to index
        %parallel_loop3A_767 = tpu.vector_load %arg9[%parallel_loop3A_766] {strides = array<i32>} : memref<1024xf32, #tpu.memory_space<vmem>>, vector<16xf32>,
        %parallel_loop3A_768 = vector.shape_cast %parallel_loop3A_767 : vector<16xf32> to vector<16xf32>
        %parallel_loop3A_769 = arith.addf %parallel_loop3A_768, %get3A_758 : vector<16xf32>
        %parallel_loop3A_770 = arith.constant 16 : i32
        %parallel_loop3A_771 = arith.muli %parallel_loop3A_763, %parallel_loop3A_770 : i32
        %parallel_loop3A_772 = arith.constant 1 : i32
        %parallel_loop3A_773 = arith.index_cast %parallel_loop3A_772 : i32 to index
        %parallel_loop3A_774 = arith.index_cast %scan3A_750 : i32 to index
        %parallel_loop3A_775 = arith.index_cast %parallel_loop3A_771 : i32 to index
        %parallel_loop3A_776 = tpu.vector_load %arg10[%parallel_loop3A_773, %parallel_loop3A_774, %parallel_loop3A_775] {strides = array<i32>} : memref<2x32x1024xf32, #tpu.memory_space<vmem>>, vector<1x1x16xf32>,
        %parallel_loop3A_777 = vector.shape_cast %parallel_loop3A_776 : vector<1x1x16xf32> to vector<16xf32>
        %parallel_loop3A_778 = vector.shape_cast %parallel_loop3A_769 : vector<16xf32> to vector<1x1x16xf32>
        tpu.vector_store %arg10[%parallel_loop3A_773, %parallel_loop3A_774, %parallel_loop3A_775], %parallel_loop3A_778 {strides = array<i32>} : memref<2x32x1024xf32, #tpu.memory_space<vmem>>, vector<1x1x16xf32>,
      } {sc.loop_unroll_factor = 8 : i64, sc.parallel_access}
      %scan3A_762 = arith.constant 0 : i32
      scf.yield %scan3A_762 : i32
    }
    %scan3A_76 = arith.constant 32 : i32
    %add3A_77 = arith.constant 1 : i32
    %add3A_78 = arith.addi %mul3A_2, %add3A_77 : i32
    %dma_start3A_79 = arith.constant 1 : i32
    %dma_start3A_80 = arith.constant 0 : i32
    %dma_start3A_81 = arith.constant 0 : i32
    %dma_start3A_82 = arith.constant 0 : i32
    %dma_start3A_83 = tpu.memref_slice %arg10[%dma_start3A_79, %dma_start3A_81, %dma_start3A_82] : memref<2x32x1024xf32, #tpu.memory_space<vmem>> -> memref<1x32x1024xf32, #tpu.memory_space<vmem>>
    %dma_start3A_84 = tpu.memref_squeeze %dma_start3A_83 : memref<1x32x1024xf32, #tpu.memory_space<vmem>> -> memref<32x1024xf32, #tpu.memory_space<vmem>>
    %dma_start3A_85 = arith.constant 0 : i32
    %dma_start3A_86 = arith.constant 0 : i32
    %dma_start3A_87 = tpu.memref_slice %arg5[%dma_start3A_80, %add3A_78, %dma_start3A_85, %dma_start3A_86] : memref<2x256x32x1024xf32, #tpu.memory_space<hbm>> -> memref<1x1x32x1024xf32, #tpu.memory_space<hbm>>
    %dma_start3A_88 = tpu.memref_squeeze %dma_start3A_87 : memref<1x1x32x1024xf32, #tpu.memory_space<hbm>> -> memref<32x1024xf32, #tpu.memory_space<hbm>>
    %dma_start3A_89 = arith.constant 0 : i32
    %dma_start3A_90 = arith.constant 0 : i32
    %dma_start3A_91 = tpu.memref_slice %arg5[%dma_start3A_80, %add3A_78, %dma_start3A_89, %dma_start3A_90] : memref<2x256x32x1024xf32, #tpu.memory_space<hbm>> -> memref<1x1x32x1024xf32, #tpu.memory_space<hbm>>
    %dma_start3A_92 = tpu.memref_squeeze %dma_start3A_91 : memref<1x1x32x1024xf32, #tpu.memory_space<hbm>> -> memref<32x1024xf32, #tpu.memory_space<hbm>>
    %dma_start3A_93 = arith.constant 0 : i32
    %dma_start3A_94 = arith.constant 0 : i32
    %dma_start3A_95 = tpu.memref_slice %arg10[%dma_start3A_79, %dma_start3A_93, %dma_start3A_94] : memref<2x32x1024xf32, #tpu.memory_space<vmem>> -> memref<1x32x1024xf32, #tpu.memory_space<vmem>>
    %dma_start3A_96 = tpu.memref_squeeze %dma_start3A_95 : memref<1x32x1024xf32, #tpu.memory_space<vmem>> -> memref<32x1024xf32, #tpu.memory_space<vmem>>
    tpu.enqueue_dma source(%dma_start3A_96 : memref<32x1024xf32, #tpu.memory_space<vmem>>) target(%dma_start3A_92 : memref<32x1024xf32, #tpu.memory_space<hbm>>) target_semaphore(%arg12 : memref<!tpu.dma_semaphore, #tpu.memory_space<semaphore_mem>>)
    %dma_start3A_97 = arith.constant 1 : i32
    %dma_start3A_98 = arith.constant 1 : i32
    %dma_start3A_99 = arith.constant 0 : i32
    %dma_start3A_100 = arith.constant 0 : i32
    %dma_start3A_101 = tpu.memref_slice %arg10[%dma_start3A_97, %dma_start3A_99, %dma_start3A_100] : memref<2x32x1024xf32, #tpu.memory_space<vmem>> -> memref<1x32x1024xf32, #tpu.memory_space<vmem>>
    %dma_start3A_102 = tpu.memref_squeeze %dma_start3A_101 : memref<1x32x1024xf32, #tpu.memory_space<vmem>> -> memref<32x1024xf32, #tpu.memory_space<vmem>>
    %dma_start3A_103 = arith.constant 0 : i32
    %dma_start3A_104 = arith.constant 0 : i32
    %dma_start3A_105 = tpu.memref_slice %arg5[%dma_start3A_98, %add3A_78, %dma_start3A_103, %dma_start3A_104] : memref<2x256x32x1024xf32, #tpu.memory_space<hbm>> -> memref<1x1x32x1024xf32, #tpu.memory_space<hbm>>
    %dma_start3A_106 = tpu.memref_squeeze %dma_start3A_105 : memref<1x1x32x1024xf32, #tpu.memory_space<hbm>> -> memref<32x1024xf32, #tpu.memory_space<hbm>>
    %dma_start3A_107 = arith.constant 0 : i32
    %dma_start3A_108 = arith.constant 0 : i32
    %dma_start3A_109 = tpu.memref_slice %arg5[%dma_start3A_98, %add3A_78, %dma_start3A_107, %dma_start3A_108] : memref<2x256x32x1024xf32, #tpu.memory_space<hbm>> -> memref<1x1x32x1024xf32, #tpu.memory_space<hbm>>
    %dma_start3A_110 = tpu.memref_squeeze %dma_start3A_109 : memref<1x1x32x1024xf32, #tpu.memory_space<hbm>> -> memref<32x1024xf32, #tpu.memory_space<hbm>>
    %dma_start3A_111 = arith.constant 0 : i32
    %dma_start3A_112 = arith.constant 0 : i32
    %dma_start3A_113 = tpu.memref_slice %arg10[%dma_start3A_97, %dma_start3A_111, %dma_start3A_112] : memref<2x32x1024xf32, #tpu.memory_space<vmem>> -> memref<1x32x1024xf32, #tpu.memory_space<vmem>>
    %dma_start3A_114 = tpu.memref_squeeze %dma_start3A_113 : memref<1x32x1024xf32, #tpu.memory_space<vmem>> -> memref<32x1024xf32, #tpu.memory_space<vmem>>
    tpu.enqueue_dma source(%dma_start3A_114 : memref<32x1024xf32, #tpu.memory_space<vmem>>) target(%dma_start3A_110 : memref<32x1024xf32, #tpu.memory_space<hbm>>) target_semaphore(%arg12 : memref<!tpu.dma_semaphore, #tpu.memory_space<semaphore_mem>>)
    %get3A_115 = arith.constant 2 : i32
    %get3A_116 = arith.index_cast %get3A_115 : i32 to index
    %get3A_117 = arith.constant 0 : index
    %get3A_118 = tpu.vector_load %arg8[%get3A_116, %get3A_117] {strides = array<i32>} : memref<8x32xf32, #tpu.memory_space<vmem>>, vector<1x16xf32>,
    %get3A_119 = vector.shape_cast %get3A_118 : vector<1x16xf32> to vector<16xf32>
    %get3A_120 = arith.constant 2 : i32
    %get3A_121 = arith.index_cast %get3A_120 : i32 to index
    %get3A_122 = arith.constant 16 : index
    %get3A_123 = tpu.vector_load %arg8[%get3A_121, %get3A_122] {strides = array<i32>} : memref<8x32xf32, #tpu.memory_space<vmem>>, vector<1x16xf32>,
    %get3A_124 = vector.shape_cast %get3A_123 : vector<1x16xf32> to vector<16xf32>
    %parallel_loop3A_125 = arith.constant 0 : i32
    %parallel_loop3A_126 = arith.constant 32 : i32
    %parallel_loop3A_127 = arith.constant 1 : i32
    scf.for %parallel_loop3A_750 = %parallel_loop3A_125 to %parallel_loop3A_126 step %parallel_loop3A_127  : i32 {
      %parallel_loop3A_751 = arith.constant 16 : i32
      %parallel_loop3A_752 = arith.muli %parallel_loop3A_750, %parallel_loop3A_751 : i32
      %parallel_loop3A_753 = arith.constant 2 : i32
      %parallel_loop3A_754 = arith.index_cast %parallel_loop3A_753 : i32 to index
      %parallel_loop3A_755 = arith.index_cast %parallel_loop3A_752 : i32 to index
      %parallel_loop3A_756 = tpu.vector_load %arg7[%parallel_loop3A_754, %parallel_loop3A_755] {strides = array<i32>} : memref<8x512xf32, #tpu.memory_space<vmem>>, vector<1x16xf32>,
      %parallel_loop3A_757 = vector.shape_cast %parallel_loop3A_756 : vector<1x16xf32> to vector<16xf32>
      %parallel_loop3A_758 = arith.addf %parallel_loop3A_757, %get3A_119 : vector<16xf32>
      %parallel_loop3A_759 = arith.constant 32 : i32
      %parallel_loop3A_760 = arith.muli %parallel_loop3A_750, %parallel_loop3A_759 : i32
      %parallel_loop3A_761 = arith.index_cast %parallel_loop3A_760 : i32 to index
      %parallel_loop3A_762 = tpu.vector_load %arg9[%parallel_loop3A_761] {strides = array<i32>} : memref<1024xf32, #tpu.memory_space<vmem>>, vector<16xf32>,
      %parallel_loop3A_763 = vector.shape_cast %parallel_loop3A_762 : vector<16xf32> to vector<16xf32>
      %parallel_loop3A_764 = vector.shape_cast %parallel_loop3A_758 : vector<16xf32> to vector<16xf32>
      tpu.vector_store %arg9[%parallel_loop3A_761], %parallel_loop3A_764 {strides = array<i32>} : memref<1024xf32, #tpu.memory_space<vmem>>, vector<16xf32>,
      %parallel_loop3A_765 = arith.addf %parallel_loop3A_757, %get3A_124 : vector<16xf32>
      %parallel_loop3A_766 = arith.constant 32 : i32
      %parallel_loop3A_767 = arith.muli %parallel_loop3A_750, %parallel_loop3A_766 : i32
      %parallel_loop3A_768 = arith.constant 16 : i32
      %parallel_loop3A_769 = arith.addi %parallel_loop3A_767, %parallel_loop3A_768 : i32
      %parallel_loop3A_770 = arith.index_cast %parallel_loop3A_769 : i32 to index
      %parallel_loop3A_771 = tpu.vector_load %arg9[%parallel_loop3A_770] {strides = array<i32>} : memref<1024xf32, #tpu.memory_space<vmem>>, vector<16xf32>,
      %parallel_loop3A_772 = vector.shape_cast %parallel_loop3A_771 : vector<16xf32> to vector<16xf32>
      %parallel_loop3A_773 = vector.shape_cast %parallel_loop3A_765 : vector<16xf32> to vector<16xf32>
      tpu.vector_store %arg9[%parallel_loop3A_770], %parallel_loop3A_773 {strides = array<i32>} : memref<1024xf32, #tpu.memory_space<vmem>>, vector<16xf32>,
    } {sc.loop_unroll_factor = 4 : i64, sc.parallel_access}
    %dma_wait3A = arith.constant 0 : i32
    %dma_wait3A_128 = arith.constant 0 : i32
    %dma_wait3A_129 = arith.constant 0 : i32
    %dma_wait3A_130 = arith.constant 0 : i32
    %dma_wait3A_131 = tpu.memref_slice %arg10[%dma_wait3A, %dma_wait3A_129, %dma_wait3A_130] : memref<2x32x1024xf32, #tpu.memory_space<vmem>> -> memref<1x32x1024xf32, #tpu.memory_space<vmem>>
    %dma_wait3A_132 = tpu.memref_squeeze %dma_wait3A_131 : memref<1x32x1024xf32, #tpu.memory_space<vmem>> -> memref<32x1024xf32, #tpu.memory_space<vmem>>
    %dma_wait3A_133 = arith.constant 0 : i32
    %dma_wait3A_134 = arith.constant 0 : i32
    %dma_wait3A_135 = tpu.memref_slice %arg5[%dma_wait3A_128, %add3A_21, %dma_wait3A_133, %dma_wait3A_134] : memref<2x256x32x1024xf32, #tpu.memory_space<hbm>> -> memref<1x1x32x1024xf32, #tpu.memory_space<hbm>>
    %dma_wait3A_136 = tpu.memref_squeeze %dma_wait3A_135 : memref<1x1x32x1024xf32, #tpu.memory_space<hbm>> -> memref<32x1024xf32, #tpu.memory_space<hbm>>
    %dma_wait3A_137 = arith.constant 0 : i32
    %dma_wait3A_138 = arith.constant 0 : i32
    %dma_wait3A_139 = tpu.memref_slice %arg5[%dma_wait3A_128, %add3A_21, %dma_wait3A_137, %dma_wait3A_138] : memref<2x256x32x1024xf32, #tpu.memory_space<hbm>> -> memref<1x1x32x1024xf32, #tpu.memory_space<hbm>>
    %dma_wait3A_140 = tpu.memref_squeeze %dma_wait3A_139 : memref<1x1x32x1024xf32, #tpu.memory_space<hbm>> -> memref<32x1024xf32, #tpu.memory_space<hbm>>
    %dma_wait3A_141 = arith.constant 0 : i32
    %dma_wait3A_142 = arith.constant 0 : i32
    %dma_wait3A_143 = tpu.memref_slice %arg10[%dma_wait3A, %dma_wait3A_141, %dma_wait3A_142] : memref<2x32x1024xf32, #tpu.memory_space<vmem>> -> memref<1x32x1024xf32, #tpu.memory_space<vmem>>
    %dma_wait3A_144 = tpu.memref_squeeze %dma_wait3A_143 : memref<1x32x1024xf32, #tpu.memory_space<vmem>> -> memref<32x1024xf32, #tpu.memory_space<vmem>>
    tpu.wait_dma2 semaphore(%arg11 : memref<!tpu.dma_semaphore, #tpu.memory_space<semaphore_mem>>) src(%dma_wait3A_144 : memref<32x1024xf32, #tpu.memory_space<vmem>>) dst(%dma_wait3A_140 : memref<32x1024xf32, #tpu.memory_space<hbm>>)
    %dma_wait3A_145 = arith.constant 0 : i32
    %dma_wait3A_146 = arith.constant 1 : i32
    %dma_wait3A_147 = arith.constant 0 : i32
    %dma_wait3A_148 = arith.constant 0 : i32
    %dma_wait3A_149 = tpu.memref_slice %arg10[%dma_wait3A_145, %dma_wait3A_147, %dma_wait3A_148] : memref<2x32x1024xf32, #tpu.memory_space<vmem>> -> memref<1x32x1024xf32, #tpu.memory_space<vmem>>
    %dma_wait3A_150 = tpu.memref_squeeze %dma_wait3A_149 : memref<1x32x1024xf32, #tpu.memory_space<vmem>> -> memref<32x1024xf32, #tpu.memory_space<vmem>>
    %dma_wait3A_151 = arith.constant 0 : i32
    %dma_wait3A_152 = arith.constant 0 : i32
    %dma_wait3A_153 = tpu.memref_slice %arg5[%dma_wait3A_146, %add3A_21, %dma_wait3A_151, %dma_wait3A_152] : memref<2x256x32x1024xf32, #tpu.memory_space<hbm>> -> memref<1x1x32x1024xf32, #tpu.memory_space<hbm>>
    %dma_wait3A_154 = tpu.memref_squeeze %dma_wait3A_153 : memref<1x1x32x1024xf32, #tpu.memory_space<hbm>> -> memref<32x1024xf32, #tpu.memory_space<hbm>>
    %dma_wait3A_155 = arith.constant 0 : i32
    %dma_wait3A_156 = arith.constant 0 : i32
    %dma_wait3A_157 = tpu.memref_slice %arg5[%dma_wait3A_146, %add3A_21, %dma_wait3A_155, %dma_wait3A_156] : memref<2x256x32x1024xf32, #tpu.memory_space<hbm>> -> memref<1x1x32x1024xf32, #tpu.memory_space<hbm>>
    %dma_wait3A_158 = tpu.memref_squeeze %dma_wait3A_157 : memref<1x1x32x1024xf32, #tpu.memory_space<hbm>> -> memref<32x1024xf32, #tpu.memory_space<hbm>>
    %dma_wait3A_159 = arith.constant 0 : i32
    %dma_wait3A_160 = arith.constant 0 : i32
    %dma_wait3A_161 = tpu.memref_slice %arg10[%dma_wait3A_145, %dma_wait3A_159, %dma_wait3A_160] : memref<2x32x1024xf32, #tpu.memory_space<vmem>> -> memref<1x32x1024xf32, #tpu.memory_space<vmem>>
    %dma_wait3A_162 = tpu.memref_squeeze %dma_wait3A_161 : memref<1x32x1024xf32, #tpu.memory_space<vmem>> -> memref<32x1024xf32, #tpu.memory_space<vmem>>
    tpu.wait_dma2 semaphore(%arg11 : memref<!tpu.dma_semaphore, #tpu.memory_space<semaphore_mem>>) src(%dma_wait3A_162 : memref<32x1024xf32, #tpu.memory_space<vmem>>) dst(%dma_wait3A_158 : memref<32x1024xf32, #tpu.memory_space<hbm>>)
    %scan3A_163 = arith.constant 0 : i32
    %scan3A_164 = arith.constant 0 : i32
    %scan3A_165 = arith.constant 32 : i32
    %scan3A_166 = arith.addi %scan3A_164, %scan3A_165 : i32
    %scan3A_167 = arith.constant 1 : i32
    %scan3A_168 = scf.for %scan3A_750 = %scan3A_164 to %scan3A_166 step %scan3A_167 iter_args(%scan3A_751 = %scan3A_163) -> (i32)  : i32 {
      %mul3A_752 = arith.constant 16 : i32
      %mul3A_753 = arith.muli %scan3A_750, %mul3A_752 : i32
      %get3A_754 = arith.constant 2 : i32
      %get3A_755 = arith.index_cast %get3A_754 : i32 to index
      %get3A_756 = arith.index_cast %mul3A_753 : i32 to index
      %get3A_757 = tpu.vector_load %arg6[%get3A_755, %get3A_756] {strides = array<i32>} : memref<8x512xf32, #tpu.memory_space<vmem>>, vector<1x16xf32>,
      %get3A_758 = vector.shape_cast %get3A_757 : vector<1x16xf32> to vector<16xf32>
      %parallel_loop3A_759 = arith.constant 0 : i32
      %parallel_loop3A_760 = arith.constant 64 : i32
      %parallel_loop3A_761 = arith.constant 1 : i32
      scf.for %parallel_loop3A_763 = %parallel_loop3A_759 to %parallel_loop3A_760 step %parallel_loop3A_761  : i32 {
        %parallel_loop3A_764 = arith.constant 16 : i32
        %parallel_loop3A_765 = arith.muli %parallel_loop3A_763, %parallel_loop3A_764 : i32
        %parallel_loop3A_766 = arith.index_cast %parallel_loop3A_765 : i32 to index
        %parallel_loop3A_767 = tpu.vector_load %arg9[%parallel_loop3A_766] {strides = array<i32>} : memref<1024xf32, #tpu.memory_space<vmem>>, vector<16xf32>,
        %parallel_loop3A_768 = vector.shape_cast %parallel_loop3A_767 : vector<16xf32> to vector<16xf32>
        %parallel_loop3A_769 = arith.addf %parallel_loop3A_768, %get3A_758 : vector<16xf32>
        %parallel_loop3A_770 = arith.constant 16 : i32
        %parallel_loop3A_771 = arith.muli %parallel_loop3A_763, %parallel_loop3A_770 : i32
        %parallel_loop3A_772 = arith.constant 0 : i32
        %parallel_loop3A_773 = arith.index_cast %parallel_loop3A_772 : i32 to index
        %parallel_loop3A_774 = arith.index_cast %scan3A_750 : i32 to index
        %parallel_loop3A_775 = arith.index_cast %parallel_loop3A_771 : i32 to index
        %parallel_loop3A_776 = tpu.vector_load %arg10[%parallel_loop3A_773, %parallel_loop3A_774, %parallel_loop3A_775] {strides = array<i32>} : memref<2x32x1024xf32, #tpu.memory_space<vmem>>, vector<1x1x16xf32>,
        %parallel_loop3A_777 = vector.shape_cast %parallel_loop3A_776 : vector<1x1x16xf32> to vector<16xf32>
        %parallel_loop3A_778 = vector.shape_cast %parallel_loop3A_769 : vector<16xf32> to vector<1x1x16xf32>
        tpu.vector_store %arg10[%parallel_loop3A_773, %parallel_loop3A_774, %parallel_loop3A_775], %parallel_loop3A_778 {strides = array<i32>} : memref<2x32x1024xf32, #tpu.memory_space<vmem>>, vector<1x1x16xf32>,
      } {sc.loop_unroll_factor = 8 : i64, sc.parallel_access}
      %scan3A_762 = arith.constant 0 : i32
      scf.yield %scan3A_762 : i32
    }
    %scan3A_169 = arith.constant 32 : i32
    %add3A_170 = arith.constant 2 : i32
    %add3A_171 = arith.addi %mul3A_2, %add3A_170 : i32
    %dma_start3A_172 = arith.constant 0 : i32
    %dma_start3A_173 = arith.constant 0 : i32
    %dma_start3A_174 = arith.constant 0 : i32
    %dma_start3A_175 = arith.constant 0 : i32
    %dma_start3A_176 = tpu.memref_slice %arg10[%dma_start3A_172, %dma_start3A_174, %dma_start3A_175] : memref<2x32x1024xf32, #tpu.memory_space<vmem>> -> memref<1x32x1024xf32, #tpu.memory_space<vmem>>
    %dma_start3A_177 = tpu.memref_squeeze %dma_start3A_176 : memref<1x32x1024xf32, #tpu.memory_space<vmem>> -> memref<32x1024xf32, #tpu.memory_space<vmem>>
    %dma_start3A_178 = arith.constant 0 : i32
    %dma_start3A_179 = arith.constant 0 : i32
    %dma_start3A_180 = tpu.memref_slice %arg5[%dma_start3A_173, %add3A_171, %dma_start3A_178, %dma_start3A_179] : memref<2x256x32x1024xf32, #tpu.memory_space<hbm>> -> memref<1x1x32x1024xf32, #tpu.memory_space<hbm>>
    %dma_start3A_181 = tpu.memref_squeeze %dma_start3A_180 : memref<1x1x32x1024xf32, #tpu.memory_space<hbm>> -> memref<32x1024xf32, #tpu.memory_space<hbm>>
    %dma_start3A_182 = arith.constant 0 : i32
    %dma_start3A_183 = arith.constant 0 : i32
    %dma_start3A_184 = tpu.memref_slice %arg5[%dma_start3A_173, %add3A_171, %dma_start3A_182, %dma_start3A_183] : memref<2x256x32x1024xf32, #tpu.memory_space<hbm>> -> memref<1x1x32x1024xf32, #tpu.memory_space<hbm>>
    %dma_start3A_185 = tpu.memref_squeeze %dma_start3A_184 : memref<1x1x32x1024xf32, #tpu.memory_space<hbm>> -> memref<32x1024xf32, #tpu.memory_space<hbm>>
    %dma_start3A_186 = arith.constant 0 : i32
    %dma_start3A_187 = arith.constant 0 : i32
    %dma_start3A_188 = tpu.memref_slice %arg10[%dma_start3A_172, %dma_start3A_186, %dma_start3A_187] : memref<2x32x1024xf32, #tpu.memory_space<vmem>> -> memref<1x32x1024xf32, #tpu.memory_space<vmem>>
    %dma_start3A_189 = tpu.memref_squeeze %dma_start3A_188 : memref<1x32x1024xf32, #tpu.memory_space<vmem>> -> memref<32x1024xf32, #tpu.memory_space<vmem>>
    tpu.enqueue_dma source(%dma_start3A_189 : memref<32x1024xf32, #tpu.memory_space<vmem>>) target(%dma_start3A_185 : memref<32x1024xf32, #tpu.memory_space<hbm>>) target_semaphore(%arg11 : memref<!tpu.dma_semaphore, #tpu.memory_space<semaphore_mem>>)
    %dma_start3A_190 = arith.constant 0 : i32
    %dma_start3A_191 = arith.constant 1 : i32
    %dma_start3A_192 = arith.constant 0 : i32
    %dma_start3A_193 = arith.constant 0 : i32
    %dma_start3A_194 = tpu.memref_slice %arg10[%dma_start3A_190, %dma_start3A_192, %dma_start3A_193] : memref<2x32x1024xf32, #tpu.memory_space<vmem>> -> memref<1x32x1024xf32, #tpu.memory_space<vmem>>
    %dma_start3A_195 = tpu.memref_squeeze %dma_start3A_194 : memref<1x32x1024xf32, #tpu.memory_space<vmem>> -> memref<32x1024xf32, #tpu.memory_space<vmem>>
    %dma_start3A_196 = arith.constant 0 : i32
    %dma_start3A_197 = arith.constant 0 : i32
    %dma_start3A_198 = tpu.memref_slice %arg5[%dma_start3A_191, %add3A_171, %dma_start3A_196, %dma_start3A_197] : memref<2x256x32x1024xf32, #tpu.memory_space<hbm>> -> memref<1x1x32x1024xf32, #tpu.memory_space<hbm>>
    %dma_start3A_199 = tpu.memref_squeeze %dma_start3A_198 : memref<1x1x32x1024xf32, #tpu.memory_space<hbm>> -> memref<32x1024xf32, #tpu.memory_space<hbm>>
    %dma_start3A_200 = arith.constant 0 : i32
    %dma_start3A_201 = arith.constant 0 : i32
    %dma_start3A_202 = tpu.memref_slice %arg5[%dma_start3A_191, %add3A_171, %dma_start3A_200, %dma_start3A_201] : memref<2x256x32x1024xf32, #tpu.memory_space<hbm>> -> memref<1x1x32x1024xf32, #tpu.memory_space<hbm>>
    %dma_start3A_203 = tpu.memref_squeeze %dma_start3A_202 : memref<1x1x32x1024xf32, #tpu.memory_space<hbm>> -> memref<32x1024xf32, #tpu.memory_space<hbm>>
    %dma_start3A_204 = arith.constant 0 : i32
    %dma_start3A_205 = arith.constant 0 : i32
    %dma_start3A_206 = tpu.memref_slice %arg10[%dma_start3A_190, %dma_start3A_204, %dma_start3A_205] : memref<2x32x1024xf32, #tpu.memory_space<vmem>> -> memref<1x32x1024xf32, #tpu.memory_space<vmem>>
    %dma_start3A_207 = tpu.memref_squeeze %dma_start3A_206 : memref<1x32x1024xf32, #tpu.memory_space<vmem>> -> memref<32x1024xf32, #tpu.memory_space<vmem>>
    tpu.enqueue_dma source(%dma_start3A_207 : memref<32x1024xf32, #tpu.memory_space<vmem>>) target(%dma_start3A_203 : memref<32x1024xf32, #tpu.memory_space<hbm>>) target_semaphore(%arg11 : memref<!tpu.dma_semaphore, #tpu.memory_space<semaphore_mem>>)
    %get3A_208 = arith.constant 3 : i32
    %get3A_209 = arith.index_cast %get3A_208 : i32 to index
    %get3A_210 = arith.constant 0 : index
    %get3A_211 = tpu.vector_load %arg8[%get3A_209, %get3A_210] {strides = array<i32>} : memref<8x32xf32, #tpu.memory_space<vmem>>, vector<1x16xf32>,
    %get3A_212 = vector.shape_cast %get3A_211 : vector<1x16xf32> to vector<16xf32>
    %get3A_213 = arith.constant 3 : i32
    %get3A_214 = arith.index_cast %get3A_213 : i32 to index
    %get3A_215 = arith.constant 16 : index
    %get3A_216 = tpu.vector_load %arg8[%get3A_214, %get3A_215] {strides = array<i32>} : memref<8x32xf32, #tpu.memory_space<vmem>>, vector<1x16xf32>,
    %get3A_217 = vector.shape_cast %get3A_216 : vector<1x16xf32> to vector<16xf32>
    %parallel_loop3A_218 = arith.constant 0 : i32
    %parallel_loop3A_219 = arith.constant 32 : i32
    %parallel_loop3A_220 = arith.constant 1 : i32
    scf.for %parallel_loop3A_750 = %parallel_loop3A_218 to %parallel_loop3A_219 step %parallel_loop3A_220  : i32 {
      %parallel_loop3A_751 = arith.constant 16 : i32
      %parallel_loop3A_752 = arith.muli %parallel_loop3A_750, %parallel_loop3A_751 : i32
      %parallel_loop3A_753 = arith.constant 3 : i32
      %parallel_loop3A_754 = arith.index_cast %parallel_loop3A_753 : i32 to index
      %parallel_loop3A_755 = arith.index_cast %parallel_loop3A_752 : i32 to index
      %parallel_loop3A_756 = tpu.vector_load %arg7[%parallel_loop3A_754, %parallel_loop3A_755] {strides = array<i32>} : memref<8x512xf32, #tpu.memory_space<vmem>>, vector<1x16xf32>,
      %parallel_loop3A_757 = vector.shape_cast %parallel_loop3A_756 : vector<1x16xf32> to vector<16xf32>
      %parallel_loop3A_758 = arith.addf %parallel_loop3A_757, %get3A_212 : vector<16xf32>
      %parallel_loop3A_759 = arith.constant 32 : i32
      %parallel_loop3A_760 = arith.muli %parallel_loop3A_750, %parallel_loop3A_759 : i32
      %parallel_loop3A_761 = arith.index_cast %parallel_loop3A_760 : i32 to index
      %parallel_loop3A_762 = tpu.vector_load %arg9[%parallel_loop3A_761] {strides = array<i32>} : memref<1024xf32, #tpu.memory_space<vmem>>, vector<16xf32>,
      %parallel_loop3A_763 = vector.shape_cast %parallel_loop3A_762 : vector<16xf32> to vector<16xf32>
      %parallel_loop3A_764 = vector.shape_cast %parallel_loop3A_758 : vector<16xf32> to vector<16xf32>
      tpu.vector_store %arg9[%parallel_loop3A_761], %parallel_loop3A_764 {strides = array<i32>} : memref<1024xf32, #tpu.memory_space<vmem>>, vector<16xf32>,
      %parallel_loop3A_765 = arith.addf %parallel_loop3A_757, %get3A_217 : vector<16xf32>
      %parallel_loop3A_766 = arith.constant 32 : i32
      %parallel_loop3A_767 = arith.muli %parallel_loop3A_750, %parallel_loop3A_766 : i32
      %parallel_loop3A_768 = arith.constant 16 : i32
      %parallel_loop3A_769 = arith.addi %parallel_loop3A_767, %parallel_loop3A_768 : i32
      %parallel_loop3A_770 = arith.index_cast %parallel_loop3A_769 : i32 to index
      %parallel_loop3A_771 = tpu.vector_load %arg9[%parallel_loop3A_770] {strides = array<i32>} : memref<1024xf32, #tpu.memory_space<vmem>>, vector<16xf32>,
      %parallel_loop3A_772 = vector.shape_cast %parallel_loop3A_771 : vector<16xf32> to vector<16xf32>
      %parallel_loop3A_773 = vector.shape_cast %parallel_loop3A_765 : vector<16xf32> to vector<16xf32>
      tpu.vector_store %arg9[%parallel_loop3A_770], %parallel_loop3A_773 {strides = array<i32>} : memref<1024xf32, #tpu.memory_space<vmem>>, vector<16xf32>,
    } {sc.loop_unroll_factor = 4 : i64, sc.parallel_access}
    %dma_wait3A_221 = arith.constant 1 : i32
    %dma_wait3A_222 = arith.constant 0 : i32
    %dma_wait3A_223 = arith.constant 0 : i32
    %dma_wait3A_224 = arith.constant 0 : i32
    %dma_wait3A_225 = tpu.memref_slice %arg10[%dma_wait3A_221, %dma_wait3A_223, %dma_wait3A_224] : memref<2x32x1024xf32, #tpu.memory_space<vmem>> -> memref<1x32x1024xf32, #tpu.memory_space<vmem>>
    %dma_wait3A_226 = tpu.memref_squeeze %dma_wait3A_225 : memref<1x32x1024xf32, #tpu.memory_space<vmem>> -> memref<32x1024xf32, #tpu.memory_space<vmem>>
    %dma_wait3A_227 = arith.constant 0 : i32
    %dma_wait3A_228 = arith.constant 0 : i32
    %dma_wait3A_229 = tpu.memref_slice %arg5[%dma_wait3A_222, %add3A_78, %dma_wait3A_227, %dma_wait3A_228] : memref<2x256x32x1024xf32, #tpu.memory_space<hbm>> -> memref<1x1x32x1024xf32, #tpu.memory_space<hbm>>
    %dma_wait3A_230 = tpu.memref_squeeze %dma_wait3A_229 : memref<1x1x32x1024xf32, #tpu.memory_space<hbm>> -> memref<32x1024xf32, #tpu.memory_space<hbm>>
    %dma_wait3A_231 = arith.constant 0 : i32
    %dma_wait3A_232 = arith.constant 0 : i32
    %dma_wait3A_233 = tpu.memref_slice %arg5[%dma_wait3A_222, %add3A_78, %dma_wait3A_231, %dma_wait3A_232] : memref<2x256x32x1024xf32, #tpu.memory_space<hbm>> -> memref<1x1x32x1024xf32, #tpu.memory_space<hbm>>
    %dma_wait3A_234 = tpu.memref_squeeze %dma_wait3A_233 : memref<1x1x32x1024xf32, #tpu.memory_space<hbm>> -> memref<32x1024xf32, #tpu.memory_space<hbm>>
    %dma_wait3A_235 = arith.constant 0 : i32
    %dma_wait3A_236 = arith.constant 0 : i32
    %dma_wait3A_237 = tpu.memref_slice %arg10[%dma_wait3A_221, %dma_wait3A_235, %dma_wait3A_236] : memref<2x32x1024xf32, #tpu.memory_space<vmem>> -> memref<1x32x1024xf32, #tpu.memory_space<vmem>>
    %dma_wait3A_238 = tpu.memref_squeeze %dma_wait3A_237 : memref<1x32x1024xf32, #tpu.memory_space<vmem>> -> memref<32x1024xf32, #tpu.memory_space<vmem>>
    tpu.wait_dma2 semaphore(%arg12 : memref<!tpu.dma_semaphore, #tpu.memory_space<semaphore_mem>>) src(%dma_wait3A_238 : memref<32x1024xf32, #tpu.memory_space<vmem>>) dst(%dma_wait3A_234 : memref<32x1024xf32, #tpu.memory_space<hbm>>)
    %dma_wait3A_239 = arith.constant 1 : i32
    %dma_wait3A_240 = arith.constant 1 : i32
    %dma_wait3A_241 = arith.constant 0 : i32
    %dma_wait3A_242 = arith.constant 0 : i32
    %dma_wait3A_243 = tpu.memref_slice %arg10[%dma_wait3A_239, %dma_wait3A_241, %dma_wait3A_242] : memref<2x32x1024xf32, #tpu.memory_space<vmem>> -> memref<1x32x1024xf32, #tpu.memory_space<vmem>>
    %dma_wait3A_244 = tpu.memref_squeeze %dma_wait3A_243 : memref<1x32x1024xf32, #tpu.memory_space<vmem>> -> memref<32x1024xf32, #tpu.memory_space<vmem>>
    %dma_wait3A_245 = arith.constant 0 : i32
    %dma_wait3A_246 = arith.constant 0 : i32
    %dma_wait3A_247 = tpu.memref_slice %arg5[%dma_wait3A_240, %add3A_78, %dma_wait3A_245, %dma_wait3A_246] : memref<2x256x32x1024xf32, #tpu.memory_space<hbm>> -> memref<1x1x32x1024xf32, #tpu.memory_space<hbm>>
    %dma_wait3A_248 = tpu.memref_squeeze %dma_wait3A_247 : memref<1x1x32x1024xf32, #tpu.memory_space<hbm>> -> memref<32x1024xf32, #tpu.memory_space<hbm>>
    %dma_wait3A_249 = arith.constant 0 : i32
    %dma_wait3A_250 = arith.constant 0 : i32
    %dma_wait3A_251 = tpu.memref_slice %arg5[%dma_wait3A_240, %add3A_78, %dma_wait3A_249, %dma_wait3A_250] : memref<2x256x32x1024xf32, #tpu.memory_space<hbm>> -> memref<1x1x32x1024xf32, #tpu.memory_space<hbm>>
    %dma_wait3A_252 = tpu.memref_squeeze %dma_wait3A_251 : memref<1x1x32x1024xf32, #tpu.memory_space<hbm>> -> memref<32x1024xf32, #tpu.memory_space<hbm>>
    %dma_wait3A_253 = arith.constant 0 : i32
    %dma_wait3A_254 = arith.constant 0 : i32
    %dma_wait3A_255 = tpu.memref_slice %arg10[%dma_wait3A_239, %dma_wait3A_253, %dma_wait3A_254] : memref<2x32x1024xf32, #tpu.memory_space<vmem>> -> memref<1x32x1024xf32, #tpu.memory_space<vmem>>
    %dma_wait3A_256 = tpu.memref_squeeze %dma_wait3A_255 : memref<1x32x1024xf32, #tpu.memory_space<vmem>> -> memref<32x1024xf32, #tpu.memory_space<vmem>>
    tpu.wait_dma2 semaphore(%arg12 : memref<!tpu.dma_semaphore, #tpu.memory_space<semaphore_mem>>) src(%dma_wait3A_256 : memref<32x1024xf32, #tpu.memory_space<vmem>>) dst(%dma_wait3A_252 : memref<32x1024xf32, #tpu.memory_space<hbm>>)
    %scan3A_257 = arith.constant 0 : i32
    %scan3A_258 = arith.constant 0 : i32
    %scan3A_259 = arith.constant 32 : i32
    %scan3A_260 = arith.addi %scan3A_258, %scan3A_259 : i32
    %scan3A_261 = arith.constant 1 : i32
    %scan3A_262 = scf.for %scan3A_750 = %scan3A_258 to %scan3A_260 step %scan3A_261 iter_args(%scan3A_751 = %scan3A_257) -> (i32)  : i32 {
      %mul3A_752 = arith.constant 16 : i32
      %mul3A_753 = arith.muli %scan3A_750, %mul3A_752 : i32
      %get3A_754 = arith.constant 3 : i32
      %get3A_755 = arith.index_cast %get3A_754 : i32 to index
      %get3A_756 = arith.index_cast %mul3A_753 : i32 to index
      %get3A_757 = tpu.vector_load %arg6[%get3A_755, %get3A_756] {strides = array<i32>} : memref<8x512xf32, #tpu.memory_space<vmem>>, vector<1x16xf32>,
      %get3A_758 = vector.shape_cast %get3A_757 : vector<1x16xf32> to vector<16xf32>
      %parallel_loop3A_759 = arith.constant 0 : i32
      %parallel_loop3A_760 = arith.constant 64 : i32
      %parallel_loop3A_761 = arith.constant 1 : i32
      scf.for %parallel_loop3A_763 = %parallel_loop3A_759 to %parallel_loop3A_760 step %parallel_loop3A_761  : i32 {
        %parallel_loop3A_764 = arith.constant 16 : i32
        %parallel_loop3A_765 = arith.muli %parallel_loop3A_763, %parallel_loop3A_764 : i32
        %parallel_loop3A_766 = arith.index_cast %parallel_loop3A_765 : i32 to index
        %parallel_loop3A_767 = tpu.vector_load %arg9[%parallel_loop3A_766] {strides = array<i32>} : memref<1024xf32, #tpu.memory_space<vmem>>, vector<16xf32>,
        %parallel_loop3A_768 = vector.shape_cast %parallel_loop3A_767 : vector<16xf32> to vector<16xf32>
        %parallel_loop3A_769 = arith.addf %parallel_loop3A_768, %get3A_758 : vector<16xf32>
        %parallel_loop3A_770 = arith.constant 16 : i32
        %parallel_loop3A_771 = arith.muli %parallel_loop3A_763, %parallel_loop3A_770 : i32
        %parallel_loop3A_772 = arith.constant 1 : i32
        %parallel_loop3A_773 = arith.index_cast %parallel_loop3A_772 : i32 to index
        %parallel_loop3A_774 = arith.index_cast %scan3A_750 : i32 to index
        %parallel_loop3A_775 = arith.index_cast %parallel_loop3A_771 : i32 to index
        %parallel_loop3A_776 = tpu.vector_load %arg10[%parallel_loop3A_773, %parallel_loop3A_774, %parallel_loop3A_775] {strides = array<i32>} : memref<2x32x1024xf32, #tpu.memory_space<vmem>>, vector<1x1x16xf32>,
        %parallel_loop3A_777 = vector.shape_cast %parallel_loop3A_776 : vector<1x1x16xf32> to vector<16xf32>
        %parallel_loop3A_778 = vector.shape_cast %parallel_loop3A_769 : vector<16xf32> to vector<1x1x16xf32>
        tpu.vector_store %arg10[%parallel_loop3A_773, %parallel_loop3A_774, %parallel_loop3A_775], %parallel_loop3A_778 {strides = array<i32>} : memref<2x32x1024xf32, #tpu.memory_space<vmem>>, vector<1x1x16xf32>,
      } {sc.loop_unroll_factor = 8 : i64, sc.parallel_access}
      %scan3A_762 = arith.constant 0 : i32
      scf.yield %scan3A_762 : i32
    }
    %scan3A_263 = arith.constant 32 : i32
    %add3A_264 = arith.constant 3 : i32
    %add3A_265 = arith.addi %mul3A_2, %add3A_264 : i32
    %dma_start3A_266 = arith.constant 1 : i32
    %dma_start3A_267 = arith.constant 0 : i32
    %dma_start3A_268 = arith.constant 0 : i32
    %dma_start3A_269 = arith.constant 0 : i32
    %dma_start3A_270 = tpu.memref_slice %arg10[%dma_start3A_266, %dma_start3A_268, %dma_start3A_269] : memref<2x32x1024xf32, #tpu.memory_space<vmem>> -> memref<1x32x1024xf32, #tpu.memory_space<vmem>>
    %dma_start3A_271 = tpu.memref_squeeze %dma_start3A_270 : memref<1x32x1024xf32, #tpu.memory_space<vmem>> -> memref<32x1024xf32, #tpu.memory_space<vmem>>
    %dma_start3A_272 = arith.constant 0 : i32
    %dma_start3A_273 = arith.constant 0 : i32
    %dma_start3A_274 = tpu.memref_slice %arg5[%dma_start3A_267, %add3A_265, %dma_start3A_272, %dma_start3A_273] : memref<2x256x32x1024xf32, #tpu.memory_space<hbm>> -> memref<1x1x32x1024xf32, #tpu.memory_space<hbm>>
    %dma_start3A_275 = tpu.memref_squeeze %dma_start3A_274 : memref<1x1x32x1024xf32, #tpu.memory_space<hbm>> -> memref<32x1024xf32, #tpu.memory_space<hbm>>
    %dma_start3A_276 = arith.constant 0 : i32
    %dma_start3A_277 = arith.constant 0 : i32
    %dma_start3A_278 = tpu.memref_slice %arg5[%dma_start3A_267, %add3A_265, %dma_start3A_276, %dma_start3A_277] : memref<2x256x32x1024xf32, #tpu.memory_space<hbm>> -> memref<1x1x32x1024xf32, #tpu.memory_space<hbm>>
    %dma_start3A_279 = tpu.memref_squeeze %dma_start3A_278 : memref<1x1x32x1024xf32, #tpu.memory_space<hbm>> -> memref<32x1024xf32, #tpu.memory_space<hbm>>
    %dma_start3A_280 = arith.constant 0 : i32
    %dma_start3A_281 = arith.constant 0 : i32
    %dma_start3A_282 = tpu.memref_slice %arg10[%dma_start3A_266, %dma_start3A_280, %dma_start3A_281] : memref<2x32x1024xf32, #tpu.memory_space<vmem>> -> memref<1x32x1024xf32, #tpu.memory_space<vmem>>
    %dma_start3A_283 = tpu.memref_squeeze %dma_start3A_282 : memref<1x32x1024xf32, #tpu.memory_space<vmem>> -> memref<32x1024xf32, #tpu.memory_space<vmem>>
    tpu.enqueue_dma source(%dma_start3A_283 : memref<32x1024xf32, #tpu.memory_space<vmem>>) target(%dma_start3A_279 : memref<32x1024xf32, #tpu.memory_space<hbm>>) target_semaphore(%arg12 : memref<!tpu.dma_semaphore, #tpu.memory_space<semaphore_mem>>)
    %dma_start3A_284 = arith.constant 1 : i32
    %dma_start3A_285 = arith.constant 1 : i32
    %dma_start3A_286 = arith.constant 0 : i32
    %dma_start3A_287 = arith.constant 0 : i32
    %dma_start3A_288 = tpu.memref_slice %arg10[%dma_start3A_284, %dma_start3A_286, %dma_start3A_287] : memref<2x32x1024xf32, #tpu.memory_space<vmem>> -> memref<1x32x1024xf32, #tpu.memory_space<vmem>>
    %dma_start3A_289 = tpu.memref_squeeze %dma_start3A_288 : memref<1x32x1024xf32, #tpu.memory_space<vmem>> -> memref<32x1024xf32, #tpu.memory_space<vmem>>
    %dma_start3A_290 = arith.constant 0 : i32
    %dma_start3A_291 = arith.constant 0 : i32
    %dma_start3A_292 = tpu.memref_slice %arg5[%dma_start3A_285, %add3A_265, %dma_start3A_290, %dma_start3A_291] : memref<2x256x32x1024xf32, #tpu.memory_space<hbm>> -> memref<1x1x32x1024xf32, #tpu.memory_space<hbm>>
    %dma_start3A_293 = tpu.memref_squeeze %dma_start3A_292 : memref<1x1x32x1024xf32, #tpu.memory_space<hbm>> -> memref<32x1024xf32, #tpu.memory_space<hbm>>
    %dma_start3A_294 = arith.constant 0 : i32
    %dma_start3A_295 = arith.constant 0 : i32
    %dma_start3A_296 = tpu.memref_slice %arg5[%dma_start3A_285, %add3A_265, %dma_start3A_294, %dma_start3A_295] : memref<2x256x32x1024xf32, #tpu.memory_space<hbm>> -> memref<1x1x32x1024xf32, #tpu.memory_space<hbm>>
    %dma_start3A_297 = tpu.memref_squeeze %dma_start3A_296 : memref<1x1x32x1024xf32, #tpu.memory_space<hbm>> -> memref<32x1024xf32, #tpu.memory_space<hbm>>
    %dma_start3A_298 = arith.constant 0 : i32
    %dma_start3A_299 = arith.constant 0 : i32
    %dma_start3A_300 = tpu.memref_slice %arg10[%dma_start3A_284, %dma_start3A_298, %dma_start3A_299] : memref<2x32x1024xf32, #tpu.memory_space<vmem>> -> memref<1x32x1024xf32, #tpu.memory_space<vmem>>
    %dma_start3A_301 = tpu.memref_squeeze %dma_start3A_300 : memref<1x32x1024xf32, #tpu.memory_space<vmem>> -> memref<32x1024xf32, #tpu.memory_space<vmem>>
    tpu.enqueue_dma source(%dma_start3A_301 : memref<32x1024xf32, #tpu.memory_space<vmem>>) target(%dma_start3A_297 : memref<32x1024xf32, #tpu.memory_space<hbm>>) target_semaphore(%arg12 : memref<!tpu.dma_semaphore, #tpu.memory_space<semaphore_mem>>)
    %get3A_302 = arith.constant 4 : i32
    %get3A_303 = arith.index_cast %get3A_302 : i32 to index
    %get3A_304 = arith.constant 0 : index
    %get3A_305 = tpu.vector_load %arg8[%get3A_303, %get3A_304] {strides = array<i32>} : memref<8x32xf32, #tpu.memory_space<vmem>>, vector<1x16xf32>,
    %get3A_306 = vector.shape_cast %get3A_305 : vector<1x16xf32> to vector<16xf32>
    %get3A_307 = arith.constant 4 : i32
    %get3A_308 = arith.index_cast %get3A_307 : i32 to index
    %get3A_309 = arith.constant 16 : index
    %get3A_310 = tpu.vector_load %arg8[%get3A_308, %get3A_309] {strides = array<i32>} : memref<8x32xf32, #tpu.memory_space<vmem>>, vector<1x16xf32>,
    %get3A_311 = vector.shape_cast %get3A_310 : vector<1x16xf32> to vector<16xf32>
    %parallel_loop3A_312 = arith.constant 0 : i32
    %parallel_loop3A_313 = arith.constant 32 : i32
    %parallel_loop3A_314 = arith.constant 1 : i32
    scf.for %parallel_loop3A_750 = %parallel_loop3A_312 to %parallel_loop3A_313 step %parallel_loop3A_314  : i32 {
      %parallel_loop3A_751 = arith.constant 16 : i32
      %parallel_loop3A_752 = arith.muli %parallel_loop3A_750, %parallel_loop3A_751 : i32
      %parallel_loop3A_753 = arith.constant 4 : i32
      %parallel_loop3A_754 = arith.index_cast %parallel_loop3A_753 : i32 to index
      %parallel_loop3A_755 = arith.index_cast %parallel_loop3A_752 : i32 to index
      %parallel_loop3A_756 = tpu.vector_load %arg7[%parallel_loop3A_754, %parallel_loop3A_755] {strides = array<i32>} : memref<8x512xf32, #tpu.memory_space<vmem>>, vector<1x16xf32>,
      %parallel_loop3A_757 = vector.shape_cast %parallel_loop3A_756 : vector<1x16xf32> to vector<16xf32>
      %parallel_loop3A_758 = arith.addf %parallel_loop3A_757, %get3A_306 : vector<16xf32>
      %parallel_loop3A_759 = arith.constant 32 : i32
      %parallel_loop3A_760 = arith.muli %parallel_loop3A_750, %parallel_loop3A_759 : i32
      %parallel_loop3A_761 = arith.index_cast %parallel_loop3A_760 : i32 to index
      %parallel_loop3A_762 = tpu.vector_load %arg9[%parallel_loop3A_761] {strides = array<i32>} : memref<1024xf32, #tpu.memory_space<vmem>>, vector<16xf32>,
      %parallel_loop3A_763 = vector.shape_cast %parallel_loop3A_762 : vector<16xf32> to vector<16xf32>
      %parallel_loop3A_764 = vector.shape_cast %parallel_loop3A_758 : vector<16xf32> to vector<16xf32>
      tpu.vector_store %arg9[%parallel_loop3A_761], %parallel_loop3A_764 {strides = array<i32>} : memref<1024xf32, #tpu.memory_space<vmem>>, vector<16xf32>,
      %parallel_loop3A_765 = arith.addf %parallel_loop3A_757, %get3A_311 : vector<16xf32>
      %parallel_loop3A_766 = arith.constant 32 : i32
      %parallel_loop3A_767 = arith.muli %parallel_loop3A_750, %parallel_loop3A_766 : i32
      %parallel_loop3A_768 = arith.constant 16 : i32
      %parallel_loop3A_769 = arith.addi %parallel_loop3A_767, %parallel_loop3A_768 : i32
      %parallel_loop3A_770 = arith.index_cast %parallel_loop3A_769 : i32 to index
      %parallel_loop3A_771 = tpu.vector_load %arg9[%parallel_loop3A_770] {strides = array<i32>} : memref<1024xf32, #tpu.memory_space<vmem>>, vector<16xf32>,
      %parallel_loop3A_772 = vector.shape_cast %parallel_loop3A_771 : vector<16xf32> to vector<16xf32>
      %parallel_loop3A_773 = vector.shape_cast %parallel_loop3A_765 : vector<16xf32> to vector<16xf32>
      tpu.vector_store %arg9[%parallel_loop3A_770], %parallel_loop3A_773 {strides = array<i32>} : memref<1024xf32, #tpu.memory_space<vmem>>, vector<16xf32>,
    } {sc.loop_unroll_factor = 4 : i64, sc.parallel_access}
    %dma_wait3A_315 = arith.constant 0 : i32
    %dma_wait3A_316 = arith.constant 0 : i32
    %dma_wait3A_317 = arith.constant 0 : i32
    %dma_wait3A_318 = arith.constant 0 : i32
    %dma_wait3A_319 = tpu.memref_slice %arg10[%dma_wait3A_315, %dma_wait3A_317, %dma_wait3A_318] : memref<2x32x1024xf32, #tpu.memory_space<vmem>> -> memref<1x32x1024xf32, #tpu.memory_space<vmem>>
    %dma_wait3A_320 = tpu.memref_squeeze %dma_wait3A_319 : memref<1x32x1024xf32, #tpu.memory_space<vmem>> -> memref<32x1024xf32, #tpu.memory_space<vmem>>
    %dma_wait3A_321 = arith.constant 0 : i32
    %dma_wait3A_322 = arith.constant 0 : i32
    %dma_wait3A_323 = tpu.memref_slice %arg5[%dma_wait3A_316, %add3A_171, %dma_wait3A_321, %dma_wait3A_322] : memref<2x256x32x1024xf32, #tpu.memory_space<hbm>> -> memref<1x1x32x1024xf32, #tpu.memory_space<hbm>>
    %dma_wait3A_324 = tpu.memref_squeeze %dma_wait3A_323 : memref<1x1x32x1024xf32, #tpu.memory_space<hbm>> -> memref<32x1024xf32, #tpu.memory_space<hbm>>
    %dma_wait3A_325 = arith.constant 0 : i32
    %dma_wait3A_326 = arith.constant 0 : i32
    %dma_wait3A_327 = tpu.memref_slice %arg5[%dma_wait3A_316, %add3A_171, %dma_wait3A_325, %dma_wait3A_326] : memref<2x256x32x1024xf32, #tpu.memory_space<hbm>> -> memref<1x1x32x1024xf32, #tpu.memory_space<hbm>>
    %dma_wait3A_328 = tpu.memref_squeeze %dma_wait3A_327 : memref<1x1x32x1024xf32, #tpu.memory_space<hbm>> -> memref<32x1024xf32, #tpu.memory_space<hbm>>
    %dma_wait3A_329 = arith.constant 0 : i32
    %dma_wait3A_330 = arith.constant 0 : i32
    %dma_wait3A_331 = tpu.memref_slice %arg10[%dma_wait3A_315, %dma_wait3A_329, %dma_wait3A_330] : memref<2x32x1024xf32, #tpu.memory_space<vmem>> -> memref<1x32x1024xf32, #tpu.memory_space<vmem>>
    %dma_wait3A_332 = tpu.memref_squeeze %dma_wait3A_331 : memref<1x32x1024xf32, #tpu.memory_space<vmem>> -> memref<32x1024xf32, #tpu.memory_space<vmem>>
    tpu.wait_dma2 semaphore(%arg11 : memref<!tpu.dma_semaphore, #tpu.memory_space<semaphore_mem>>) src(%dma_wait3A_332 : memref<32x1024xf32, #tpu.memory_space<vmem>>) dst(%dma_wait3A_328 : memref<32x1024xf32, #tpu.memory_space<hbm>>)
    %dma_wait3A_333 = arith.constant 0 : i32
    %dma_wait3A_334 = arith.constant 1 : i32
    %dma_wait3A_335 = arith.constant 0 : i32
    %dma_wait3A_336 = arith.constant 0 : i32
    %dma_wait3A_337 = tpu.memref_slice %arg10[%dma_wait3A_333, %dma_wait3A_335, %dma_wait3A_336] : memref<2x32x1024xf32, #tpu.memory_space<vmem>> -> memref<1x32x1024xf32, #tpu.memory_space<vmem>>
    %dma_wait3A_338 = tpu.memref_squeeze %dma_wait3A_337 : memref<1x32x1024xf32, #tpu.memory_space<vmem>> -> memref<32x1024xf32, #tpu.memory_space<vmem>>
    %dma_wait3A_339 = arith.constant 0 : i32
    %dma_wait3A_340 = arith.constant 0 : i32
    %dma_wait3A_341 = tpu.memref_slice %arg5[%dma_wait3A_334, %add3A_171, %dma_wait3A_339, %dma_wait3A_340] : memref<2x256x32x1024xf32, #tpu.memory_space<hbm>> -> memref<1x1x32x1024xf32, #tpu.memory_space<hbm>>
    %dma_wait3A_342 = tpu.memref_squeeze %dma_wait3A_341 : memref<1x1x32x1024xf32, #tpu.memory_space<hbm>> -> memref<32x1024xf32, #tpu.memory_space<hbm>>
    %dma_wait3A_343 = arith.constant 0 : i32
    %dma_wait3A_344 = arith.constant 0 : i32
    %dma_wait3A_345 = tpu.memref_slice %arg5[%dma_wait3A_334, %add3A_171, %dma_wait3A_343, %dma_wait3A_344] : memref<2x256x32x1024xf32, #tpu.memory_space<hbm>> -> memref<1x1x32x1024xf32, #tpu.memory_space<hbm>>
    %dma_wait3A_346 = tpu.memref_squeeze %dma_wait3A_345 : memref<1x1x32x1024xf32, #tpu.memory_space<hbm>> -> memref<32x1024xf32, #tpu.memory_space<hbm>>
    %dma_wait3A_347 = arith.constant 0 : i32
    %dma_wait3A_348 = arith.constant 0 : i32
    %dma_wait3A_349 = tpu.memref_slice %arg10[%dma_wait3A_333, %dma_wait3A_347, %dma_wait3A_348] : memref<2x32x1024xf32, #tpu.memory_space<vmem>> -> memref<1x32x1024xf32, #tpu.memory_space<vmem>>
    %dma_wait3A_350 = tpu.memref_squeeze %dma_wait3A_349 : memref<1x32x1024xf32, #tpu.memory_space<vmem>> -> memref<32x1024xf32, #tpu.memory_space<vmem>>
    tpu.wait_dma2 semaphore(%arg11 : memref<!tpu.dma_semaphore, #tpu.memory_space<semaphore_mem>>) src(%dma_wait3A_350 : memref<32x1024xf32, #tpu.memory_space<vmem>>) dst(%dma_wait3A_346 : memref<32x1024xf32, #tpu.memory_space<hbm>>)
    %scan3A_351 = arith.constant 0 : i32
    %scan3A_352 = arith.constant 0 : i32
    %scan3A_353 = arith.constant 32 : i32
    %scan3A_354 = arith.addi %scan3A_352, %scan3A_353 : i32
    %scan3A_355 = arith.constant 1 : i32
    %scan3A_356 = scf.for %scan3A_750 = %scan3A_352 to %scan3A_354 step %scan3A_355 iter_args(%scan3A_751 = %scan3A_351) -> (i32)  : i32 {
      %mul3A_752 = arith.constant 16 : i32
      %mul3A_753 = arith.muli %scan3A_750, %mul3A_752 : i32
      %get3A_754 = arith.constant 4 : i32
      %get3A_755 = arith.index_cast %get3A_754 : i32 to index
      %get3A_756 = arith.index_cast %mul3A_753 : i32 to index
      %get3A_757 = tpu.vector_load %arg6[%get3A_755, %get3A_756] {strides = array<i32>} : memref<8x512xf32, #tpu.memory_space<vmem>>, vector<1x16xf32>,
      %get3A_758 = vector.shape_cast %get3A_757 : vector<1x16xf32> to vector<16xf32>
      %parallel_loop3A_759 = arith.constant 0 : i32
      %parallel_loop3A_760 = arith.constant 64 : i32
      %parallel_loop3A_761 = arith.constant 1 : i32
      scf.for %parallel_loop3A_763 = %parallel_loop3A_759 to %parallel_loop3A_760 step %parallel_loop3A_761  : i32 {
        %parallel_loop3A_764 = arith.constant 16 : i32
        %parallel_loop3A_765 = arith.muli %parallel_loop3A_763, %parallel_loop3A_764 : i32
        %parallel_loop3A_766 = arith.index_cast %parallel_loop3A_765 : i32 to index
        %parallel_loop3A_767 = tpu.vector_load %arg9[%parallel_loop3A_766] {strides = array<i32>} : memref<1024xf32, #tpu.memory_space<vmem>>, vector<16xf32>,
        %parallel_loop3A_768 = vector.shape_cast %parallel_loop3A_767 : vector<16xf32> to vector<16xf32>
        %parallel_loop3A_769 = arith.addf %parallel_loop3A_768, %get3A_758 : vector<16xf32>
        %parallel_loop3A_770 = arith.constant 16 : i32
        %parallel_loop3A_771 = arith.muli %parallel_loop3A_763, %parallel_loop3A_770 : i32
        %parallel_loop3A_772 = arith.constant 0 : i32
        %parallel_loop3A_773 = arith.index_cast %parallel_loop3A_772 : i32 to index
        %parallel_loop3A_774 = arith.index_cast %scan3A_750 : i32 to index
        %parallel_loop3A_775 = arith.index_cast %parallel_loop3A_771 : i32 to index
        %parallel_loop3A_776 = tpu.vector_load %arg10[%parallel_loop3A_773, %parallel_loop3A_774, %parallel_loop3A_775] {strides = array<i32>} : memref<2x32x1024xf32, #tpu.memory_space<vmem>>, vector<1x1x16xf32>,
        %parallel_loop3A_777 = vector.shape_cast %parallel_loop3A_776 : vector<1x1x16xf32> to vector<16xf32>
        %parallel_loop3A_778 = vector.shape_cast %parallel_loop3A_769 : vector<16xf32> to vector<1x1x16xf32>
        tpu.vector_store %arg10[%parallel_loop3A_773, %parallel_loop3A_774, %parallel_loop3A_775], %parallel_loop3A_778 {strides = array<i32>} : memref<2x32x1024xf32, #tpu.memory_space<vmem>>, vector<1x1x16xf32>,
      } {sc.loop_unroll_factor = 8 : i64, sc.parallel_access}
      %scan3A_762 = arith.constant 0 : i32
      scf.yield %scan3A_762 : i32
    }
    %scan3A_357 = arith.constant 32 : i32
    %add3A_358 = arith.constant 4 : i32
    %add3A_359 = arith.addi %mul3A_2, %add3A_358 : i32
    %dma_start3A_360 = arith.constant 0 : i32
    %dma_start3A_361 = arith.constant 0 : i32
    %dma_start3A_362 = arith.constant 0 : i32
    %dma_start3A_363 = arith.constant 0 : i32
    %dma_start3A_364 = tpu.memref_slice %arg10[%dma_start3A_360, %dma_start3A_362, %dma_start3A_363] : memref<2x32x1024xf32, #tpu.memory_space<vmem>> -> memref<1x32x1024xf32, #tpu.memory_space<vmem>>
    %dma_start3A_365 = tpu.memref_squeeze %dma_start3A_364 : memref<1x32x1024xf32, #tpu.memory_space<vmem>> -> memref<32x1024xf32, #tpu.memory_space<vmem>>
    %dma_start3A_366 = arith.constant 0 : i32
    %dma_start3A_367 = arith.constant 0 : i32
    %dma_start3A_368 = tpu.memref_slice %arg5[%dma_start3A_361, %add3A_359, %dma_start3A_366, %dma_start3A_367] : memref<2x256x32x1024xf32, #tpu.memory_space<hbm>> -> memref<1x1x32x1024xf32, #tpu.memory_space<hbm>>
    %dma_start3A_369 = tpu.memref_squeeze %dma_start3A_368 : memref<1x1x32x1024xf32, #tpu.memory_space<hbm>> -> memref<32x1024xf32, #tpu.memory_space<hbm>>
    %dma_start3A_370 = arith.constant 0 : i32
    %dma_start3A_371 = arith.constant 0 : i32
    %dma_start3A_372 = tpu.memref_slice %arg5[%dma_start3A_361, %add3A_359, %dma_start3A_370, %dma_start3A_371] : memref<2x256x32x1024xf32, #tpu.memory_space<hbm>> -> memref<1x1x32x1024xf32, #tpu.memory_space<hbm>>
    %dma_start3A_373 = tpu.memref_squeeze %dma_start3A_372 : memref<1x1x32x1024xf32, #tpu.memory_space<hbm>> -> memref<32x1024xf32, #tpu.memory_space<hbm>>
    %dma_start3A_374 = arith.constant 0 : i32
    %dma_start3A_375 = arith.constant 0 : i32
    %dma_start3A_376 = tpu.memref_slice %arg10[%dma_start3A_360, %dma_start3A_374, %dma_start3A_375] : memref<2x32x1024xf32, #tpu.memory_space<vmem>> -> memref<1x32x1024xf32, #tpu.memory_space<vmem>>
    %dma_start3A_377 = tpu.memref_squeeze %dma_start3A_376 : memref<1x32x1024xf32, #tpu.memory_space<vmem>> -> memref<32x1024xf32, #tpu.memory_space<vmem>>
    tpu.enqueue_dma source(%dma_start3A_377 : memref<32x1024xf32, #tpu.memory_space<vmem>>) target(%dma_start3A_373 : memref<32x1024xf32, #tpu.memory_space<hbm>>) target_semaphore(%arg11 : memref<!tpu.dma_semaphore, #tpu.memory_space<semaphore_mem>>)
    %dma_start3A_378 = arith.constant 0 : i32
    %dma_start3A_379 = arith.constant 1 : i32
    %dma_start3A_380 = arith.constant 0 : i32
    %dma_start3A_381 = arith.constant 0 : i32
    %dma_start3A_382 = tpu.memref_slice %arg10[%dma_start3A_378, %dma_start3A_380, %dma_start3A_381] : memref<2x32x1024xf32, #tpu.memory_space<vmem>> -> memref<1x32x1024xf32, #tpu.memory_space<vmem>>
    %dma_start3A_383 = tpu.memref_squeeze %dma_start3A_382 : memref<1x32x1024xf32, #tpu.memory_space<vmem>> -> memref<32x1024xf32, #tpu.memory_space<vmem>>
    %dma_start3A_384 = arith.constant 0 : i32
    %dma_start3A_385 = arith.constant 0 : i32
    %dma_start3A_386 = tpu.memref_slice %arg5[%dma_start3A_379, %add3A_359, %dma_start3A_384, %dma_start3A_385] : memref<2x256x32x1024xf32, #tpu.memory_space<hbm>> -> memref<1x1x32x1024xf32, #tpu.memory_space<hbm>>
    %dma_start3A_387 = tpu.memref_squeeze %dma_start3A_386 : memref<1x1x32x1024xf32, #tpu.memory_space<hbm>> -> memref<32x1024xf32, #tpu.memory_space<hbm>>
    %dma_start3A_388 = arith.constant 0 : i32
    %dma_start3A_389 = arith.constant 0 : i32
    %dma_start3A_390 = tpu.memref_slice %arg5[%dma_start3A_379, %add3A_359, %dma_start3A_388, %dma_start3A_389] : memref<2x256x32x1024xf32, #tpu.memory_space<hbm>> -> memref<1x1x32x1024xf32, #tpu.memory_space<hbm>>
    %dma_start3A_391 = tpu.memref_squeeze %dma_start3A_390 : memref<1x1x32x1024xf32, #tpu.memory_space<hbm>> -> memref<32x1024xf32, #tpu.memory_space<hbm>>
    %dma_start3A_392 = arith.constant 0 : i32
    %dma_start3A_393 = arith.constant 0 : i32
    %dma_start3A_394 = tpu.memref_slice %arg10[%dma_start3A_378, %dma_start3A_392, %dma_start3A_393] : memref<2x32x1024xf32, #tpu.memory_space<vmem>> -> memref<1x32x1024xf32, #tpu.memory_space<vmem>>
    %dma_start3A_395 = tpu.memref_squeeze %dma_start3A_394 : memref<1x32x1024xf32, #tpu.memory_space<vmem>> -> memref<32x1024xf32, #tpu.memory_space<vmem>>
    tpu.enqueue_dma source(%dma_start3A_395 : memref<32x1024xf32, #tpu.memory_space<vmem>>) target(%dma_start3A_391 : memref<32x1024xf32, #tpu.memory_space<hbm>>) target_semaphore(%arg11 : memref<!tpu.dma_semaphore, #tpu.memory_space<semaphore_mem>>)
    %get3A_396 = arith.constant 5 : i32
    %get3A_397 = arith.index_cast %get3A_396 : i32 to index
    %get3A_398 = arith.constant 0 : index
    %get3A_399 = tpu.vector_load %arg8[%get3A_397, %get3A_398] {strides = array<i32>} : memref<8x32xf32, #tpu.memory_space<vmem>>, vector<1x16xf32>,
    %get3A_400 = vector.shape_cast %get3A_399 : vector<1x16xf32> to vector<16xf32>
    %get3A_401 = arith.constant 5 : i32
    %get3A_402 = arith.index_cast %get3A_401 : i32 to index
    %get3A_403 = arith.constant 16 : index
    %get3A_404 = tpu.vector_load %arg8[%get3A_402, %get3A_403] {strides = array<i32>} : memref<8x32xf32, #tpu.memory_space<vmem>>, vector<1x16xf32>,
    %get3A_405 = vector.shape_cast %get3A_404 : vector<1x16xf32> to vector<16xf32>
    %parallel_loop3A_406 = arith.constant 0 : i32
    %parallel_loop3A_407 = arith.constant 32 : i32
    %parallel_loop3A_408 = arith.constant 1 : i32
    scf.for %parallel_loop3A_750 = %parallel_loop3A_406 to %parallel_loop3A_407 step %parallel_loop3A_408  : i32 {
      %parallel_loop3A_751 = arith.constant 16 : i32
      %parallel_loop3A_752 = arith.muli %parallel_loop3A_750, %parallel_loop3A_751 : i32
      %parallel_loop3A_753 = arith.constant 5 : i32
      %parallel_loop3A_754 = arith.index_cast %parallel_loop3A_753 : i32 to index
      %parallel_loop3A_755 = arith.index_cast %parallel_loop3A_752 : i32 to index
      %parallel_loop3A_756 = tpu.vector_load %arg7[%parallel_loop3A_754, %parallel_loop3A_755] {strides = array<i32>} : memref<8x512xf32, #tpu.memory_space<vmem>>, vector<1x16xf32>,
      %parallel_loop3A_757 = vector.shape_cast %parallel_loop3A_756 : vector<1x16xf32> to vector<16xf32>
      %parallel_loop3A_758 = arith.addf %parallel_loop3A_757, %get3A_400 : vector<16xf32>
      %parallel_loop3A_759 = arith.constant 32 : i32
      %parallel_loop3A_760 = arith.muli %parallel_loop3A_750, %parallel_loop3A_759 : i32
      %parallel_loop3A_761 = arith.index_cast %parallel_loop3A_760 : i32 to index
      %parallel_loop3A_762 = tpu.vector_load %arg9[%parallel_loop3A_761] {strides = array<i32>} : memref<1024xf32, #tpu.memory_space<vmem>>, vector<16xf32>,
      %parallel_loop3A_763 = vector.shape_cast %parallel_loop3A_762 : vector<16xf32> to vector<16xf32>
      %parallel_loop3A_764 = vector.shape_cast %parallel_loop3A_758 : vector<16xf32> to vector<16xf32>
      tpu.vector_store %arg9[%parallel_loop3A_761], %parallel_loop3A_764 {strides = array<i32>} : memref<1024xf32, #tpu.memory_space<vmem>>, vector<16xf32>,
      %parallel_loop3A_765 = arith.addf %parallel_loop3A_757, %get3A_405 : vector<16xf32>
      %parallel_loop3A_766 = arith.constant 32 : i32
      %parallel_loop3A_767 = arith.muli %parallel_loop3A_750, %parallel_loop3A_766 : i32
      %parallel_loop3A_768 = arith.constant 16 : i32
      %parallel_loop3A_769 = arith.addi %parallel_loop3A_767, %parallel_loop3A_768 : i32
      %parallel_loop3A_770 = arith.index_cast %parallel_loop3A_769 : i32 to index
      %parallel_loop3A_771 = tpu.vector_load %arg9[%parallel_loop3A_770] {strides = array<i32>} : memref<1024xf32, #tpu.memory_space<vmem>>, vector<16xf32>,
      %parallel_loop3A_772 = vector.shape_cast %parallel_loop3A_771 : vector<16xf32> to vector<16xf32>
      %parallel_loop3A_773 = vector.shape_cast %parallel_loop3A_765 : vector<16xf32> to vector<16xf32>
      tpu.vector_store %arg9[%parallel_loop3A_770], %parallel_loop3A_773 {strides = array<i32>} : memref<1024xf32, #tpu.memory_space<vmem>>, vector<16xf32>,
    } {sc.loop_unroll_factor = 4 : i64, sc.parallel_access}
    %dma_wait3A_409 = arith.constant 1 : i32
    %dma_wait3A_410 = arith.constant 0 : i32
    %dma_wait3A_411 = arith.constant 0 : i32
    %dma_wait3A_412 = arith.constant 0 : i32
    %dma_wait3A_413 = tpu.memref_slice %arg10[%dma_wait3A_409, %dma_wait3A_411, %dma_wait3A_412] : memref<2x32x1024xf32, #tpu.memory_space<vmem>> -> memref<1x32x1024xf32, #tpu.memory_space<vmem>>
    %dma_wait3A_414 = tpu.memref_squeeze %dma_wait3A_413 : memref<1x32x1024xf32, #tpu.memory_space<vmem>> -> memref<32x1024xf32, #tpu.memory_space<vmem>>
    %dma_wait3A_415 = arith.constant 0 : i32
    %dma_wait3A_416 = arith.constant 0 : i32
    %dma_wait3A_417 = tpu.memref_slice %arg5[%dma_wait3A_410, %add3A_265, %dma_wait3A_415, %dma_wait3A_416] : memref<2x256x32x1024xf32, #tpu.memory_space<hbm>> -> memref<1x1x32x1024xf32, #tpu.memory_space<hbm>>
    %dma_wait3A_418 = tpu.memref_squeeze %dma_wait3A_417 : memref<1x1x32x1024xf32, #tpu.memory_space<hbm>> -> memref<32x1024xf32, #tpu.memory_space<hbm>>
    %dma_wait3A_419 = arith.constant 0 : i32
    %dma_wait3A_420 = arith.constant 0 : i32
    %dma_wait3A_421 = tpu.memref_slice %arg5[%dma_wait3A_410, %add3A_265, %dma_wait3A_419, %dma_wait3A_420] : memref<2x256x32x1024xf32, #tpu.memory_space<hbm>> -> memref<1x1x32x1024xf32, #tpu.memory_space<hbm>>
    %dma_wait3A_422 = tpu.memref_squeeze %dma_wait3A_421 : memref<1x1x32x1024xf32, #tpu.memory_space<hbm>> -> memref<32x1024xf32, #tpu.memory_space<hbm>>
    %dma_wait3A_423 = arith.constant 0 : i32
    %dma_wait3A_424 = arith.constant 0 : i32
    %dma_wait3A_425 = tpu.memref_slice %arg10[%dma_wait3A_409, %dma_wait3A_423, %dma_wait3A_424] : memref<2x32x1024xf32, #tpu.memory_space<vmem>> -> memref<1x32x1024xf32, #tpu.memory_space<vmem>>
    %dma_wait3A_426 = tpu.memref_squeeze %dma_wait3A_425 : memref<1x32x1024xf32, #tpu.memory_space<vmem>> -> memref<32x1024xf32, #tpu.memory_space<vmem>>
    tpu.wait_dma2 semaphore(%arg12 : memref<!tpu.dma_semaphore, #tpu.memory_space<semaphore_mem>>) src(%dma_wait3A_426 : memref<32x1024xf32, #tpu.memory_space<vmem>>) dst(%dma_wait3A_422 : memref<32x1024xf32, #tpu.memory_space<hbm>>)
    %dma_wait3A_427 = arith.constant 1 : i32
    %dma_wait3A_428 = arith.constant 1 : i32
    %dma_wait3A_429 = arith.constant 0 : i32
    %dma_wait3A_430 = arith.constant 0 : i32
    %dma_wait3A_431 = tpu.memref_slice %arg10[%dma_wait3A_427, %dma_wait3A_429, %dma_wait3A_430] : memref<2x32x1024xf32, #tpu.memory_space<vmem>> -> memref<1x32x1024xf32, #tpu.memory_space<vmem>>
    %dma_wait3A_432 = tpu.memref_squeeze %dma_wait3A_431 : memref<1x32x1024xf32, #tpu.memory_space<vmem>> -> memref<32x1024xf32, #tpu.memory_space<vmem>>
    %dma_wait3A_433 = arith.constant 0 : i32
    %dma_wait3A_434 = arith.constant 0 : i32
    %dma_wait3A_435 = tpu.memref_slice %arg5[%dma_wait3A_428, %add3A_265, %dma_wait3A_433, %dma_wait3A_434] : memref<2x256x32x1024xf32, #tpu.memory_space<hbm>> -> memref<1x1x32x1024xf32, #tpu.memory_space<hbm>>
    %dma_wait3A_436 = tpu.memref_squeeze %dma_wait3A_435 : memref<1x1x32x1024xf32, #tpu.memory_space<hbm>> -> memref<32x1024xf32, #tpu.memory_space<hbm>>
    %dma_wait3A_437 = arith.constant 0 : i32
    %dma_wait3A_438 = arith.constant 0 : i32
    %dma_wait3A_439 = tpu.memref_slice %arg5[%dma_wait3A_428, %add3A_265, %dma_wait3A_437, %dma_wait3A_438] : memref<2x256x32x1024xf32, #tpu.memory_space<hbm>> -> memref<1x1x32x1024xf32, #tpu.memory_space<hbm>>
    %dma_wait3A_440 = tpu.memref_squeeze %dma_wait3A_439 : memref<1x1x32x1024xf32, #tpu.memory_space<hbm>> -> memref<32x1024xf32, #tpu.memory_space<hbm>>
    %dma_wait3A_441 = arith.constant 0 : i32
    %dma_wait3A_442 = arith.constant 0 : i32
    %dma_wait3A_443 = tpu.memref_slice %arg10[%dma_wait3A_427, %dma_wait3A_441, %dma_wait3A_442] : memref<2x32x1024xf32, #tpu.memory_space<vmem>> -> memref<1x32x1024xf32, #tpu.memory_space<vmem>>
    %dma_wait3A_444 = tpu.memref_squeeze %dma_wait3A_443 : memref<1x32x1024xf32, #tpu.memory_space<vmem>> -> memref<32x1024xf32, #tpu.memory_space<vmem>>
    tpu.wait_dma2 semaphore(%arg12 : memref<!tpu.dma_semaphore, #tpu.memory_space<semaphore_mem>>) src(%dma_wait3A_444 : memref<32x1024xf32, #tpu.memory_space<vmem>>) dst(%dma_wait3A_440 : memref<32x1024xf32, #tpu.memory_space<hbm>>)
    %scan3A_445 = arith.constant 0 : i32
    %scan3A_446 = arith.constant 0 : i32
    %scan3A_447 = arith.constant 32 : i32
    %scan3A_448 = arith.addi %scan3A_446, %scan3A_447 : i32
    %scan3A_449 = arith.constant 1 : i32
    %scan3A_450 = scf.for %scan3A_750 = %scan3A_446 to %scan3A_448 step %scan3A_449 iter_args(%scan3A_751 = %scan3A_445) -> (i32)  : i32 {
      %mul3A_752 = arith.constant 16 : i32
      %mul3A_753 = arith.muli %scan3A_750, %mul3A_752 : i32
      %get3A_754 = arith.constant 5 : i32
      %get3A_755 = arith.index_cast %get3A_754 : i32 to index
      %get3A_756 = arith.index_cast %mul3A_753 : i32 to index
      %get3A_757 = tpu.vector_load %arg6[%get3A_755, %get3A_756] {strides = array<i32>} : memref<8x512xf32, #tpu.memory_space<vmem>>, vector<1x16xf32>,
      %get3A_758 = vector.shape_cast %get3A_757 : vector<1x16xf32> to vector<16xf32>
      %parallel_loop3A_759 = arith.constant 0 : i32
      %parallel_loop3A_760 = arith.constant 64 : i32
      %parallel_loop3A_761 = arith.constant 1 : i32
      scf.for %parallel_loop3A_763 = %parallel_loop3A_759 to %parallel_loop3A_760 step %parallel_loop3A_761  : i32 {
        %parallel_loop3A_764 = arith.constant 16 : i32
        %parallel_loop3A_765 = arith.muli %parallel_loop3A_763, %parallel_loop3A_764 : i32
        %parallel_loop3A_766 = arith.index_cast %parallel_loop3A_765 : i32 to index
        %parallel_loop3A_767 = tpu.vector_load %arg9[%parallel_loop3A_766] {strides = array<i32>} : memref<1024xf32, #tpu.memory_space<vmem>>, vector<16xf32>,
        %parallel_loop3A_768 = vector.shape_cast %parallel_loop3A_767 : vector<16xf32> to vector<16xf32>
        %parallel_loop3A_769 = arith.addf %parallel_loop3A_768, %get3A_758 : vector<16xf32>
        %parallel_loop3A_770 = arith.constant 16 : i32
        %parallel_loop3A_771 = arith.muli %parallel_loop3A_763, %parallel_loop3A_770 : i32
        %parallel_loop3A_772 = arith.constant 1 : i32
        %parallel_loop3A_773 = arith.index_cast %parallel_loop3A_772 : i32 to index
        %parallel_loop3A_774 = arith.index_cast %scan3A_750 : i32 to index
        %parallel_loop3A_775 = arith.index_cast %parallel_loop3A_771 : i32 to index
        %parallel_loop3A_776 = tpu.vector_load %arg10[%parallel_loop3A_773, %parallel_loop3A_774, %parallel_loop3A_775] {strides = array<i32>} : memref<2x32x1024xf32, #tpu.memory_space<vmem>>, vector<1x1x16xf32>,
        %parallel_loop3A_777 = vector.shape_cast %parallel_loop3A_776 : vector<1x1x16xf32> to vector<16xf32>
        %parallel_loop3A_778 = vector.shape_cast %parallel_loop3A_769 : vector<16xf32> to vector<1x1x16xf32>
        tpu.vector_store %arg10[%parallel_loop3A_773, %parallel_loop3A_774, %parallel_loop3A_775], %parallel_loop3A_778 {strides = array<i32>} : memref<2x32x1024xf32, #tpu.memory_space<vmem>>, vector<1x1x16xf32>,
      } {sc.loop_unroll_factor = 8 : i64, sc.parallel_access}
      %scan3A_762 = arith.constant 0 : i32
      scf.yield %scan3A_762 : i32
    }
    %scan3A_451 = arith.constant 32 : i32
    %add3A_452 = arith.constant 5 : i32
    %add3A_453 = arith.addi %mul3A_2, %add3A_452 : i32
    %dma_start3A_454 = arith.constant 1 : i32
    %dma_start3A_455 = arith.constant 0 : i32
    %dma_start3A_456 = arith.constant 0 : i32
    %dma_start3A_457 = arith.constant 0 : i32
    %dma_start3A_458 = tpu.memref_slice %arg10[%dma_start3A_454, %dma_start3A_456, %dma_start3A_457] : memref<2x32x1024xf32, #tpu.memory_space<vmem>> -> memref<1x32x1024xf32, #tpu.memory_space<vmem>>
    %dma_start3A_459 = tpu.memref_squeeze %dma_start3A_458 : memref<1x32x1024xf32, #tpu.memory_space<vmem>> -> memref<32x1024xf32, #tpu.memory_space<vmem>>
    %dma_start3A_460 = arith.constant 0 : i32
    %dma_start3A_461 = arith.constant 0 : i32
    %dma_start3A_462 = tpu.memref_slice %arg5[%dma_start3A_455, %add3A_453, %dma_start3A_460, %dma_start3A_461] : memref<2x256x32x1024xf32, #tpu.memory_space<hbm>> -> memref<1x1x32x1024xf32, #tpu.memory_space<hbm>>
    %dma_start3A_463 = tpu.memref_squeeze %dma_start3A_462 : memref<1x1x32x1024xf32, #tpu.memory_space<hbm>> -> memref<32x1024xf32, #tpu.memory_space<hbm>>
    %dma_start3A_464 = arith.constant 0 : i32
    %dma_start3A_465 = arith.constant 0 : i32
    %dma_start3A_466 = tpu.memref_slice %arg5[%dma_start3A_455, %add3A_453, %dma_start3A_464, %dma_start3A_465] : memref<2x256x32x1024xf32, #tpu.memory_space<hbm>> -> memref<1x1x32x1024xf32, #tpu.memory_space<hbm>>
    %dma_start3A_467 = tpu.memref_squeeze %dma_start3A_466 : memref<1x1x32x1024xf32, #tpu.memory_space<hbm>> -> memref<32x1024xf32, #tpu.memory_space<hbm>>
    %dma_start3A_468 = arith.constant 0 : i32
    %dma_start3A_469 = arith.constant 0 : i32
    %dma_start3A_470 = tpu.memref_slice %arg10[%dma_start3A_454, %dma_start3A_468, %dma_start3A_469] : memref<2x32x1024xf32, #tpu.memory_space<vmem>> -> memref<1x32x1024xf32, #tpu.memory_space<vmem>>
    %dma_start3A_471 = tpu.memref_squeeze %dma_start3A_470 : memref<1x32x1024xf32, #tpu.memory_space<vmem>> -> memref<32x1024xf32, #tpu.memory_space<vmem>>
    tpu.enqueue_dma source(%dma_start3A_471 : memref<32x1024xf32, #tpu.memory_space<vmem>>) target(%dma_start3A_467 : memref<32x1024xf32, #tpu.memory_space<hbm>>) target_semaphore(%arg12 : memref<!tpu.dma_semaphore, #tpu.memory_space<semaphore_mem>>)
    %dma_start3A_472 = arith.constant 1 : i32
    %dma_start3A_473 = arith.constant 1 : i32
    %dma_start3A_474 = arith.constant 0 : i32
    %dma_start3A_475 = arith.constant 0 : i32
    %dma_start3A_476 = tpu.memref_slice %arg10[%dma_start3A_472, %dma_start3A_474, %dma_start3A_475] : memref<2x32x1024xf32, #tpu.memory_space<vmem>> -> memref<1x32x1024xf32, #tpu.memory_space<vmem>>
    %dma_start3A_477 = tpu.memref_squeeze %dma_start3A_476 : memref<1x32x1024xf32, #tpu.memory_space<vmem>> -> memref<32x1024xf32, #tpu.memory_space<vmem>>
    %dma_start3A_478 = arith.constant 0 : i32
    %dma_start3A_479 = arith.constant 0 : i32
    %dma_start3A_480 = tpu.memref_slice %arg5[%dma_start3A_473, %add3A_453, %dma_start3A_478, %dma_start3A_479] : memref<2x256x32x1024xf32, #tpu.memory_space<hbm>> -> memref<1x1x32x1024xf32, #tpu.memory_space<hbm>>
    %dma_start3A_481 = tpu.memref_squeeze %dma_start3A_480 : memref<1x1x32x1024xf32, #tpu.memory_space<hbm>> -> memref<32x1024xf32, #tpu.memory_space<hbm>>
    %dma_start3A_482 = arith.constant 0 : i32
    %dma_start3A_483 = arith.constant 0 : i32
    %dma_start3A_484 = tpu.memref_slice %arg5[%dma_start3A_473, %add3A_453, %dma_start3A_482, %dma_start3A_483] : memref<2x256x32x1024xf32, #tpu.memory_space<hbm>> -> memref<1x1x32x1024xf32, #tpu.memory_space<hbm>>
    %dma_start3A_485 = tpu.memref_squeeze %dma_start3A_484 : memref<1x1x32x1024xf32, #tpu.memory_space<hbm>> -> memref<32x1024xf32, #tpu.memory_space<hbm>>
    %dma_start3A_486 = arith.constant 0 : i32
    %dma_start3A_487 = arith.constant 0 : i32
    %dma_start3A_488 = tpu.memref_slice %arg10[%dma_start3A_472, %dma_start3A_486, %dma_start3A_487] : memref<2x32x1024xf32, #tpu.memory_space<vmem>> -> memref<1x32x1024xf32, #tpu.memory_space<vmem>>
    %dma_start3A_489 = tpu.memref_squeeze %dma_start3A_488 : memref<1x32x1024xf32, #tpu.memory_space<vmem>> -> memref<32x1024xf32, #tpu.memory_space<vmem>>
    tpu.enqueue_dma source(%dma_start3A_489 : memref<32x1024xf32, #tpu.memory_space<vmem>>) target(%dma_start3A_485 : memref<32x1024xf32, #tpu.memory_space<hbm>>) target_semaphore(%arg12 : memref<!tpu.dma_semaphore, #tpu.memory_space<semaphore_mem>>)
    %get3A_490 = arith.constant 6 : i32
    %get3A_491 = arith.index_cast %get3A_490 : i32 to index
    %get3A_492 = arith.constant 0 : index
    %get3A_493 = tpu.vector_load %arg8[%get3A_491, %get3A_492] {strides = array<i32>} : memref<8x32xf32, #tpu.memory_space<vmem>>, vector<1x16xf32>,
    %get3A_494 = vector.shape_cast %get3A_493 : vector<1x16xf32> to vector<16xf32>
    %get3A_495 = arith.constant 6 : i32
    %get3A_496 = arith.index_cast %get3A_495 : i32 to index
    %get3A_497 = arith.constant 16 : index
    %get3A_498 = tpu.vector_load %arg8[%get3A_496, %get3A_497] {strides = array<i32>} : memref<8x32xf32, #tpu.memory_space<vmem>>, vector<1x16xf32>,
    %get3A_499 = vector.shape_cast %get3A_498 : vector<1x16xf32> to vector<16xf32>
    %parallel_loop3A_500 = arith.constant 0 : i32
    %parallel_loop3A_501 = arith.constant 32 : i32
    %parallel_loop3A_502 = arith.constant 1 : i32
    scf.for %parallel_loop3A_750 = %parallel_loop3A_500 to %parallel_loop3A_501 step %parallel_loop3A_502  : i32 {
      %parallel_loop3A_751 = arith.constant 16 : i32
      %parallel_loop3A_752 = arith.muli %parallel_loop3A_750, %parallel_loop3A_751 : i32
      %parallel_loop3A_753 = arith.constant 6 : i32
      %parallel_loop3A_754 = arith.index_cast %parallel_loop3A_753 : i32 to index
      %parallel_loop3A_755 = arith.index_cast %parallel_loop3A_752 : i32 to index
      %parallel_loop3A_756 = tpu.vector_load %arg7[%parallel_loop3A_754, %parallel_loop3A_755] {strides = array<i32>} : memref<8x512xf32, #tpu.memory_space<vmem>>, vector<1x16xf32>,
      %parallel_loop3A_757 = vector.shape_cast %parallel_loop3A_756 : vector<1x16xf32> to vector<16xf32>
      %parallel_loop3A_758 = arith.addf %parallel_loop3A_757, %get3A_494 : vector<16xf32>
      %parallel_loop3A_759 = arith.constant 32 : i32
      %parallel_loop3A_760 = arith.muli %parallel_loop3A_750, %parallel_loop3A_759 : i32
      %parallel_loop3A_761 = arith.index_cast %parallel_loop3A_760 : i32 to index
      %parallel_loop3A_762 = tpu.vector_load %arg9[%parallel_loop3A_761] {strides = array<i32>} : memref<1024xf32, #tpu.memory_space<vmem>>, vector<16xf32>,
      %parallel_loop3A_763 = vector.shape_cast %parallel_loop3A_762 : vector<16xf32> to vector<16xf32>
      %parallel_loop3A_764 = vector.shape_cast %parallel_loop3A_758 : vector<16xf32> to vector<16xf32>
      tpu.vector_store %arg9[%parallel_loop3A_761], %parallel_loop3A_764 {strides = array<i32>} : memref<1024xf32, #tpu.memory_space<vmem>>, vector<16xf32>,
      %parallel_loop3A_765 = arith.addf %parallel_loop3A_757, %get3A_499 : vector<16xf32>
      %parallel_loop3A_766 = arith.constant 32 : i32
      %parallel_loop3A_767 = arith.muli %parallel_loop3A_750, %parallel_loop3A_766 : i32
      %parallel_loop3A_768 = arith.constant 16 : i32
      %parallel_loop3A_769 = arith.addi %parallel_loop3A_767, %parallel_loop3A_768 : i32
      %parallel_loop3A_770 = arith.index_cast %parallel_loop3A_769 : i32 to index
      %parallel_loop3A_771 = tpu.vector_load %arg9[%parallel_loop3A_770] {strides = array<i32>} : memref<1024xf32, #tpu.memory_space<vmem>>, vector<16xf32>,
      %parallel_loop3A_772 = vector.shape_cast %parallel_loop3A_771 : vector<16xf32> to vector<16xf32>
      %parallel_loop3A_773 = vector.shape_cast %parallel_loop3A_765 : vector<16xf32> to vector<16xf32>
      tpu.vector_store %arg9[%parallel_loop3A_770], %parallel_loop3A_773 {strides = array<i32>} : memref<1024xf32, #tpu.memory_space<vmem>>, vector<16xf32>,
    } {sc.loop_unroll_factor = 4 : i64, sc.parallel_access}
    %dma_wait3A_503 = arith.constant 0 : i32
    %dma_wait3A_504 = arith.constant 0 : i32
    %dma_wait3A_505 = arith.constant 0 : i32
    %dma_wait3A_506 = arith.constant 0 : i32
    %dma_wait3A_507 = tpu.memref_slice %arg10[%dma_wait3A_503, %dma_wait3A_505, %dma_wait3A_506] : memref<2x32x1024xf32, #tpu.memory_space<vmem>> -> memref<1x32x1024xf32, #tpu.memory_space<vmem>>
    %dma_wait3A_508 = tpu.memref_squeeze %dma_wait3A_507 : memref<1x32x1024xf32, #tpu.memory_space<vmem>> -> memref<32x1024xf32, #tpu.memory_space<vmem>>
    %dma_wait3A_509 = arith.constant 0 : i32
    %dma_wait3A_510 = arith.constant 0 : i32
    %dma_wait3A_511 = tpu.memref_slice %arg5[%dma_wait3A_504, %add3A_359, %dma_wait3A_509, %dma_wait3A_510] : memref<2x256x32x1024xf32, #tpu.memory_space<hbm>> -> memref<1x1x32x1024xf32, #tpu.memory_space<hbm>>
    %dma_wait3A_512 = tpu.memref_squeeze %dma_wait3A_511 : memref<1x1x32x1024xf32, #tpu.memory_space<hbm>> -> memref<32x1024xf32, #tpu.memory_space<hbm>>
    %dma_wait3A_513 = arith.constant 0 : i32
    %dma_wait3A_514 = arith.constant 0 : i32
    %dma_wait3A_515 = tpu.memref_slice %arg5[%dma_wait3A_504, %add3A_359, %dma_wait3A_513, %dma_wait3A_514] : memref<2x256x32x1024xf32, #tpu.memory_space<hbm>> -> memref<1x1x32x1024xf32, #tpu.memory_space<hbm>>
    %dma_wait3A_516 = tpu.memref_squeeze %dma_wait3A_515 : memref<1x1x32x1024xf32, #tpu.memory_space<hbm>> -> memref<32x1024xf32, #tpu.memory_space<hbm>>
    %dma_wait3A_517 = arith.constant 0 : i32
    %dma_wait3A_518 = arith.constant 0 : i32
    %dma_wait3A_519 = tpu.memref_slice %arg10[%dma_wait3A_503, %dma_wait3A_517, %dma_wait3A_518] : memref<2x32x1024xf32, #tpu.memory_space<vmem>> -> memref<1x32x1024xf32, #tpu.memory_space<vmem>>
    %dma_wait3A_520 = tpu.memref_squeeze %dma_wait3A_519 : memref<1x32x1024xf32, #tpu.memory_space<vmem>> -> memref<32x1024xf32, #tpu.memory_space<vmem>>
    tpu.wait_dma2 semaphore(%arg11 : memref<!tpu.dma_semaphore, #tpu.memory_space<semaphore_mem>>) src(%dma_wait3A_520 : memref<32x1024xf32, #tpu.memory_space<vmem>>) dst(%dma_wait3A_516 : memref<32x1024xf32, #tpu.memory_space<hbm>>)
    %dma_wait3A_521 = arith.constant 0 : i32
    %dma_wait3A_522 = arith.constant 1 : i32
    %dma_wait3A_523 = arith.constant 0 : i32
    %dma_wait3A_524 = arith.constant 0 : i32
    %dma_wait3A_525 = tpu.memref_slice %arg10[%dma_wait3A_521, %dma_wait3A_523, %dma_wait3A_524] : memref<2x32x1024xf32, #tpu.memory_space<vmem>> -> memref<1x32x1024xf32, #tpu.memory_space<vmem>>
    %dma_wait3A_526 = tpu.memref_squeeze %dma_wait3A_525 : memref<1x32x1024xf32, #tpu.memory_space<vmem>> -> memref<32x1024xf32, #tpu.memory_space<vmem>>
    %dma_wait3A_527 = arith.constant 0 : i32
    %dma_wait3A_528 = arith.constant 0 : i32
    %dma_wait3A_529 = tpu.memref_slice %arg5[%dma_wait3A_522, %add3A_359, %dma_wait3A_527, %dma_wait3A_528] : memref<2x256x32x1024xf32, #tpu.memory_space<hbm>> -> memref<1x1x32x1024xf32, #tpu.memory_space<hbm>>
    %dma_wait3A_530 = tpu.memref_squeeze %dma_wait3A_529 : memref<1x1x32x1024xf32, #tpu.memory_space<hbm>> -> memref<32x1024xf32, #tpu.memory_space<hbm>>
    %dma_wait3A_531 = arith.constant 0 : i32
    %dma_wait3A_532 = arith.constant 0 : i32
    %dma_wait3A_533 = tpu.memref_slice %arg5[%dma_wait3A_522, %add3A_359, %dma_wait3A_531, %dma_wait3A_532] : memref<2x256x32x1024xf32, #tpu.memory_space<hbm>> -> memref<1x1x32x1024xf32, #tpu.memory_space<hbm>>
    %dma_wait3A_534 = tpu.memref_squeeze %dma_wait3A_533 : memref<1x1x32x1024xf32, #tpu.memory_space<hbm>> -> memref<32x1024xf32, #tpu.memory_space<hbm>>
    %dma_wait3A_535 = arith.constant 0 : i32
    %dma_wait3A_536 = arith.constant 0 : i32
    %dma_wait3A_537 = tpu.memref_slice %arg10[%dma_wait3A_521, %dma_wait3A_535, %dma_wait3A_536] : memref<2x32x1024xf32, #tpu.memory_space<vmem>> -> memref<1x32x1024xf32, #tpu.memory_space<vmem>>
    %dma_wait3A_538 = tpu.memref_squeeze %dma_wait3A_537 : memref<1x32x1024xf32, #tpu.memory_space<vmem>> -> memref<32x1024xf32, #tpu.memory_space<vmem>>
    tpu.wait_dma2 semaphore(%arg11 : memref<!tpu.dma_semaphore, #tpu.memory_space<semaphore_mem>>) src(%dma_wait3A_538 : memref<32x1024xf32, #tpu.memory_space<vmem>>) dst(%dma_wait3A_534 : memref<32x1024xf32, #tpu.memory_space<hbm>>)
    %scan3A_539 = arith.constant 0 : i32
    %scan3A_540 = arith.constant 0 : i32
    %scan3A_541 = arith.constant 32 : i32
    %scan3A_542 = arith.addi %scan3A_540, %scan3A_541 : i32
    %scan3A_543 = arith.constant 1 : i32
    %scan3A_544 = scf.for %scan3A_750 = %scan3A_540 to %scan3A_542 step %scan3A_543 iter_args(%scan3A_751 = %scan3A_539) -> (i32)  : i32 {
      %mul3A_752 = arith.constant 16 : i32
      %mul3A_753 = arith.muli %scan3A_750, %mul3A_752 : i32
      %get3A_754 = arith.constant 6 : i32
      %get3A_755 = arith.index_cast %get3A_754 : i32 to index
      %get3A_756 = arith.index_cast %mul3A_753 : i32 to index
      %get3A_757 = tpu.vector_load %arg6[%get3A_755, %get3A_756] {strides = array<i32>} : memref<8x512xf32, #tpu.memory_space<vmem>>, vector<1x16xf32>,
      %get3A_758 = vector.shape_cast %get3A_757 : vector<1x16xf32> to vector<16xf32>
      %parallel_loop3A_759 = arith.constant 0 : i32
      %parallel_loop3A_760 = arith.constant 64 : i32
      %parallel_loop3A_761 = arith.constant 1 : i32
      scf.for %parallel_loop3A_763 = %parallel_loop3A_759 to %parallel_loop3A_760 step %parallel_loop3A_761  : i32 {
        %parallel_loop3A_764 = arith.constant 16 : i32
        %parallel_loop3A_765 = arith.muli %parallel_loop3A_763, %parallel_loop3A_764 : i32
        %parallel_loop3A_766 = arith.index_cast %parallel_loop3A_765 : i32 to index
        %parallel_loop3A_767 = tpu.vector_load %arg9[%parallel_loop3A_766] {strides = array<i32>} : memref<1024xf32, #tpu.memory_space<vmem>>, vector<16xf32>,
        %parallel_loop3A_768 = vector.shape_cast %parallel_loop3A_767 : vector<16xf32> to vector<16xf32>
        %parallel_loop3A_769 = arith.addf %parallel_loop3A_768, %get3A_758 : vector<16xf32>
        %parallel_loop3A_770 = arith.constant 16 : i32
        %parallel_loop3A_771 = arith.muli %parallel_loop3A_763, %parallel_loop3A_770 : i32
        %parallel_loop3A_772 = arith.constant 0 : i32
        %parallel_loop3A_773 = arith.index_cast %parallel_loop3A_772 : i32 to index
        %parallel_loop3A_774 = arith.index_cast %scan3A_750 : i32 to index
        %parallel_loop3A_775 = arith.index_cast %parallel_loop3A_771 : i32 to index
        %parallel_loop3A_776 = tpu.vector_load %arg10[%parallel_loop3A_773, %parallel_loop3A_774, %parallel_loop3A_775] {strides = array<i32>} : memref<2x32x1024xf32, #tpu.memory_space<vmem>>, vector<1x1x16xf32>,
        %parallel_loop3A_777 = vector.shape_cast %parallel_loop3A_776 : vector<1x1x16xf32> to vector<16xf32>
        %parallel_loop3A_778 = vector.shape_cast %parallel_loop3A_769 : vector<16xf32> to vector<1x1x16xf32>
        tpu.vector_store %arg10[%parallel_loop3A_773, %parallel_loop3A_774, %parallel_loop3A_775], %parallel_loop3A_778 {strides = array<i32>} : memref<2x32x1024xf32, #tpu.memory_space<vmem>>, vector<1x1x16xf32>,
      } {sc.loop_unroll_factor = 8 : i64, sc.parallel_access}
      %scan3A_762 = arith.constant 0 : i32
      scf.yield %scan3A_762 : i32
    }
    %scan3A_545 = arith.constant 32 : i32
    %add3A_546 = arith.constant 6 : i32
    %add3A_547 = arith.addi %mul3A_2, %add3A_546 : i32
    %dma_start3A_548 = arith.constant 0 : i32
    %dma_start3A_549 = arith.constant 0 : i32
    %dma_start3A_550 = arith.constant 0 : i32
    %dma_start3A_551 = arith.constant 0 : i32
    %dma_start3A_552 = tpu.memref_slice %arg10[%dma_start3A_548, %dma_start3A_550, %dma_start3A_551] : memref<2x32x1024xf32, #tpu.memory_space<vmem>> -> memref<1x32x1024xf32, #tpu.memory_space<vmem>>
    %dma_start3A_553 = tpu.memref_squeeze %dma_start3A_552 : memref<1x32x1024xf32, #tpu.memory_space<vmem>> -> memref<32x1024xf32, #tpu.memory_space<vmem>>
    %dma_start3A_554 = arith.constant 0 : i32
    %dma_start3A_555 = arith.constant 0 : i32
    %dma_start3A_556 = tpu.memref_slice %arg5[%dma_start3A_549, %add3A_547, %dma_start3A_554, %dma_start3A_555] : memref<2x256x32x1024xf32, #tpu.memory_space<hbm>> -> memref<1x1x32x1024xf32, #tpu.memory_space<hbm>>
    %dma_start3A_557 = tpu.memref_squeeze %dma_start3A_556 : memref<1x1x32x1024xf32, #tpu.memory_space<hbm>> -> memref<32x1024xf32, #tpu.memory_space<hbm>>
    %dma_start3A_558 = arith.constant 0 : i32
    %dma_start3A_559 = arith.constant 0 : i32
    %dma_start3A_560 = tpu.memref_slice %arg5[%dma_start3A_549, %add3A_547, %dma_start3A_558, %dma_start3A_559] : memref<2x256x32x1024xf32, #tpu.memory_space<hbm>> -> memref<1x1x32x1024xf32, #tpu.memory_space<hbm>>
    %dma_start3A_561 = tpu.memref_squeeze %dma_start3A_560 : memref<1x1x32x1024xf32, #tpu.memory_space<hbm>> -> memref<32x1024xf32, #tpu.memory_space<hbm>>
    %dma_start3A_562 = arith.constant 0 : i32
    %dma_start3A_563 = arith.constant 0 : i32
    %dma_start3A_564 = tpu.memref_slice %arg10[%dma_start3A_548, %dma_start3A_562, %dma_start3A_563] : memref<2x32x1024xf32, #tpu.memory_space<vmem>> -> memref<1x32x1024xf32, #tpu.memory_space<vmem>>
    %dma_start3A_565 = tpu.memref_squeeze %dma_start3A_564 : memref<1x32x1024xf32, #tpu.memory_space<vmem>> -> memref<32x1024xf32, #tpu.memory_space<vmem>>
    tpu.enqueue_dma source(%dma_start3A_565 : memref<32x1024xf32, #tpu.memory_space<vmem>>) target(%dma_start3A_561 : memref<32x1024xf32, #tpu.memory_space<hbm>>) target_semaphore(%arg11 : memref<!tpu.dma_semaphore, #tpu.memory_space<semaphore_mem>>)
    %dma_start3A_566 = arith.constant 0 : i32
    %dma_start3A_567 = arith.constant 1 : i32
    %dma_start3A_568 = arith.constant 0 : i32
    %dma_start3A_569 = arith.constant 0 : i32
    %dma_start3A_570 = tpu.memref_slice %arg10[%dma_start3A_566, %dma_start3A_568, %dma_start3A_569] : memref<2x32x1024xf32, #tpu.memory_space<vmem>> -> memref<1x32x1024xf32, #tpu.memory_space<vmem>>
    %dma_start3A_571 = tpu.memref_squeeze %dma_start3A_570 : memref<1x32x1024xf32, #tpu.memory_space<vmem>> -> memref<32x1024xf32, #tpu.memory_space<vmem>>
    %dma_start3A_572 = arith.constant 0 : i32
    %dma_start3A_573 = arith.constant 0 : i32
    %dma_start3A_574 = tpu.memref_slice %arg5[%dma_start3A_567, %add3A_547, %dma_start3A_572, %dma_start3A_573] : memref<2x256x32x1024xf32, #tpu.memory_space<hbm>> -> memref<1x1x32x1024xf32, #tpu.memory_space<hbm>>
    %dma_start3A_575 = tpu.memref_squeeze %dma_start3A_574 : memref<1x1x32x1024xf32, #tpu.memory_space<hbm>> -> memref<32x1024xf32, #tpu.memory_space<hbm>>
    %dma_start3A_576 = arith.constant 0 : i32
    %dma_start3A_577 = arith.constant 0 : i32
    %dma_start3A_578 = tpu.memref_slice %arg5[%dma_start3A_567, %add3A_547, %dma_start3A_576, %dma_start3A_577] : memref<2x256x32x1024xf32, #tpu.memory_space<hbm>> -> memref<1x1x32x1024xf32, #tpu.memory_space<hbm>>
    %dma_start3A_579 = tpu.memref_squeeze %dma_start3A_578 : memref<1x1x32x1024xf32, #tpu.memory_space<hbm>> -> memref<32x1024xf32, #tpu.memory_space<hbm>>
    %dma_start3A_580 = arith.constant 0 : i32
    %dma_start3A_581 = arith.constant 0 : i32
    %dma_start3A_582 = tpu.memref_slice %arg10[%dma_start3A_566, %dma_start3A_580, %dma_start3A_581] : memref<2x32x1024xf32, #tpu.memory_space<vmem>> -> memref<1x32x1024xf32, #tpu.memory_space<vmem>>
    %dma_start3A_583 = tpu.memref_squeeze %dma_start3A_582 : memref<1x32x1024xf32, #tpu.memory_space<vmem>> -> memref<32x1024xf32, #tpu.memory_space<vmem>>
    tpu.enqueue_dma source(%dma_start3A_583 : memref<32x1024xf32, #tpu.memory_space<vmem>>) target(%dma_start3A_579 : memref<32x1024xf32, #tpu.memory_space<hbm>>) target_semaphore(%arg11 : memref<!tpu.dma_semaphore, #tpu.memory_space<semaphore_mem>>)
    %get3A_584 = arith.constant 7 : i32
    %get3A_585 = arith.index_cast %get3A_584 : i32 to index
    %get3A_586 = arith.constant 0 : index
    %get3A_587 = tpu.vector_load %arg8[%get3A_585, %get3A_586] {strides = array<i32>} : memref<8x32xf32, #tpu.memory_space<vmem>>, vector<1x16xf32>,
    %get3A_588 = vector.shape_cast %get3A_587 : vector<1x16xf32> to vector<16xf32>
    %get3A_589 = arith.constant 7 : i32
    %get3A_590 = arith.index_cast %get3A_589 : i32 to index
    %get3A_591 = arith.constant 16 : index
    %get3A_592 = tpu.vector_load %arg8[%get3A_590, %get3A_591] {strides = array<i32>} : memref<8x32xf32, #tpu.memory_space<vmem>>, vector<1x16xf32>,
    %get3A_593 = vector.shape_cast %get3A_592 : vector<1x16xf32> to vector<16xf32>
    %parallel_loop3A_594 = arith.constant 0 : i32
    %parallel_loop3A_595 = arith.constant 32 : i32
    %parallel_loop3A_596 = arith.constant 1 : i32
    scf.for %parallel_loop3A_750 = %parallel_loop3A_594 to %parallel_loop3A_595 step %parallel_loop3A_596  : i32 {
      %parallel_loop3A_751 = arith.constant 16 : i32
      %parallel_loop3A_752 = arith.muli %parallel_loop3A_750, %parallel_loop3A_751 : i32
      %parallel_loop3A_753 = arith.constant 7 : i32
      %parallel_loop3A_754 = arith.index_cast %parallel_loop3A_753 : i32 to index
      %parallel_loop3A_755 = arith.index_cast %parallel_loop3A_752 : i32 to index
      %parallel_loop3A_756 = tpu.vector_load %arg7[%parallel_loop3A_754, %parallel_loop3A_755] {strides = array<i32>} : memref<8x512xf32, #tpu.memory_space<vmem>>, vector<1x16xf32>,
      %parallel_loop3A_757 = vector.shape_cast %parallel_loop3A_756 : vector<1x16xf32> to vector<16xf32>
      %parallel_loop3A_758 = arith.addf %parallel_loop3A_757, %get3A_588 : vector<16xf32>
      %parallel_loop3A_759 = arith.constant 32 : i32
      %parallel_loop3A_760 = arith.muli %parallel_loop3A_750, %parallel_loop3A_759 : i32
      %parallel_loop3A_761 = arith.index_cast %parallel_loop3A_760 : i32 to index
      %parallel_loop3A_762 = tpu.vector_load %arg9[%parallel_loop3A_761] {strides = array<i32>} : memref<1024xf32, #tpu.memory_space<vmem>>, vector<16xf32>,
      %parallel_loop3A_763 = vector.shape_cast %parallel_loop3A_762 : vector<16xf32> to vector<16xf32>
      %parallel_loop3A_764 = vector.shape_cast %parallel_loop3A_758 : vector<16xf32> to vector<16xf32>
      tpu.vector_store %arg9[%parallel_loop3A_761], %parallel_loop3A_764 {strides = array<i32>} : memref<1024xf32, #tpu.memory_space<vmem>>, vector<16xf32>,
      %parallel_loop3A_765 = arith.addf %parallel_loop3A_757, %get3A_593 : vector<16xf32>
      %parallel_loop3A_766 = arith.constant 32 : i32
      %parallel_loop3A_767 = arith.muli %parallel_loop3A_750, %parallel_loop3A_766 : i32
      %parallel_loop3A_768 = arith.constant 16 : i32
      %parallel_loop3A_769 = arith.addi %parallel_loop3A_767, %parallel_loop3A_768 : i32
      %parallel_loop3A_770 = arith.index_cast %parallel_loop3A_769 : i32 to index
      %parallel_loop3A_771 = tpu.vector_load %arg9[%parallel_loop3A_770] {strides = array<i32>} : memref<1024xf32, #tpu.memory_space<vmem>>, vector<16xf32>,
      %parallel_loop3A_772 = vector.shape_cast %parallel_loop3A_771 : vector<16xf32> to vector<16xf32>
      %parallel_loop3A_773 = vector.shape_cast %parallel_loop3A_765 : vector<16xf32> to vector<16xf32>
      tpu.vector_store %arg9[%parallel_loop3A_770], %parallel_loop3A_773 {strides = array<i32>} : memref<1024xf32, #tpu.memory_space<vmem>>, vector<16xf32>,
    } {sc.loop_unroll_factor = 4 : i64, sc.parallel_access}
    %dma_wait3A_597 = arith.constant 1 : i32
    %dma_wait3A_598 = arith.constant 0 : i32
    %dma_wait3A_599 = arith.constant 0 : i32
    %dma_wait3A_600 = arith.constant 0 : i32
    %dma_wait3A_601 = tpu.memref_slice %arg10[%dma_wait3A_597, %dma_wait3A_599, %dma_wait3A_600] : memref<2x32x1024xf32, #tpu.memory_space<vmem>> -> memref<1x32x1024xf32, #tpu.memory_space<vmem>>
    %dma_wait3A_602 = tpu.memref_squeeze %dma_wait3A_601 : memref<1x32x1024xf32, #tpu.memory_space<vmem>> -> memref<32x1024xf32, #tpu.memory_space<vmem>>
    %dma_wait3A_603 = arith.constant 0 : i32
    %dma_wait3A_604 = arith.constant 0 : i32
    %dma_wait3A_605 = tpu.memref_slice %arg5[%dma_wait3A_598, %add3A_453, %dma_wait3A_603, %dma_wait3A_604] : memref<2x256x32x1024xf32, #tpu.memory_space<hbm>> -> memref<1x1x32x1024xf32, #tpu.memory_space<hbm>>
    %dma_wait3A_606 = tpu.memref_squeeze %dma_wait3A_605 : memref<1x1x32x1024xf32, #tpu.memory_space<hbm>> -> memref<32x1024xf32, #tpu.memory_space<hbm>>
    %dma_wait3A_607 = arith.constant 0 : i32
    %dma_wait3A_608 = arith.constant 0 : i32
    %dma_wait3A_609 = tpu.memref_slice %arg5[%dma_wait3A_598, %add3A_453, %dma_wait3A_607, %dma_wait3A_608] : memref<2x256x32x1024xf32, #tpu.memory_space<hbm>> -> memref<1x1x32x1024xf32, #tpu.memory_space<hbm>>
    %dma_wait3A_610 = tpu.memref_squeeze %dma_wait3A_609 : memref<1x1x32x1024xf32, #tpu.memory_space<hbm>> -> memref<32x1024xf32, #tpu.memory_space<hbm>>
    %dma_wait3A_611 = arith.constant 0 : i32
    %dma_wait3A_612 = arith.constant 0 : i32
    %dma_wait3A_613 = tpu.memref_slice %arg10[%dma_wait3A_597, %dma_wait3A_611, %dma_wait3A_612] : memref<2x32x1024xf32, #tpu.memory_space<vmem>> -> memref<1x32x1024xf32, #tpu.memory_space<vmem>>
    %dma_wait3A_614 = tpu.memref_squeeze %dma_wait3A_613 : memref<1x32x1024xf32, #tpu.memory_space<vmem>> -> memref<32x1024xf32, #tpu.memory_space<vmem>>
    tpu.wait_dma2 semaphore(%arg12 : memref<!tpu.dma_semaphore, #tpu.memory_space<semaphore_mem>>) src(%dma_wait3A_614 : memref<32x1024xf32, #tpu.memory_space<vmem>>) dst(%dma_wait3A_610 : memref<32x1024xf32, #tpu.memory_space<hbm>>)
    %dma_wait3A_615 = arith.constant 1 : i32
    %dma_wait3A_616 = arith.constant 1 : i32
    %dma_wait3A_617 = arith.constant 0 : i32
    %dma_wait3A_618 = arith.constant 0 : i32
    %dma_wait3A_619 = tpu.memref_slice %arg10[%dma_wait3A_615, %dma_wait3A_617, %dma_wait3A_618] : memref<2x32x1024xf32, #tpu.memory_space<vmem>> -> memref<1x32x1024xf32, #tpu.memory_space<vmem>>
    %dma_wait3A_620 = tpu.memref_squeeze %dma_wait3A_619 : memref<1x32x1024xf32, #tpu.memory_space<vmem>> -> memref<32x1024xf32, #tpu.memory_space<vmem>>
    %dma_wait3A_621 = arith.constant 0 : i32
    %dma_wait3A_622 = arith.constant 0 : i32
    %dma_wait3A_623 = tpu.memref_slice %arg5[%dma_wait3A_616, %add3A_453, %dma_wait3A_621, %dma_wait3A_622] : memref<2x256x32x1024xf32, #tpu.memory_space<hbm>> -> memref<1x1x32x1024xf32, #tpu.memory_space<hbm>>
    %dma_wait3A_624 = tpu.memref_squeeze %dma_wait3A_623 : memref<1x1x32x1024xf32, #tpu.memory_space<hbm>> -> memref<32x1024xf32, #tpu.memory_space<hbm>>
    %dma_wait3A_625 = arith.constant 0 : i32
    %dma_wait3A_626 = arith.constant 0 : i32
    %dma_wait3A_627 = tpu.memref_slice %arg5[%dma_wait3A_616, %add3A_453, %dma_wait3A_625, %dma_wait3A_626] : memref<2x256x32x1024xf32, #tpu.memory_space<hbm>> -> memref<1x1x32x1024xf32, #tpu.memory_space<hbm>>
    %dma_wait3A_628 = tpu.memref_squeeze %dma_wait3A_627 : memref<1x1x32x1024xf32, #tpu.memory_space<hbm>> -> memref<32x1024xf32, #tpu.memory_space<hbm>>
    %dma_wait3A_629 = arith.constant 0 : i32
    %dma_wait3A_630 = arith.constant 0 : i32
    %dma_wait3A_631 = tpu.memref_slice %arg10[%dma_wait3A_615, %dma_wait3A_629, %dma_wait3A_630] : memref<2x32x1024xf32, #tpu.memory_space<vmem>> -> memref<1x32x1024xf32, #tpu.memory_space<vmem>>
    %dma_wait3A_632 = tpu.memref_squeeze %dma_wait3A_631 : memref<1x32x1024xf32, #tpu.memory_space<vmem>> -> memref<32x1024xf32, #tpu.memory_space<vmem>>
    tpu.wait_dma2 semaphore(%arg12 : memref<!tpu.dma_semaphore, #tpu.memory_space<semaphore_mem>>) src(%dma_wait3A_632 : memref<32x1024xf32, #tpu.memory_space<vmem>>) dst(%dma_wait3A_628 : memref<32x1024xf32, #tpu.memory_space<hbm>>)
    %scan3A_633 = arith.constant 0 : i32
    %scan3A_634 = arith.constant 0 : i32
    %scan3A_635 = arith.constant 32 : i32
    %scan3A_636 = arith.addi %scan3A_634, %scan3A_635 : i32
    %scan3A_637 = arith.constant 1 : i32
    %scan3A_638 = scf.for %scan3A_750 = %scan3A_634 to %scan3A_636 step %scan3A_637 iter_args(%scan3A_751 = %scan3A_633) -> (i32)  : i32 {
      %mul3A_752 = arith.constant 16 : i32
      %mul3A_753 = arith.muli %scan3A_750, %mul3A_752 : i32
      %get3A_754 = arith.constant 7 : i32
      %get3A_755 = arith.index_cast %get3A_754 : i32 to index
      %get3A_756 = arith.index_cast %mul3A_753 : i32 to index
      %get3A_757 = tpu.vector_load %arg6[%get3A_755, %get3A_756] {strides = array<i32>} : memref<8x512xf32, #tpu.memory_space<vmem>>, vector<1x16xf32>,
      %get3A_758 = vector.shape_cast %get3A_757 : vector<1x16xf32> to vector<16xf32>
      %parallel_loop3A_759 = arith.constant 0 : i32
      %parallel_loop3A_760 = arith.constant 64 : i32
      %parallel_loop3A_761 = arith.constant 1 : i32
      scf.for %parallel_loop3A_763 = %parallel_loop3A_759 to %parallel_loop3A_760 step %parallel_loop3A_761  : i32 {
        %parallel_loop3A_764 = arith.constant 16 : i32
        %parallel_loop3A_765 = arith.muli %parallel_loop3A_763, %parallel_loop3A_764 : i32
        %parallel_loop3A_766 = arith.index_cast %parallel_loop3A_765 : i32 to index
        %parallel_loop3A_767 = tpu.vector_load %arg9[%parallel_loop3A_766] {strides = array<i32>} : memref<1024xf32, #tpu.memory_space<vmem>>, vector<16xf32>,
        %parallel_loop3A_768 = vector.shape_cast %parallel_loop3A_767 : vector<16xf32> to vector<16xf32>
        %parallel_loop3A_769 = arith.addf %parallel_loop3A_768, %get3A_758 : vector<16xf32>
        %parallel_loop3A_770 = arith.constant 16 : i32
        %parallel_loop3A_771 = arith.muli %parallel_loop3A_763, %parallel_loop3A_770 : i32
        %parallel_loop3A_772 = arith.constant 1 : i32
        %parallel_loop3A_773 = arith.index_cast %parallel_loop3A_772 : i32 to index
        %parallel_loop3A_774 = arith.index_cast %scan3A_750 : i32 to index
        %parallel_loop3A_775 = arith.index_cast %parallel_loop3A_771 : i32 to index
        %parallel_loop3A_776 = tpu.vector_load %arg10[%parallel_loop3A_773, %parallel_loop3A_774, %parallel_loop3A_775] {strides = array<i32>} : memref<2x32x1024xf32, #tpu.memory_space<vmem>>, vector<1x1x16xf32>,
        %parallel_loop3A_777 = vector.shape_cast %parallel_loop3A_776 : vector<1x1x16xf32> to vector<16xf32>
        %parallel_loop3A_778 = vector.shape_cast %parallel_loop3A_769 : vector<16xf32> to vector<1x1x16xf32>
        tpu.vector_store %arg10[%parallel_loop3A_773, %parallel_loop3A_774, %parallel_loop3A_775], %parallel_loop3A_778 {strides = array<i32>} : memref<2x32x1024xf32, #tpu.memory_space<vmem>>, vector<1x1x16xf32>,
      } {sc.loop_unroll_factor = 8 : i64, sc.parallel_access}
      %scan3A_762 = arith.constant 0 : i32
      scf.yield %scan3A_762 : i32
    }
    %scan3A_639 = arith.constant 32 : i32
    %add3A_640 = arith.constant 7 : i32
    %add3A_641 = arith.addi %mul3A_2, %add3A_640 : i32
    %dma_start3A_642 = arith.constant 1 : i32
    %dma_start3A_643 = arith.constant 0 : i32
    %dma_start3A_644 = arith.constant 0 : i32
    %dma_start3A_645 = arith.constant 0 : i32
    %dma_start3A_646 = tpu.memref_slice %arg10[%dma_start3A_642, %dma_start3A_644, %dma_start3A_645] : memref<2x32x1024xf32, #tpu.memory_space<vmem>> -> memref<1x32x1024xf32, #tpu.memory_space<vmem>>
    %dma_start3A_647 = tpu.memref_squeeze %dma_start3A_646 : memref<1x32x1024xf32, #tpu.memory_space<vmem>> -> memref<32x1024xf32, #tpu.memory_space<vmem>>
    %dma_start3A_648 = arith.constant 0 : i32
    %dma_start3A_649 = arith.constant 0 : i32
    %dma_start3A_650 = tpu.memref_slice %arg5[%dma_start3A_643, %add3A_641, %dma_start3A_648, %dma_start3A_649] : memref<2x256x32x1024xf32, #tpu.memory_space<hbm>> -> memref<1x1x32x1024xf32, #tpu.memory_space<hbm>>
    %dma_start3A_651 = tpu.memref_squeeze %dma_start3A_650 : memref<1x1x32x1024xf32, #tpu.memory_space<hbm>> -> memref<32x1024xf32, #tpu.memory_space<hbm>>
    %dma_start3A_652 = arith.constant 0 : i32
    %dma_start3A_653 = arith.constant 0 : i32
    %dma_start3A_654 = tpu.memref_slice %arg5[%dma_start3A_643, %add3A_641, %dma_start3A_652, %dma_start3A_653] : memref<2x256x32x1024xf32, #tpu.memory_space<hbm>> -> memref<1x1x32x1024xf32, #tpu.memory_space<hbm>>
    %dma_start3A_655 = tpu.memref_squeeze %dma_start3A_654 : memref<1x1x32x1024xf32, #tpu.memory_space<hbm>> -> memref<32x1024xf32, #tpu.memory_space<hbm>>
    %dma_start3A_656 = arith.constant 0 : i32
    %dma_start3A_657 = arith.constant 0 : i32
    %dma_start3A_658 = tpu.memref_slice %arg10[%dma_start3A_642, %dma_start3A_656, %dma_start3A_657] : memref<2x32x1024xf32, #tpu.memory_space<vmem>> -> memref<1x32x1024xf32, #tpu.memory_space<vmem>>
    %dma_start3A_659 = tpu.memref_squeeze %dma_start3A_658 : memref<1x32x1024xf32, #tpu.memory_space<vmem>> -> memref<32x1024xf32, #tpu.memory_space<vmem>>
    tpu.enqueue_dma source(%dma_start3A_659 : memref<32x1024xf32, #tpu.memory_space<vmem>>) target(%dma_start3A_655 : memref<32x1024xf32, #tpu.memory_space<hbm>>) target_semaphore(%arg12 : memref<!tpu.dma_semaphore, #tpu.memory_space<semaphore_mem>>)
    %dma_start3A_660 = arith.constant 1 : i32
    %dma_start3A_661 = arith.constant 1 : i32
    %dma_start3A_662 = arith.constant 0 : i32
    %dma_start3A_663 = arith.constant 0 : i32
    %dma_start3A_664 = tpu.memref_slice %arg10[%dma_start3A_660, %dma_start3A_662, %dma_start3A_663] : memref<2x32x1024xf32, #tpu.memory_space<vmem>> -> memref<1x32x1024xf32, #tpu.memory_space<vmem>>
    %dma_start3A_665 = tpu.memref_squeeze %dma_start3A_664 : memref<1x32x1024xf32, #tpu.memory_space<vmem>> -> memref<32x1024xf32, #tpu.memory_space<vmem>>
    %dma_start3A_666 = arith.constant 0 : i32
    %dma_start3A_667 = arith.constant 0 : i32
    %dma_start3A_668 = tpu.memref_slice %arg5[%dma_start3A_661, %add3A_641, %dma_start3A_666, %dma_start3A_667] : memref<2x256x32x1024xf32, #tpu.memory_space<hbm>> -> memref<1x1x32x1024xf32, #tpu.memory_space<hbm>>
    %dma_start3A_669 = tpu.memref_squeeze %dma_start3A_668 : memref<1x1x32x1024xf32, #tpu.memory_space<hbm>> -> memref<32x1024xf32, #tpu.memory_space<hbm>>
    %dma_start3A_670 = arith.constant 0 : i32
    %dma_start3A_671 = arith.constant 0 : i32
    %dma_start3A_672 = tpu.memref_slice %arg5[%dma_start3A_661, %add3A_641, %dma_start3A_670, %dma_start3A_671] : memref<2x256x32x1024xf32, #tpu.memory_space<hbm>> -> memref<1x1x32x1024xf32, #tpu.memory_space<hbm>>
    %dma_start3A_673 = tpu.memref_squeeze %dma_start3A_672 : memref<1x1x32x1024xf32, #tpu.memory_space<hbm>> -> memref<32x1024xf32, #tpu.memory_space<hbm>>
    %dma_start3A_674 = arith.constant 0 : i32
    %dma_start3A_675 = arith.constant 0 : i32
    %dma_start3A_676 = tpu.memref_slice %arg10[%dma_start3A_660, %dma_start3A_674, %dma_start3A_675] : memref<2x32x1024xf32, #tpu.memory_space<vmem>> -> memref<1x32x1024xf32, #tpu.memory_space<vmem>>
    %dma_start3A_677 = tpu.memref_squeeze %dma_start3A_676 : memref<1x32x1024xf32, #tpu.memory_space<vmem>> -> memref<32x1024xf32, #tpu.memory_space<vmem>>
    tpu.enqueue_dma source(%dma_start3A_677 : memref<32x1024xf32, #tpu.memory_space<vmem>>) target(%dma_start3A_673 : memref<32x1024xf32, #tpu.memory_space<hbm>>) target_semaphore(%arg12 : memref<!tpu.dma_semaphore, #tpu.memory_space<semaphore_mem>>)
    %dma_wait3A_678 = arith.constant 0 : i32
    %dma_wait3A_679 = arith.constant 0 : i32
    %dma_wait3A_680 = arith.constant 0 : i32
    %dma_wait3A_681 = arith.constant 0 : i32
    %dma_wait3A_682 = tpu.memref_slice %arg10[%dma_wait3A_678, %dma_wait3A_680, %dma_wait3A_681] : memref<2x32x1024xf32, #tpu.memory_space<vmem>> -> memref<1x32x1024xf32, #tpu.memory_space<vmem>>
    %dma_wait3A_683 = tpu.memref_squeeze %dma_wait3A_682 : memref<1x32x1024xf32, #tpu.memory_space<vmem>> -> memref<32x1024xf32, #tpu.memory_space<vmem>>
    %dma_wait3A_684 = arith.constant 0 : i32
    %dma_wait3A_685 = arith.constant 0 : i32
    %dma_wait3A_686 = tpu.memref_slice %arg5[%dma_wait3A_679, %add3A_547, %dma_wait3A_684, %dma_wait3A_685] : memref<2x256x32x1024xf32, #tpu.memory_space<hbm>> -> memref<1x1x32x1024xf32, #tpu.memory_space<hbm>>
    %dma_wait3A_687 = tpu.memref_squeeze %dma_wait3A_686 : memref<1x1x32x1024xf32, #tpu.memory_space<hbm>> -> memref<32x1024xf32, #tpu.memory_space<hbm>>
    %dma_wait3A_688 = arith.constant 0 : i32
    %dma_wait3A_689 = arith.constant 0 : i32
    %dma_wait3A_690 = tpu.memref_slice %arg5[%dma_wait3A_679, %add3A_547, %dma_wait3A_688, %dma_wait3A_689] : memref<2x256x32x1024xf32, #tpu.memory_space<hbm>> -> memref<1x1x32x1024xf32, #tpu.memory_space<hbm>>
    %dma_wait3A_691 = tpu.memref_squeeze %dma_wait3A_690 : memref<1x1x32x1024xf32, #tpu.memory_space<hbm>> -> memref<32x1024xf32, #tpu.memory_space<hbm>>
    %dma_wait3A_692 = arith.constant 0 : i32
    %dma_wait3A_693 = arith.constant 0 : i32
    %dma_wait3A_694 = tpu.memref_slice %arg10[%dma_wait3A_678, %dma_wait3A_692, %dma_wait3A_693] : memref<2x32x1024xf32, #tpu.memory_space<vmem>> -> memref<1x32x1024xf32, #tpu.memory_space<vmem>>
    %dma_wait3A_695 = tpu.memref_squeeze %dma_wait3A_694 : memref<1x32x1024xf32, #tpu.memory_space<vmem>> -> memref<32x1024xf32, #tpu.memory_space<vmem>>
    tpu.wait_dma2 semaphore(%arg11 : memref<!tpu.dma_semaphore, #tpu.memory_space<semaphore_mem>>) src(%dma_wait3A_695 : memref<32x1024xf32, #tpu.memory_space<vmem>>) dst(%dma_wait3A_691 : memref<32x1024xf32, #tpu.memory_space<hbm>>)
    %dma_wait3A_696 = arith.constant 0 : i32
    %dma_wait3A_697 = arith.constant 1 : i32
    %dma_wait3A_698 = arith.constant 0 : i32
    %dma_wait3A_699 = arith.constant 0 : i32
    %dma_wait3A_700 = tpu.memref_slice %arg10[%dma_wait3A_696, %dma_wait3A_698, %dma_wait3A_699] : memref<2x32x1024xf32, #tpu.memory_space<vmem>> -> memref<1x32x1024xf32, #tpu.memory_space<vmem>>
    %dma_wait3A_701 = tpu.memref_squeeze %dma_wait3A_700 : memref<1x32x1024xf32, #tpu.memory_space<vmem>> -> memref<32x1024xf32, #tpu.memory_space<vmem>>
    %dma_wait3A_702 = arith.constant 0 : i32
    %dma_wait3A_703 = arith.constant 0 : i32
    %dma_wait3A_704 = tpu.memref_slice %arg5[%dma_wait3A_697, %add3A_547, %dma_wait3A_702, %dma_wait3A_703] : memref<2x256x32x1024xf32, #tpu.memory_space<hbm>> -> memref<1x1x32x1024xf32, #tpu.memory_space<hbm>>
    %dma_wait3A_705 = tpu.memref_squeeze %dma_wait3A_704 : memref<1x1x32x1024xf32, #tpu.memory_space<hbm>> -> memref<32x1024xf32, #tpu.memory_space<hbm>>
    %dma_wait3A_706 = arith.constant 0 : i32
    %dma_wait3A_707 = arith.constant 0 : i32
    %dma_wait3A_708 = tpu.memref_slice %arg5[%dma_wait3A_697, %add3A_547, %dma_wait3A_706, %dma_wait3A_707] : memref<2x256x32x1024xf32, #tpu.memory_space<hbm>> -> memref<1x1x32x1024xf32, #tpu.memory_space<hbm>>
    %dma_wait3A_709 = tpu.memref_squeeze %dma_wait3A_708 : memref<1x1x32x1024xf32, #tpu.memory_space<hbm>> -> memref<32x1024xf32, #tpu.memory_space<hbm>>
    %dma_wait3A_710 = arith.constant 0 : i32
    %dma_wait3A_711 = arith.constant 0 : i32
    %dma_wait3A_712 = tpu.memref_slice %arg10[%dma_wait3A_696, %dma_wait3A_710, %dma_wait3A_711] : memref<2x32x1024xf32, #tpu.memory_space<vmem>> -> memref<1x32x1024xf32, #tpu.memory_space<vmem>>
    %dma_wait3A_713 = tpu.memref_squeeze %dma_wait3A_712 : memref<1x32x1024xf32, #tpu.memory_space<vmem>> -> memref<32x1024xf32, #tpu.memory_space<vmem>>
    tpu.wait_dma2 semaphore(%arg11 : memref<!tpu.dma_semaphore, #tpu.memory_space<semaphore_mem>>) src(%dma_wait3A_713 : memref<32x1024xf32, #tpu.memory_space<vmem>>) dst(%dma_wait3A_709 : memref<32x1024xf32, #tpu.memory_space<hbm>>)
    %dma_wait3A_714 = arith.constant 1 : i32
    %dma_wait3A_715 = arith.constant 0 : i32
    %dma_wait3A_716 = arith.constant 0 : i32
    %dma_wait3A_717 = arith.constant 0 : i32
    %dma_wait3A_718 = tpu.memref_slice %arg10[%dma_wait3A_714, %dma_wait3A_716, %dma_wait3A_717] : memref<2x32x1024xf32, #tpu.memory_space<vmem>> -> memref<1x32x1024xf32, #tpu.memory_space<vmem>>
    %dma_wait3A_719 = tpu.memref_squeeze %dma_wait3A_718 : memref<1x32x1024xf32, #tpu.memory_space<vmem>> -> memref<32x1024xf32, #tpu.memory_space<vmem>>
    %dma_wait3A_720 = arith.constant 0 : i32
    %dma_wait3A_721 = arith.constant 0 : i32
    %dma_wait3A_722 = tpu.memref_slice %arg5[%dma_wait3A_715, %add3A_641, %dma_wait3A_720, %dma_wait3A_721] : memref<2x256x32x1024xf32, #tpu.memory_space<hbm>> -> memref<1x1x32x1024xf32, #tpu.memory_space<hbm>>
    %dma_wait3A_723 = tpu.memref_squeeze %dma_wait3A_722 : memref<1x1x32x1024xf32, #tpu.memory_space<hbm>> -> memref<32x1024xf32, #tpu.memory_space<hbm>>
    %dma_wait3A_724 = arith.constant 0 : i32
    %dma_wait3A_725 = arith.constant 0 : i32
    %dma_wait3A_726 = tpu.memref_slice %arg5[%dma_wait3A_715, %add3A_641, %dma_wait3A_724, %dma_wait3A_725] : memref<2x256x32x1024xf32, #tpu.memory_space<hbm>> -> memref<1x1x32x1024xf32, #tpu.memory_space<hbm>>
    %dma_wait3A_727 = tpu.memref_squeeze %dma_wait3A_726 : memref<1x1x32x1024xf32, #tpu.memory_space<hbm>> -> memref<32x1024xf32, #tpu.memory_space<hbm>>
    %dma_wait3A_728 = arith.constant 0 : i32
    %dma_wait3A_729 = arith.constant 0 : i32
    %dma_wait3A_730 = tpu.memref_slice %arg10[%dma_wait3A_714, %dma_wait3A_728, %dma_wait3A_729] : memref<2x32x1024xf32, #tpu.memory_space<vmem>> -> memref<1x32x1024xf32, #tpu.memory_space<vmem>>
    %dma_wait3A_731 = tpu.memref_squeeze %dma_wait3A_730 : memref<1x32x1024xf32, #tpu.memory_space<vmem>> -> memref<32x1024xf32, #tpu.memory_space<vmem>>
    tpu.wait_dma2 semaphore(%arg12 : memref<!tpu.dma_semaphore, #tpu.memory_space<semaphore_mem>>) src(%dma_wait3A_731 : memref<32x1024xf32, #tpu.memory_space<vmem>>) dst(%dma_wait3A_727 : memref<32x1024xf32, #tpu.memory_space<hbm>>)
    %dma_wait3A_732 = arith.constant 1 : i32
    %dma_wait3A_733 = arith.constant 1 : i32
    %dma_wait3A_734 = arith.constant 0 : i32
    %dma_wait3A_735 = arith.constant 0 : i32
    %dma_wait3A_736 = tpu.memref_slice %arg10[%dma_wait3A_732, %dma_wait3A_734, %dma_wait3A_735] : memref<2x32x1024xf32, #tpu.memory_space<vmem>> -> memref<1x32x1024xf32, #tpu.memory_space<vmem>>
    %dma_wait3A_737 = tpu.memref_squeeze %dma_wait3A_736 : memref<1x32x1024xf32, #tpu.memory_space<vmem>> -> memref<32x1024xf32, #tpu.memory_space<vmem>>
    %dma_wait3A_738 = arith.constant 0 : i32
    %dma_wait3A_739 = arith.constant 0 : i32
    %dma_wait3A_740 = tpu.memref_slice %arg5[%dma_wait3A_733, %add3A_641, %dma_wait3A_738, %dma_wait3A_739] : memref<2x256x32x1024xf32, #tpu.memory_space<hbm>> -> memref<1x1x32x1024xf32, #tpu.memory_space<hbm>>
    %dma_wait3A_741 = tpu.memref_squeeze %dma_wait3A_740 : memref<1x1x32x1024xf32, #tpu.memory_space<hbm>> -> memref<32x1024xf32, #tpu.memory_space<hbm>>
    %dma_wait3A_742 = arith.constant 0 : i32
    %dma_wait3A_743 = arith.constant 0 : i32
    %dma_wait3A_744 = tpu.memref_slice %arg5[%dma_wait3A_733, %add3A_641, %dma_wait3A_742, %dma_wait3A_743] : memref<2x256x32x1024xf32, #tpu.memory_space<hbm>> -> memref<1x1x32x1024xf32, #tpu.memory_space<hbm>>
    %dma_wait3A_745 = tpu.memref_squeeze %dma_wait3A_744 : memref<1x1x32x1024xf32, #tpu.memory_space<hbm>> -> memref<32x1024xf32, #tpu.memory_space<hbm>>
    %dma_wait3A_746 = arith.constant 0 : i32
    %dma_wait3A_747 = arith.constant 0 : i32
    %dma_wait3A_748 = tpu.memref_slice %arg10[%dma_wait3A_732, %dma_wait3A_746, %dma_wait3A_747] : memref<2x32x1024xf32, #tpu.memory_space<vmem>> -> memref<1x32x1024xf32, #tpu.memory_space<vmem>>
    %dma_wait3A_749 = tpu.memref_squeeze %dma_wait3A_748 : memref<1x32x1024xf32, #tpu.memory_space<vmem>> -> memref<32x1024xf32, #tpu.memory_space<vmem>>
    tpu.wait_dma2 semaphore(%arg12 : memref<!tpu.dma_semaphore, #tpu.memory_space<semaphore_mem>>) src(%dma_wait3A_749 : memref<32x1024xf32, #tpu.memory_space<vmem>>) dst(%dma_wait3A_745 : memref<32x1024xf32, #tpu.memory_space<hbm>>)
    return
  }
}

</mosaic_0001>

<sc_bundles>
// kernel: kernel.3.cloned.1.call-start
scs
__scs_entry_jumppad:
0x0: {  	(pc) =	sbr.rel $0x88, $3  }
0x1: {  	(tag) =	ssettag $0x0;
	lr =	simm.s32 $0x1  }
0x2: {  	[smem:$0x3F9E] =	sst lr;
	_ =	strace $0xD0000000  }
0x3: {  	_ = 	snop  }
0x4: {  	_ = 	snop  }
0x5: {  	_ = 	snop  }
0x6: {  	_ = 	snop  }
0x7: {  	_ = 	snop  }
__scs_overlays_trampoline_lowered:
0x8: {  	[smem:$0x3FAD] =	sst s0  }
0x9: {  	[smem:$0x3FAE] =	sst s1  }
0xa: {  	[smem:$0x3FAF] =	sst s2  }
0xb: {  	[smem:$0x3FB0] =	sst s3  }
0xc: {  	[smem:$0x3FB1] =	sst s4  }
0xd: {  	[smem:$0x3FB2] =	sst s5  }
0xe: {  	[smem:$0x3FB3] =	sst s6  }
0xf: {  	[smem:$0x3FB4] =	sst s7  }
0x10: {  	[smem:$0x3FB5] =	sst s8  }
0x11: {  	[smem:$0x3FB6] =	sst s9;
	s0 =	simm.s32 @!p0 $0x0  }
0x12: {  	s1 =	sld [smem:$0x3F9C];
	s0 =	simm.s32 @p0 $0x1  }
0x13: {  	[smem:$0x3FB7] =	sst s0;
	s0 =	simm.s32 @!p1 $0x0  }
0x14: {  	s2 =	sld [smem:$0x3F9B];
	s0 =	simm.s32 @p1 $0x1  }
0x15: {  	[smem:$0x3FB8] =	sst s0;
	s0 =	simm.s32 @!p2 $0x0  }
0x16: {  	s3 =	sld [smem:$0x3FDB];
	s0 =	simm.s32 @p2 $0x1  }
0x17: {  	s4 =	simm.s32 $0x1BF5;
	[smem:$0x3FBA] =	sst s0  }
0x18: {  	s0 =	sld [smem:$0x3F9D];
	_ =	swait.ge [sflag:s4], $0x0  }
0x19: {  	s7 =	sld [smem:$0x3F9E]  }
0x1a: {  	s8 =	sadd.s32 $0xFFFFE003, lr  }
0x1b: {  	s9 =	sadd.s32 $0xFFFFFEF7, lr;
	s5 =	simm.s32 $0xFFFFFFFF;
	p2 =	slt.u32 s8, $0xFFFFF086  }
0x1c: {  	p1 =	slt.u32 s9, $0xF7A;
	s5 =	simm.s32 @!p2 $0x0  }
0x1d: {  	s5 =	simm.s32 @p1 $0x1;
	p0 =	seq.s32 s7, s2  }
0x1e: {  	s7 =	smul.u32 @!p0 $0xF7A, s2;
	p2 =	seq.s32 @!p0 s5, $0x0  }
0x1f: {  	s9 =	smul.u32 $0xF7A, s1;
	s8 =	simm.s32 @!p0 $0x1BF5;
	p2 =	por !p2, p0  }
0x20: {  	[sflag:s8] =	ssyncset.s32 @!p0 $0xFFFFF086;
	s6 =	sadd.s32 @!p0 s3, s7;
	s7 =	simm.s32 @!p0 $0x108  }
0x21: {  	s3 =	sadd.s32 s3, s9;
	s6 =	sadd.s32 @!p0 $0x88, s6;
	s7 =	simm.s32 @p2 $0x1082  }
0x22: {  	[simem:s7], [sflag:s8] =	dma.local @!p0 [hbm:s6], $0xF7A  }
0x23: {  	s9 =	sor.u32 $0xD0000000, s2;
	s6 =	simm.s32 $0x108;
	_ =	swait.ge @!p0 [sflag:s8], $0x0  }
0x24: {  	s3 =	sadd.s32 $0x88, s3;
	s6 =	simm.s32 @!p1 $0x1082;
	[sflag:s4] =	ssyncset.s32 $0xFFFFF086  }
0x25: {  	[simem:s6], [sflag:s4] =	dma.local [hbm:s3], $0xF7A  }
0x26: {  	[smem:$0x3F9E] =	sst s1;
	(tag) =	ssettag s2;
	_ =	strace s9  }
0x27: {  	s1 =	sld [smem:$0x3FAE]  }
0x28: {  	s2 =	sld [smem:$0x3FAF]  }
0x29: {  	s4 =	sld [smem:$0x3FB1]  }
0x2a: {  	p0 =	seq.s32 s5, $0x0;
	s5 =	sld [smem:$0x3FB2]  }
0x2b: {  	s6 =	sld [smem:$0x3FB3]  }
0x2c: {  	s7 =	sld [smem:$0x3FB4]  }
0x2d: {  	s3 =	simm.s32 $0x108;
	s8 =	sld [smem:$0x3FB5]  }
0x2e: {  	s3 =	simm.s32 @!p0 $0x1082;
	s9 =	sld [smem:$0x3FB6]  }
0x2f: {  	lr =	sadd.s32 s0, s3;
	s0 =	sld [smem:$0x3FAD]  }
0x30: {  	s3 =	sld [smem:$0x3FB0]  }
0x31: {  	[smem:$0x3FB9] =	sst s10  }
0x32: {  	s10 =	sld [smem:$0x3FB7];
	_ =	sdelay $0x3  }
0x33: {  	p0 =	seq.s32 s10, $0x1;
	s10 =	sld [smem:$0x3FB9];
	_ =	sdelay $0x3  }
0x34: {  	[smem:$0x3FB9] =	sst s10  }
0x35: {  	s10 =	sld [smem:$0x3FB8];
	_ =	sdelay $0x3  }
0x36: {  	p1 =	seq.s32 s10, $0x1;
	s10 =	sld [smem:$0x3FB9];
	_ =	sdelay $0x3  }
0x37: {  	[smem:$0x3FB9] =	sst s10  }
0x38: {  	s10 =	sld [smem:$0x3FBA]  }
0x39: {  	_ = 	snop;
	(pc) =	sbr.ind lr, $3  }
0x3a: {  	_ = 	snop  }
0x3b: {  	_ = 	snop  }
0x3c: {  	p2 =	seq.s32 s10, $0x1;
	s10 =	sld [smem:$0x3FB9]  }
0x3d: {  	_ =	shalt  }
0x3e: {  	_ =	shalt  }
0x3f: {  	_ =	shalt  }
0x40: {  	_ =	shalt  }
0x41: {  	_ =	shalt  }
0x42: {  	_ =	shalt  }
0x43: {  	_ =	shalt  }
0x44: {  	_ =	shalt  }
0x45: {  	_ =	shalt  }
0x46: {  	_ =	shalt  }
0x47: {  	_ =	shalt  }
0x48: {  	_ =	shalt  }
0x49: {  	_ =	shalt  }
0x4a: {  	_ =	shalt  }
0x4b: {  	_ =	shalt  }
0x4c: {  	_ =	shalt  }
0x4d: {  	_ =	shalt  }
0x4e: {  	_ =	shalt  }
0x4f: {  	_ =	shalt  }
0x50: {  	_ =	shalt  }
0x51: {  	_ =	shalt  }
0x52: {  	_ =	shalt  }
0x53: {  	_ =	shalt  }
0x54: {  	_ =	shalt  }
0x55: {  	_ =	shalt  }
0x56: {  	_ =	shalt  }
0x57: {  	_ =	shalt  }
0x58: {  	_ =	shalt  }
0x59: {  	_ =	shalt  }
0x5a: {  	_ =	shalt  }
0x5b: {  	_ =	shalt  }
0x5c: {  	_ =	shalt  }
0x5d: {  	_ =	shalt  }
0x5e: {  	_ =	shalt  }
0x5f: {  	_ =	shalt  }
0x60: {  	_ =	shalt  }
0x61: {  	_ =	shalt  }
0x62: {  	_ =	shalt  }
0x63: {  	_ =	shalt  }
0x64: {  	_ =	shalt  }
0x65: {  	_ =	shalt  }
0x66: {  	_ =	shalt  }
0x67: {  	_ =	shalt  }
0x68: {  	_ =	shalt  }
0x69: {  	_ =	shalt  }
0x6a: {  	_ =	shalt  }
0x6b: {  	_ =	shalt  }
0x6c: {  	_ =	shalt  }
0x6d: {  	_ =	shalt  }
0x6e: {  	_ =	shalt  }
0x6f: {  	_ =	shalt  }
0x70: {  	_ =	shalt  }
0x71: {  	_ =	shalt  }
0x72: {  	_ =	shalt  }
0x73: {  	_ =	shalt  }
0x74: {  	_ =	shalt  }
0x75: {  	_ =	shalt  }
0x76: {  	_ =	shalt  }
0x77: {  	_ =	shalt  }
0x78: {  	_ =	shalt  }
0x79: {  	_ =	shalt  }
0x7a: {  	_ =	shalt  }
0x7b: {  	_ =	shalt  }
0x7c: {  	_ =	shalt  }
0x7d: {  	_ =	shalt  }
0x7e: {  	_ =	shalt  }
0x7f: {  	_ =	shalt  }
0x80: {  	_ =	shalt  }
0x81: {  	_ =	shalt  }
0x82: {  	_ =	shalt  }
0x83: {  	_ =	shalt  }
0x84: {  	_ =	shalt  }
0x85: {  	_ =	shalt  }
0x86: {  	_ =	shalt  }
0x87: {  	_ =	shalt  }
.Lfunc_end0:
.L_simem_size_0:
called_computation_lowered:
.L_overlay_start_0:
0x88: {  	s2 =	sld [smem:$0x3FD9]  }
0x89: {  	s3 =	sld [smem:$0x3FFE];
	_ =	sdelay $0x1  }
0x8a: {  	s1 =	srdreg.scid  }
0x8b: {  	s0 =	sand.u32 $0x1, s1  }
0x8c: {  	s17 =	sshll.u32 s0, $0xA;
	s2 =	sadd.s32 s3, s2  }
0x8d: {  	s2 =	sadd.s32 s2, s17  }
0x8e: {  	[smem:$0x3FC5] =	sst s2  }
0x8f: {  	_ = 	snop  }
0x90: {  	s2 =	sld [smem:$0x3FD0];
	(tm) =	ssettm $0x1  }
0x91: {  	s18 =	sld [smem:$0x3FFB];
	_ =	sdelay $0x3  }
0x92: {  	_ =	strace s18  }
0x93: {  	s3 =	sld [smem:$0x3FFC];
	_ =	sdelay $0x3  }
0x94: {  	_ =	strace s3  }
0x95: {  	s3 =	sld [smem:$0x3FFD];
	_ =	sdelay $0x3  }
0x96: {  	_ =	strace s3  }
0x97: {  	_ =	strace $0x8FFFFFFF  }
0x98: {  	s19 =	sld [smem:$0x3FDB];
	_ =	sdelay $0x1  }
0x99: {  	s4 =	simm.s32 $_scs_section_size  }
0x9a: {  	s5 =	simm.s32 $_size__tile_overlayer_lowered;
	s6 =	simm.s32 $_tile_overlayer_lowered  }
0x9b: {  	s22 =	simm.s32 $0x1BFF;
	s21 =	sshll.u32 s6, $0x1;
	s3 =	sadd.s32 s4, s19  }
0x9c: {  	s7 =	simm.s32 $0x0;
	s20 =	sshll.u32 s5, $0x1;
	s5 =	sadd.s32 s21, s3  }
0x9d: {  	[timem:s7], [sflag:s22] =	dma.local [hbm:s5], s20  }
0x9e: {  	_ =	swait.ge [sflag:s22], s20  }
0x9f: {  	s4 =	ssub.s32 $0x0, s20;
	[sflag:s22] =	ssyncset.done $0x0  }
0xa0: {  	[sflag:s22] =	ssyncadd.s32 s4;
	_ =	sdelay $0x1  }
0xa1: {  	s23 =	simm.s32 $0x1B8B  }
0xa2: {  	_ =	swait.ge [sflag:s23], $0x1  }
0xa3: {  	[sflag:s23] =	ssyncset.done $0x0  }
0xa4: {  	s25 =	simm.s32 $0x1B8E;
	s24 =	sld [smem:$0x3FFE];
	[sflag:s23] =	ssyncadd.s32 $0xFFFFFFFF  }
0xa5: {  	s26 =	simm.s32 $execute0_lowered;
	[smem:$0x3FD2] =	sst s25  }
0xa6: {  	s5 =	sshll.u32 s26, $0x1;
	_ =	strace $0x80000046;
	[dreg:$0x1] =	wrdreg $0xFFFFFFFF  }
0xa7: {  	s28 =	simm.s32 $_size_execute0_lowered;
	s3 =	sadd.s32 s3, s5;
	[dreg:$0x0] =	wrdreg $0x0  }
0xa8: {  	s5 =	sshll.u32 s28, $0x1;
	[dreg:$0x2] =	wrdreg s3  }
0xa9: {  	[dreg:$0x3] =	wrdreg s5  }
0xaa: {  	[dreg:$0x4] =	wrdreg $0xC0  }
0xab: {  	_ =	task [dreg:s7], $0x5FFFF  }
0xac: {  	[dreg:$0x1] =	wrdreg $0xFFFFFFFF  }
0xad: {  	[dreg:$0x0] =	wrdreg $0x60  }
0xae: {  	[dreg:$0x2] =	wrdreg s2  }
0xaf: {  	[dreg:$0x3] =	wrdreg s24  }
0xb0: {  	[dreg:$0x4] =	wrdreg $0x9  }
0xb1: {  	_ =	task.clear_ibuf [dreg:s7], $0x5FFFF;
	_ =	strace $0x90000046  }
0xb2: {  	s29 =	simm.s32 $0x9;
	_ =	strace $0x80000048  }
0xb3: {  	_ =	swait.ge [sflag:s29], $0x1  }
0xb4: {  	[sflag:s29] =	ssyncadd.s32 $0xFFFFFFFF  }
0xb5: {  	_ =	strace $0x90000048  }
0xb6: {  	_ =	sfence  }
0xb7: {  	s30 =	sld [smem:$0x0];
	_ =	sdelay $0x2  }
0xb8: {  	s31 =	sshll.u32 s1, $0xD;
	s1 =	sshrl.u32 s1, $0x2  }
0xb9: {  	s3 =	sand.u32 $0x4000, s31;
	s1 =	sadd.s32 s1, s30  }
0xba: {  	s0 =	sor.u32 s3, s0;
	s1 =	sshll.u32 s1, $0x11  }
0xbb: {  	s0 =	sor.u32 s1, s0  }
0xbc: {  	s0 =	sadd.s32 $0x8F2B, s0  }
0xbd: {  	[sflag:s0] =	ssyncadd.remote.s32 $0x1  }
0xbe: {  	_ =	sfence.sel $0xFFFF  }
0xbf: {  	[dreg:$0x0] =	wrdreg $0xFFFFFFFF;
	(pc) =	sbr.abs _section_cstart, $3  }
0xc0: {  	[dreg:$0x1] =	wrdreg $0xFFFFFFFF  }
0xc1: {  	_ =	task.clear_ibuf [dreg:s7], $0x2FFFF;
	_ =	strace $0x9FFFFFFF  }
0xc2: {  	(tm) =	ssettm $0x7FFFFFFF  }
0xc3: {  	_ =	shalt  }
tec
execute0_lowered:
.L_overlay_start_1:
0x0: {  	(tag) =	ssettag $0x1  }
0x1: {  	s0 =	rddreg [dreg:$0x0]  }
0x2: {  	s1 =	rddreg [dreg:$0x1];
	s2 =	srdreg.scid  }
0x3: {  	s4 =	stileid.u32;
	s28 =	simm.s32 $0xA800;
	s29 =	simm.s32 $0x1  }
0x4: {  	s30 =	simm.s32 $0x2;
	s31 =	simm.s32 $0x0;
	s3 =	sand.u32 $0x1, s2  }
0x5: {  	s2 =	simm.s32 $0x0;
	s4 =	sshll.u32 s4, $0x4;
	s5 =	sshll.u32 s3, $0x3  }
0x6: {  	[smem:$0x7FF] =	sst s2;
	s3 =	ssub.s32 $0x2, s3;
	s4 =	sor.u32 s5, s4  }
0x7: {  	_ =	strace $0x80000047;
	s8 =	sshrl.u32 s3, $0x1;
	s5 =	sshll.u32 s4, $0x6  }
0x8: {  	s7 =	sshll.u32 s4, $0x4;
	s4 =	sshll.u32 s4, $0xC;
	s3 =	ssub.s32 s3, s8  }
0x9: {  	s6 =	sadd.s32 s5, s1;
	s7 =	sadd.s32 s7, s1;
	s0 =	sadd.s32 s0, s5  }
0xa: {  	s1 =	sadd.s32 s4, s1;
	[dreg:$0x3] =	wrdreg s0;
	s20 =	sadd.s32 $0x1400, s6  }
0xb: {  	s21 =	sadd.s32 $0x400, s7;
	s22 =	sadd.s32 $0x5400, s1;
	s23 =	sadd.s32 $0x105400, s1  }
0xc: {  	s24 =	sadd.s32 $0x6400, s1;
	s25 =	sadd.s32 $0x106400, s1;
	[dreg:$0x4] =	wrdreg s20  }
0xd: {  	s26 =	sadd.s32 $0x7400, s1;
	s11 =	sadd.s32 $0x107400, s1;
	[dreg:$0x5] =	wrdreg s21  }
0xe: {  	s12 =	sadd.s32 $0x8400, s1;
	s13 =	sadd.s32 $0x108400, s1;
	[dreg:$0x6] =	wrdreg s22  }
0xf: {  	s14 =	sadd.s32 $0x9400, s1;
	s15 =	sadd.s32 $0x109400, s1;
	[dreg:$0x7] =	wrdreg s23  }
0x10: {  	s16 =	sadd.s32 $0xA400, s1;
	s17 =	sadd.s32 $0x10A400, s1;
	[dreg:$0x8] =	wrdreg s24  }
0x11: {  	s18 =	sadd.s32 $0xB400, s1;
	s19 =	sadd.s32 $0x10B400, s1;
	[dreg:$0x9] =	wrdreg s25  }
0x12: {  	[dreg:$0xa] =	wrdreg s26;
	s20 =	sadd.s32 $0xC400, s1;
	s21 =	sadd.s32 $0x10C400, s1  }
0x13: {  	s22 =	smax.u32 s3, $0x1;
	s23 =	simm.s32 $0x3;
	s26 =	simm.s32 $0x2800  }
.LBB2_1:
0x14: {  	s0 =	rddreg [dreg:$0x3]  }
0x15: {  	[tilespmem:s2], [sflag:$0x3] =	stream.linear.gather [hbm4b:s0+s2], $0x1000, $0x38;
	[tilespmem:$0x12800] =	vst v63  }
0x16: {  	_ =	swait.ge [sflag:s23], $0x1000  }
0x17: {  	[sflag:s23] =	ssyncset.done $0x0  }
0x18: {  	s1 =	simm.s32 $0x1000;
	s7 =	rddreg [dreg:$0x4];
	[sflag:s23] =	ssyncadd.s32 $0xFFFFF000  }
0x19: {  	[tilespmem:s1], [sflag:$0x3] =	stream.linear.gather [hbm4b:s7+s2], $0x1000, $0x38;
	[tilespmem:$0x12800] =	vst v63  }
0x1a: {  	_ =	swait.ge [sflag:s23], $0x1000  }
0x1b: {  	[sflag:s23] =	ssyncset.done $0x0  }
0x1c: {  	s9 =	simm.s32 $0x2000;
	s8 =	rddreg [dreg:$0x5];
	[sflag:s23] =	ssyncadd.s32 $0xFFFFF000  }
0x1d: {  	[tilespmem:s9], [sflag:$0x3] =	stream.linear.gather [hbm4b:s8+s2], $0x400, $0x38;
	[tilespmem:$0x12800] =	vst v63  }
0x1e: {  	_ =	swait.ge [sflag:s23], $0x400  }
0x1f: {  	s10 =	sand.u32 $0xC00, s2;
	s24 =	simm.s32 $0x30;
	[sflag:s23] =	ssyncset.done $0x0  }
0x20: {  	s0 =	sor.u32 $0x1000, s10;
	s1 =	sand.u32 $0x70, s24;
	[sflag:s23] =	ssyncadd.s32 $0xFFFFFC00  }
0x21: {  	s1 =	sor.u32 s1, s0;
	v0 =	vld [tilespmem:$0x2000]  }
0x22: {  	v3 =	vld [tilespmem:s1+$0x0]  }
0x23: {  	s25 =	simm.s32 $0x10;
	s3 =	sand.u32 $0x40, s2  }
0x24: {  	s4 =	simm.s32 $0x20;
	s3 =	sor.u32 s3, s0;
	v1 =	vld [tilespmem:$0x2010];
	s1 =	sand.u32 $0x50, s25  }
0x25: {  	s4 =	sand.u32 $0x60, s4;
	v5 =	vld [tilespmem:s3+$0x0];
	s5 =	sor.u32 s1, s0  }
0x26: {  	s24 =	simm.s32 $0x0;
	s3 =	simm.s32 $0x0;
	s0 =	sor.u32 s4, s0;
	v4 =	vld [tilespmem:s5+$0x0]  }
0x27: {  	s25 =	simm.s32 $0x40;
	s1 =	simm.s32 $0x60;
	s4 =	simm.s32 $0x200;
	v2 =	vld [tilespmem:s0+$0x0];
	v6 =	vadd.f32 v3, v0  }
.LBB2_2:
0x28: {  	s0 =	sand.u32 $0xC00, s4  }
0x29: {  	s5 =	sadd.s32 $0x30, s25;
	v3 =	vadd.f32 v3, v1;
	s6 =	sor.u32 $0x70, s1;
	s3 =	sadd.s32 $0x4, s3  }
0x2a: {  	s7 =	sadd.s32 $0x10, s25;
	s0 =	sor.u32 $0x1000, s0;
	s5 =	sand.u32 $0x70, s5;
	v7 =	vadd.f32 v5, v0;
	v5 =	vadd.f32 v5, v1;
	[tilespmem:s24+$0x2460] =	vst v6  }
0x2b: {  	p0 =	slt.u32 s3, $0x1C;
	s5 =	sor.u32 s5, s0;
	v6 =	vadd.f32 v4, v0;
	v8 =	vadd.f32 v4, v1;
	[tilespmem:s6+$0x2400] =	vst v3;
	s6 =	sand.u32 $0x40, s25  }
0x2c: {  	s8 =	sadd.s32 $0x20, s25;
	s7 =	sand.u32 $0x50, s7;
	v3 =	vld [tilespmem:s5+$0x0];
	[tilespmem:s24+$0x2400] =	vst v7;
	v7 =	vadd.f32 v2, v0;
	v9 =	vadd.f32 v2, v1;
	s5 =	sor.u32 s6, s0  }
.Ltmp0:
0x2d: {  	s6 =	sor.u32 s7, s0;
	s7 =	sand.u32 $0x60, s8;
	[tilespmem:s24+$0x2410] =	vst v5;
	(pc) =	sbr.rel @p0 .LBB2_2-.Ltmp0, $4  }
0x2e: {  	s0 =	sor.u32 s7, s0;
	s7 =	sadd.s32 $0xFFFFFFE0, s1;
	v5 =	vld [tilespmem:s5+$0x0];
	s5 =	sadd.s32 $0xFFFFFFC0, s1;
	[tilespmem:s24+$0x2420] =	vst v6  }
0x2f: {  	v4 =	vld [tilespmem:s6+$0x0];
	s5 =	sor.u32 $0x30, s5;
	[tilespmem:s24+$0x2440] =	vst v7;
	s6 =	sor.u32 $0x50, s7  }
0x30: {  	s1 =	sadd.s32 $0x80, s1;
	v2 =	vld [tilespmem:s0+$0x0];
	s0 =	simm.s32 $0x0;
	[tilespmem:s5+$0x2400] =	vst v8  }
0x31: {  	s25 =	sadd.s32 $0x40, s25;
	s24 =	sshra.s32 s4, $0x2;
	s4 =	sadd.s32 $0x200, s4;
	v6 =	vadd.f32 v3, v0;
	[tilespmem:s6+$0x2400] =	vst v9  }
0x32: {  	v3 =	vadd.f32 v3, v1  }
0x33: {  	s3 =	sor.u32 $0x70, s1;
	v7 =	vadd.f32 v5, v0;
	[tilespmem:s24+$0x2460] =	vst v6  }
0x34: {  	v59 =	vadd.f32 v5, v1;
	[tilespmem:s3+$0x2400] =	vst v3  }
0x35: {  	v60 =	vadd.f32 v4, v0;
	[tilespmem:s24+$0x2400] =	vst v7  }
0x36: {  	v61 =	vadd.f32 v2, v0;
	[tilespmem:s24+$0x2410] =	vst v59  }
0x37: {  	s10 =	sadd.s32 $0xFFFFFFC0, s1;
	v62 =	vadd.f32 v4, v1;
	[tilespmem:s24+$0x2420] =	vst v60  }
0x38: {  	s25 =	sadd.s32 $0xFFFFFFE0, s1;
	s3 =	sor.u32 $0x30, s10;
	v63 =	vadd.f32 v2, v1;
	[tilespmem:s24+$0x2440] =	vst v61  }
0x39: {  	s1 =	sor.u32 $0x50, s25;
	[tilespmem:s3+$0x2400] =	vst v62  }
0x3a: {  	s24 =	simm.s32 $0x0;
	[tilespmem:s1+$0x2400] =	vst v63;
	s1 =	simm.s32 $0x0  }
.LBB2_4:
0x3b: {  	s3 =	sshll.u32 s24, $0x4;
	s4 =	sshll.u32 s24, $0x7  }
0x3c: {  	s5 =	simm.s32 $0x2440;
	s3 =	sand.u32 $0x70, s3;
	s4 =	sand.u32 $0xC00, s4  }
0x3d: {  	v4 =	vld [tilespmem:s5+$0x30];
	s3 =	sor.u32 s3, s4  }
0x3e: {  	v0 =	vld [tilespmem:s3+$0x0]  }
0x3f: {  	v5 =	vld [tilespmem:s5+$0xFFFFFFD0]  }
0x40: {  	s10 =	sshll.u32 s1, $0x2;
	s25 =	sand.u32 $0x7, s0;
	v7 =	vld [tilespmem:s5+$0xFFFFFFE0]  }
0x41: {  	v3 =	vld [tilespmem:s5+$0xFFFFFFF0];
	s4 =	sshll.u32 s25, $0x9;
	s3 =	sand.u32 $0xFFFF8000, s10  }
0x42: {  	v1 =	vld [tilespmem:s5+$0x0];
	s3 =	sor.u32 s4, s3  }
0x43: {  	v2 =	vld [tilespmem:s5+$0x10];
	s3 =	sshrl.u32 s3, $0x2;
	v8 =	vadd.f32 v4, v0  }
0x44: {  	s3 =	sadd.s32 $0x2840, s3;
	v4 =	vld [tilespmem:s5+$0x20];
	v6 =	vadd.f32 v5, v0  }
0x45: {  	s25 =	simm.s32 $0x24C0;
	s4 =	simm.s32 $0x0;
	v5 =	vld [tilespmem:s5+$0xFFFFFFC0];
	v7 =	vadd.f32 v7, v0;
	[tilespmem:s3+$0x30] =	vst v8  }
.LBB2_5:
0x46: {  	v8 =	vld [tilespmem:s25+$0x30];
	s4 =	sadd.s32 $0x8, s4;
	[tilespmem:s3+$0xFFFFFFD0] =	vst v6;
	v3 =	vadd.f32 v3, v0  }
0x47: {  	v6 =	vld [tilespmem:s25+$0xFFFFFFD0];
	p0 =	slt.u32 s4, $0x38;
	[tilespmem:s3+$0xFFFFFFE0] =	vst v7;
	v1 =	vadd.f32 v1, v0  }
0x48: {  	v7 =	vld [tilespmem:s25+$0xFFFFFFE0];
	[tilespmem:s3+$0xFFFFFFF0] =	vst v3;
	v2 =	vadd.f32 v2, v0  }
.Ltmp1:
0x49: {  	v3 =	vld [tilespmem:s25+$0xFFFFFFF0];
	[tilespmem:s3+$0x0] =	vst v1;
	v4 =	vadd.f32 v4, v0;
	(pc) =	sbr.rel @p0 .LBB2_5-.Ltmp1, $4  }
0x4a: {  	v1 =	vld [tilespmem:s25+$0x0];
	v5 =	vadd.f32 v5, v0;
	[tilespmem:s3+$0x10] =	vst v2  }
0x4b: {  	v2 =	vld [tilespmem:s25+$0x10];
	v8 =	vadd.f32 v8, v0;
	[tilespmem:s3+$0x20] =	vst v4  }
0x4c: {  	v6 =	vadd.f32 v6, v0;
	v4 =	vld [tilespmem:s25+$0x20];
	[tilespmem:s3+$0xFFFFFFC0] =	vst v5;
	s3 =	sadd.s32 $0x400, s3  }
0x4d: {  	v5 =	vld [tilespmem:s25+$0xFFFFFFC0];
	v7 =	vadd.f32 v7, v0;
	[tilespmem:s3+$0x30] =	vst v8;
	s25 =	sadd.s32 $0x80, s25  }
0x4e: {  	[tilespmem:s3+$0xFFFFFFD0] =	vst v6;
	v3 =	vadd.f32 v3, v0;
	s24 =	sadd.s32 $0x1, s24  }
0x4f: {  	[tilespmem:s3+$0xFFFFFFE0] =	vst v7;
	v1 =	vadd.f32 v1, v0;
	p0 =	sne.s32 s24, $0x20  }
.Ltmp2:
0x50: {  	[tilespmem:s3+$0xFFFFFFF0] =	vst v3;
	v2 =	vadd.f32 v2, v0;
	(pc) =	sbr.rel @p0 .LBB2_4-.Ltmp2, $4  }
0x51: {  	[tilespmem:s3+$0x0] =	vst v1;
	v62 =	vadd.f32 v4, v0  }
0x52: {  	v63 =	vadd.f32 v5, v0;
	[tilespmem:s3+$0x10] =	vst v2  }
0x53: {  	[tilespmem:s3+$0x20] =	vst v62  }
0x54: {  	s1 =	sadd.s32 $0x400, s1;
	s0 =	sadd.s32 $0x1, s0;
	[tilespmem:s3+$0xFFFFFFC0] =	vst v63  }
0x55: {  	s0 =	simm.s32 $0x0;
	s1 =	rddreg [dreg:$0x6]  }
0x56: {  	[hbm4b:s1+s0] =	stream.linear.scatter [tilespmem:s26], [sflag:$0x1], $0x8000, $0x38;
	[tilespmem:$0x12800] =	vst v63  }
0x57: {  	s3 =	simm.s32 $0x30;
	s9 =	sand.u32 $0xC00, s0  }
0x58: {  	s8 =	rddreg [dreg:$0x7];
	s10 =	sand.u32 $0x70, s3;
	s4 =	sor.u32 $0x1000, s9  }
0x59: {  	[hbm4b:s8+s0] =	stream.linear.scatter [tilespmem:s26], [sflag:$0x1], $0x8000, $0x38;
	[tilespmem:$0x12800] =	vst v63  }
0x5a: {  	s1 =	sor.u32 s10, s4;
	v0 =	vld [tilespmem:$0x2080]  }
0x5b: {  	v3 =	vld [tilespmem:s1+$0x80]  }
0x5c: {  	s24 =	simm.s32 $0x10;
	s25 =	sand.u32 $0x40, s0  }
0x5d: {  	s5 =	simm.s32 $0x20;
	s3 =	sor.u32 s25, s4;
	v1 =	vld [tilespmem:$0x2090];
	s1 =	sand.u32 $0x50, s24  }
0x5e: {  	s5 =	sand.u32 $0x60, s5;
	v5 =	vld [tilespmem:s3+$0x80];
	s6 =	sor.u32 s1, s4  }
0x5f: {  	s25 =	simm.s32 $0x200;
	s3 =	simm.s32 $0x0;
	s4 =	sor.u32 s5, s4;
	v4 =	vld [tilespmem:s6+$0x80]  }
0x60: {  	s24 =	simm.s32 $0x0;
	s1 =	simm.s32 $0x60;
	v2 =	vld [tilespmem:s4+$0x80];
	s4 =	simm.s32 $0x40;
	v6 =	vadd.f32 v3, v0  }
.LBB2_8:
0x61: {  	s5 =	sand.u32 $0xC00, s25  }
0x62: {  	s6 =	sadd.s32 $0x30, s4;
	v3 =	vadd.f32 v3, v1;
	s7 =	sor.u32 $0x70, s1;
	s3 =	sadd.s32 $0x4, s3  }
0x63: {  	s8 =	sadd.s32 $0x10, s4;
	s5 =	sor.u32 $0x1000, s5;
	s6 =	sand.u32 $0x70, s6;
	v7 =	vadd.f32 v5, v0;
	v5 =	vadd.f32 v5, v1;
	[tilespmem:s24+$0x2460] =	vst v6  }
0x64: {  	p0 =	slt.u32 s3, $0x1C;
	s6 =	sor.u32 s6, s5;
	v6 =	vadd.f32 v4, v0;
	v8 =	vadd.f32 v4, v1;
	[tilespmem:s7+$0x2400] =	vst v3;
	s7 =	sand.u32 $0x40, s4  }
0x65: {  	s9 =	sadd.s32 $0x20, s4;
	s8 =	sand.u32 $0x50, s8;
	v3 =	vld [tilespmem:s6+$0x80];
	[tilespmem:s24+$0x2400] =	vst v7;
	v7 =	vadd.f32 v2, v0;
	v9 =	vadd.f32 v2, v1;
	s6 =	sor.u32 s7, s5  }
.Ltmp3:
0x66: {  	s7 =	sor.u32 s8, s5;
	s8 =	sand.u32 $0x60, s9;
	[tilespmem:s24+$0x2410] =	vst v5;
	(pc) =	sbr.rel @p0 .LBB2_8-.Ltmp3, $4  }
0x67: {  	s5 =	sor.u32 s8, s5;
	s8 =	sadd.s32 $0xFFFFFFE0, s1;
	v5 =	vld [tilespmem:s6+$0x80];
	s6 =	sadd.s32 $0xFFFFFFC0, s1;
	[tilespmem:s24+$0x2420] =	vst v6  }
0x68: {  	v4 =	vld [tilespmem:s7+$0x80];
	s6 =	sor.u32 $0x30, s6;
	[tilespmem:s24+$0x2440] =	vst v7;
	s7 =	sor.u32 $0x50, s8  }
0x69: {  	s1 =	sadd.s32 $0x80, s1;
	v2 =	vld [tilespmem:s5+$0x80];
	[tilespmem:s6+$0x2400] =	vst v8  }
0x6a: {  	s4 =	sadd.s32 $0x40, s4;
	s24 =	sshra.s32 s25, $0x2;
	s25 =	sadd.s32 $0x200, s25;
	v6 =	vadd.f32 v3, v0;
	[tilespmem:s7+$0x2400] =	vst v9  }
0x6b: {  	v3 =	vadd.f32 v3, v1  }
0x6c: {  	s3 =	sor.u32 $0x70, s1;
	v7 =	vadd.f32 v5, v0;
	[tilespmem:s24+$0x2460] =	vst v6  }
0x6d: {  	v59 =	vadd.f32 v5, v1;
	[tilespmem:s3+$0x2400] =	vst v3  }
0x6e: {  	v60 =	vadd.f32 v4, v0;
	[tilespmem:s24+$0x2400] =	vst v7  }
0x6f: {  	v61 =	vadd.f32 v2, v0;
	[tilespmem:s24+$0x2410] =	vst v59  }
0x70: {  	s10 =	sadd.s32 $0xFFFFFFC0, s1;
	v62 =	vadd.f32 v4, v1;
	[tilespmem:s24+$0x2420] =	vst v60  }
0x71: {  	s25 =	sadd.s32 $0xFFFFFFE0, s1;
	s3 =	sor.u32 $0x30, s10;
	v63 =	vadd.f32 v2, v1;
	[tilespmem:s24+$0x2440] =	vst v61  }
0x72: {  	s1 =	sor.u32 $0x50, s25;
	[tilespmem:s3+$0x2400] =	vst v62  }
0x73: {  	s24 =	simm.s32 $0x0;
	[tilespmem:s1+$0x2400] =	vst v63;
	s1 =	simm.s32 $0x0  }
.LBB2_10:
0x74: {  	s3 =	sshll.u32 s24, $0x4;
	s4 =	sshll.u32 s24, $0x7  }
0x75: {  	s5 =	simm.s32 $0x2440;
	s3 =	sand.u32 $0x70, s3;
	s4 =	sand.u32 $0xC00, s4  }
0x76: {  	v4 =	vld [tilespmem:s5+$0x30];
	s3 =	sor.u32 s3, s4  }
0x77: {  	v0 =	vld [tilespmem:s3+$0x80]  }
0x78: {  	v5 =	vld [tilespmem:s5+$0xFFFFFFD0]  }
0x79: {  	s10 =	sshll.u32 s1, $0x2;
	s25 =	sand.u32 $0x7, s0;
	v7 =	vld [tilespmem:s5+$0xFFFFFFE0]  }
0x7a: {  	v3 =	vld [tilespmem:s5+$0xFFFFFFF0];
	s4 =	sshll.u32 s25, $0x9;
	s3 =	sand.u32 $0xFFFF8000, s10  }
0x7b: {  	v1 =	vld [tilespmem:s5+$0x0];
	s3 =	sor.u32 s4, s3  }
0x7c: {  	v2 =	vld [tilespmem:s5+$0x10];
	s3 =	sshrl.u32 s3, $0x2;
	v8 =	vadd.f32 v4, v0  }
0x7d: {  	s3 =	sadd.s32 $0xA800, s3;
	v4 =	vld [tilespmem:s5+$0x20];
	v6 =	vadd.f32 v5, v0  }
0x7e: {  	s25 =	simm.s32 $0x24C0;
	s4 =	simm.s32 $0x0;
	v5 =	vld [tilespmem:s5+$0xFFFFFFC0];
	v7 =	vadd.f32 v7, v0;
	[tilespmem:s3+$0x70] =	vst v8  }
.LBB2_11:
0x7f: {  	v8 =	vld [tilespmem:s25+$0x30];
	s4 =	sadd.s32 $0x8, s4;
	[tilespmem:s3+$0x10] =	vst v6;
	v3 =	vadd.f32 v3, v0  }
0x80: {  	v6 =	vld [tilespmem:s25+$0xFFFFFFD0];
	p0 =	slt.u32 s4, $0x38;
	[tilespmem:s3+$0x20] =	vst v7;
	v1 =	vadd.f32 v1, v0  }
0x81: {  	v7 =	vld [tilespmem:s25+$0xFFFFFFE0];
	[tilespmem:s3+$0x30] =	vst v3;
	v2 =	vadd.f32 v2, v0  }
.Ltmp4:
0x82: {  	v3 =	vld [tilespmem:s25+$0xFFFFFFF0];
	[tilespmem:s3+$0x40] =	vst v1;
	v4 =	vadd.f32 v4, v0;
	(pc) =	sbr.rel @p0 .LBB2_11-.Ltmp4, $4  }
0x83: {  	v1 =	vld [tilespmem:s25+$0x0];
	v5 =	vadd.f32 v5, v0;
	[tilespmem:s3+$0x50] =	vst v2  }
0x84: {  	v2 =	vld [tilespmem:s25+$0x10];
	v8 =	vadd.f32 v8, v0;
	[tilespmem:s3+$0x60] =	vst v4  }
0x85: {  	v6 =	vadd.f32 v6, v0;
	v4 =	vld [tilespmem:s25+$0x20];
	[tilespmem:s3+$0x0] =	vst v5;
	s3 =	sadd.s32 $0x400, s3  }
0x86: {  	v5 =	vld [tilespmem:s25+$0xFFFFFFC0];
	v7 =	vadd.f32 v7, v0;
	[tilespmem:s3+$0x70] =	vst v8;
	s25 =	sadd.s32 $0x80, s25  }
0x87: {  	[tilespmem:s3+$0x10] =	vst v6;
	v3 =	vadd.f32 v3, v0;
	s24 =	sadd.s32 $0x1, s24  }
0x88: {  	[tilespmem:s3+$0x20] =	vst v7;
	v1 =	vadd.f32 v1, v0;
	p0 =	sne.s32 s24, $0x20  }
.Ltmp5:
0x89: {  	[tilespmem:s3+$0x30] =	vst v3;
	v2 =	vadd.f32 v2, v0;
	(pc) =	sbr.rel @p0 .LBB2_10-.Ltmp5, $4  }
0x8a: {  	[tilespmem:s3+$0x40] =	vst v1;
	v62 =	vadd.f32 v4, v0  }
0x8b: {  	v63 =	vadd.f32 v5, v0;
	[tilespmem:s3+$0x50] =	vst v2  }
0x8c: {  	[tilespmem:s3+$0x60] =	vst v62  }
0x8d: {  	s1 =	sadd.s32 $0x400, s1;
	s0 =	sadd.s32 $0x1, s0;
	[tilespmem:s3+$0x0] =	vst v63  }
0x8e: {  	s0 =	simm.s32 $0x0;
	s1 =	rddreg [dreg:$0x8]  }
0x8f: {  	[hbm4b:s1+s0] =	stream.linear.scatter [tilespmem:s28], [sflag:$0x2], $0x8000, $0x38;
	[tilespmem:$0x12800] =	vst v63  }
0x90: {  	s3 =	simm.s32 $0x30;
	s24 =	sand.u32 $0xC00, s0  }
0x91: {  	s10 =	rddreg [dreg:$0x9];
	s3 =	sand.u32 $0x70, s3;
	s1 =	sor.u32 $0x1000, s24  }
0x92: {  	[hbm4b:s10+s0] =	stream.linear.scatter [tilespmem:s28], [sflag:$0x2], $0x8000, $0x38;
	[tilespmem:$0x12800] =	vst v63  }
0x93: {  	s3 =	sor.u32 s3, s1;
	v0 =	vld [tilespmem:$0x2100]  }
0x94: {  	v3 =	vld [tilespmem:s3+$0x100]  }
0x95: {  	s25 =	simm.s32 $0x10;
	s0 =	sand.u32 $0x40, s0  }
0x96: {  	s4 =	simm.s32 $0x20;
	v1 =	vld [tilespmem:$0x2110];
	s3 =	sand.u32 $0x50, s25;
	s0 =	sor.u32 s0, s1  }
0x97: {  	s4 =	sand.u32 $0x60, s4;
	s5 =	sor.u32 s3, s1;
	v5 =	vld [tilespmem:s0+$0x100]  }
0x98: {  	s24 =	simm.s32 $0x200;
	s0 =	simm.s32 $0x60;
	s1 =	sor.u32 s4, s1;
	v4 =	vld [tilespmem:s5+$0x100]  }
0x99: {  	s3 =	simm.s32 $0x0;
	s4 =	simm.s32 $0x40;
	v2 =	vld [tilespmem:s1+$0x100];
	s1 =	simm.s32 $0x0;
	v6 =	vadd.f32 v3, v0  }
.LBB2_14:
0x9a: {  	s5 =	sand.u32 $0xC00, s24  }
0x9b: {  	s6 =	sadd.s32 $0x30, s4;
	v3 =	vadd.f32 v3, v1;
	s7 =	sor.u32 $0x70, s0;
	s3 =	sadd.s32 $0x4, s3  }
0x9c: {  	s8 =	sadd.s32 $0x10, s4;
	s5 =	sor.u32 $0x1000, s5;
	s6 =	sand.u32 $0x70, s6;
	v7 =	vadd.f32 v5, v0;
	v5 =	vadd.f32 v5, v1;
	[tilespmem:s1+$0x2460] =	vst v6  }
0x9d: {  	p0 =	slt.u32 s3, $0x1C;
	s6 =	sor.u32 s6, s5;
	v6 =	vadd.f32 v4, v0;
	v8 =	vadd.f32 v4, v1;
	[tilespmem:s7+$0x2400] =	vst v3;
	s7 =	sand.u32 $0x40, s4  }
0x9e: {  	s9 =	sadd.s32 $0x20, s4;
	s8 =	sand.u32 $0x50, s8;
	v3 =	vld [tilespmem:s6+$0x100];
	[tilespmem:s1+$0x2400] =	vst v7;
	v7 =	vadd.f32 v2, v0;
	v9 =	vadd.f32 v2, v1;
	s6 =	sor.u32 s7, s5  }
.Ltmp6:
0x9f: {  	s7 =	sor.u32 s8, s5;
	s8 =	sand.u32 $0x60, s9;
	[tilespmem:s1+$0x2410] =	vst v5;
	(pc) =	sbr.rel @p0 .LBB2_14-.Ltmp6, $4  }
0xa0: {  	s5 =	sor.u32 s8, s5;
	s8 =	sadd.s32 $0xFFFFFFE0, s0;
	v5 =	vld [tilespmem:s6+$0x100];
	s6 =	sadd.s32 $0xFFFFFFC0, s0;
	[tilespmem:s1+$0x2420] =	vst v6  }
0xa1: {  	v4 =	vld [tilespmem:s7+$0x100];
	s6 =	sor.u32 $0x30, s6;
	[tilespmem:s1+$0x2440] =	vst v7;
	s7 =	sor.u32 $0x50, s8  }
0xa2: {  	s0 =	sadd.s32 $0x80, s0;
	v2 =	vld [tilespmem:s5+$0x100];
	[tilespmem:s6+$0x2400] =	vst v8  }
0xa3: {  	s4 =	sadd.s32 $0x40, s4;
	s1 =	sshra.s32 s24, $0x2;
	s24 =	sadd.s32 $0x200, s24;
	v6 =	vadd.f32 v3, v0;
	[tilespmem:s7+$0x2400] =	vst v9  }
0xa4: {  	v3 =	vadd.f32 v3, v1  }
0xa5: {  	s3 =	sor.u32 $0x70, s0;
	v7 =	vadd.f32 v5, v0;
	[tilespmem:s1+$0x2460] =	vst v6  }
0xa6: {  	v59 =	vadd.f32 v5, v1;
	[tilespmem:s3+$0x2400] =	vst v3  }
0xa7: {  	v60 =	vadd.f32 v4, v0;
	[tilespmem:s1+$0x2400] =	vst v7  }
0xa8: {  	v61 =	vadd.f32 v2, v0;
	[tilespmem:s1+$0x2410] =	vst v59  }
0xa9: {  	s24 =	sadd.s32 $0xFFFFFFC0, s0;
	v62 =	vadd.f32 v4, v1;
	[tilespmem:s1+$0x2420] =	vst v60  }
0xaa: {  	s25 =	sadd.s32 $0xFFFFFFE0, s0;
	s3 =	sor.u32 $0x30, s24;
	v63 =	vadd.f32 v2, v1;
	[tilespmem:s1+$0x2440] =	vst v61  }
0xab: {  	s0 =	sor.u32 $0x50, s25;
	[tilespmem:s3+$0x2400] =	vst v62  }
0xac: {  	[tilespmem:s0+$0x2400] =	vst v63  }
0xad: {  	_ =	swait.ge [sflag:s29], $0x8000  }
0xae: {  	[sflag:s29] =	ssyncset.done $0x0  }
0xaf: {  	[sflag:s29] =	ssyncadd.s32 $0xFFFF8000  }
0xb0: {  	_ =	swait.ge [sflag:s29], $0x8000  }
0xb1: {  	s24 =	simm.s32 $0x0;
	[sflag:s29] =	ssyncset.done $0x0  }
0xb2: {  	s1 =	simm.s32 $0x0;
	s0 =	simm.s32 $0x0;
	[sflag:s29] =	ssyncadd.s32 $0xFFFF8000  }
.LBB2_16:
0xb3: {  	s3 =	sshll.u32 s24, $0x4;
	s4 =	sshll.u32 s24, $0x7  }
0xb4: {  	s5 =	simm.s32 $0x2440;
	s3 =	sand.u32 $0x70, s3;
	s4 =	sand.u32 $0xC00, s4  }
0xb5: {  	v4 =	vld [tilespmem:s5+$0x30];
	s3 =	sor.u32 s3, s4  }
0xb6: {  	v0 =	vld [tilespmem:s3+$0x100]  }
0xb7: {  	v5 =	vld [tilespmem:s5+$0xFFFFFFD0]  }
0xb8: {  	s10 =	sshll.u32 s1, $0x2;
	s25 =	sand.u32 $0x7, s0;
	v7 =	vld [tilespmem:s5+$0xFFFFFFE0]  }
0xb9: {  	v3 =	vld [tilespmem:s5+$0xFFFFFFF0];
	s4 =	sshll.u32 s25, $0x9;
	s3 =	sand.u32 $0xFFFF8000, s10  }
0xba: {  	v1 =	vld [tilespmem:s5+$0x0];
	s3 =	sor.u32 s4, s3  }
0xbb: {  	v2 =	vld [tilespmem:s5+$0x10];
	s3 =	sshrl.u32 s3, $0x2;
	v8 =	vadd.f32 v4, v0  }
0xbc: {  	s3 =	sadd.s32 $0x2840, s3;
	v4 =	vld [tilespmem:s5+$0x20];
	v6 =	vadd.f32 v5, v0  }
0xbd: {  	s25 =	simm.s32 $0x24C0;
	s4 =	simm.s32 $0x0;
	v5 =	vld [tilespmem:s5+$0xFFFFFFC0];
	v7 =	vadd.f32 v7, v0;
	[tilespmem:s3+$0x30] =	vst v8  }
.LBB2_17:
0xbe: {  	v8 =	vld [tilespmem:s25+$0x30];
	s4 =	sadd.s32 $0x8, s4;
	[tilespmem:s3+$0xFFFFFFD0] =	vst v6;
	v3 =	vadd.f32 v3, v0  }
0xbf: {  	v6 =	vld [tilespmem:s25+$0xFFFFFFD0];
	p0 =	slt.u32 s4, $0x38;
	[tilespmem:s3+$0xFFFFFFE0] =	vst v7;
	v1 =	vadd.f32 v1, v0  }
0xc0: {  	v7 =	vld [tilespmem:s25+$0xFFFFFFE0];
	[tilespmem:s3+$0xFFFFFFF0] =	vst v3;
	v2 =	vadd.f32 v2, v0  }
.Ltmp7:
0xc1: {  	v3 =	vld [tilespmem:s25+$0xFFFFFFF0];
	[tilespmem:s3+$0x0] =	vst v1;
	v4 =	vadd.f32 v4, v0;
	(pc) =	sbr.rel @p0 .LBB2_17-.Ltmp7, $4  }
0xc2: {  	v1 =	vld [tilespmem:s25+$0x0];
	v5 =	vadd.f32 v5, v0;
	[tilespmem:s3+$0x10] =	vst v2  }
0xc3: {  	v2 =	vld [tilespmem:s25+$0x10];
	v8 =	vadd.f32 v8, v0;
	[tilespmem:s3+$0x20] =	vst v4  }
0xc4: {  	v6 =	vadd.f32 v6, v0;
	v4 =	vld [tilespmem:s25+$0x20];
	[tilespmem:s3+$0xFFFFFFC0] =	vst v5;
	s3 =	sadd.s32 $0x400, s3  }
0xc5: {  	v5 =	vld [tilespmem:s25+$0xFFFFFFC0];
	v7 =	vadd.f32 v7, v0;
	[tilespmem:s3+$0x30] =	vst v8;
	s25 =	sadd.s32 $0x80, s25  }
0xc6: {  	[tilespmem:s3+$0xFFFFFFD0] =	vst v6;
	v3 =	vadd.f32 v3, v0;
	s24 =	sadd.s32 $0x1, s24  }
0xc7: {  	[tilespmem:s3+$0xFFFFFFE0] =	vst v7;
	v1 =	vadd.f32 v1, v0;
	p0 =	sne.s32 s24, $0x20  }
.Ltmp8:
0xc8: {  	[tilespmem:s3+$0xFFFFFFF0] =	vst v3;
	v2 =	vadd.f32 v2, v0;
	(pc) =	sbr.rel @p0 .LBB2_16-.Ltmp8, $4  }
0xc9: {  	[tilespmem:s3+$0x0] =	vst v1;
	v62 =	vadd.f32 v4, v0  }
0xca: {  	v63 =	vadd.f32 v5, v0;
	[tilespmem:s3+$0x10] =	vst v2  }
0xcb: {  	[tilespmem:s3+$0x20] =	vst v62  }
0xcc: {  	s1 =	sadd.s32 $0x400, s1;
	s0 =	sadd.s32 $0x1, s0;
	[tilespmem:s3+$0xFFFFFFC0] =	vst v63  }
0xcd: {  	s0 =	simm.s32 $0x0;
	s1 =	rddreg [dreg:$0xa]  }
0xce: {  	[hbm4b:s1+s0] =	stream.linear.scatter [tilespmem:s26], [sflag:$0x1], $0x8000, $0x38;
	[tilespmem:$0x12800] =	vst v63  }
0xcf: {  	s3 =	simm.s32 $0x30;
	s24 =	sand.u32 $0xC00, s0  }
0xd0: {  	s3 =	sand.u32 $0x70, s3;
	s1 =	sor.u32 $0x1000, s24  }
0xd1: {  	[hbm4b:s11+s0] =	stream.linear.scatter [tilespmem:s26], [sflag:$0x1], $0x8000, $0x38;
	[tilespmem:$0x12800] =	vst v63  }
0xd2: {  	s3 =	sor.u32 s3, s1;
	v0 =	vld [tilespmem:$0x2180]  }
0xd3: {  	v3 =	vld [tilespmem:s3+$0x180]  }
0xd4: {  	s25 =	simm.s32 $0x10;
	s0 =	sand.u32 $0x40, s0  }
0xd5: {  	s4 =	simm.s32 $0x20;
	v1 =	vld [tilespmem:$0x2190];
	s3 =	sand.u32 $0x50, s25;
	s0 =	sor.u32 s0, s1  }
0xd6: {  	s4 =	sand.u32 $0x60, s4;
	s5 =	sor.u32 s3, s1;
	v5 =	vld [tilespmem:s0+$0x180]  }
0xd7: {  	s24 =	simm.s32 $0x200;
	s0 =	simm.s32 $0x60;
	s1 =	sor.u32 s4, s1;
	v4 =	vld [tilespmem:s5+$0x180]  }
0xd8: {  	s3 =	simm.s32 $0x0;
	s4 =	simm.s32 $0x40;
	v2 =	vld [tilespmem:s1+$0x180];
	s1 =	simm.s32 $0x0;
	v6 =	vadd.f32 v3, v0  }
.LBB2_20:
0xd9: {  	s5 =	sand.u32 $0xC00, s24  }
0xda: {  	s6 =	sadd.s32 $0x30, s4;
	v3 =	vadd.f32 v3, v1;
	s7 =	sor.u32 $0x70, s0;
	s3 =	sadd.s32 $0x4, s3  }
0xdb: {  	s8 =	sadd.s32 $0x10, s4;
	s5 =	sor.u32 $0x1000, s5;
	s6 =	sand.u32 $0x70, s6;
	v7 =	vadd.f32 v5, v0;
	v5 =	vadd.f32 v5, v1;
	[tilespmem:s1+$0x2460] =	vst v6  }
0xdc: {  	p0 =	slt.u32 s3, $0x1C;
	s6 =	sor.u32 s6, s5;
	v6 =	vadd.f32 v4, v0;
	v8 =	vadd.f32 v4, v1;
	[tilespmem:s7+$0x2400] =	vst v3;
	s7 =	sand.u32 $0x40, s4  }
0xdd: {  	s9 =	sadd.s32 $0x20, s4;
	s8 =	sand.u32 $0x50, s8;
	v3 =	vld [tilespmem:s6+$0x180];
	[tilespmem:s1+$0x2400] =	vst v7;
	v7 =	vadd.f32 v2, v0;
	v9 =	vadd.f32 v2, v1;
	s6 =	sor.u32 s7, s5  }
.Ltmp9:
0xde: {  	s7 =	sor.u32 s8, s5;
	s8 =	sand.u32 $0x60, s9;
	[tilespmem:s1+$0x2410] =	vst v5;
	(pc) =	sbr.rel @p0 .LBB2_20-.Ltmp9, $4  }
0xdf: {  	s5 =	sor.u32 s8, s5;
	s8 =	sadd.s32 $0xFFFFFFE0, s0;
	v5 =	vld [tilespmem:s6+$0x180];
	s6 =	sadd.s32 $0xFFFFFFC0, s0;
	[tilespmem:s1+$0x2420] =	vst v6  }
0xe0: {  	v4 =	vld [tilespmem:s7+$0x180];
	s6 =	sor.u32 $0x30, s6;
	[tilespmem:s1+$0x2440] =	vst v7;
	s7 =	sor.u32 $0x50, s8  }
0xe1: {  	s0 =	sadd.s32 $0x80, s0;
	v2 =	vld [tilespmem:s5+$0x180];
	[tilespmem:s6+$0x2400] =	vst v8  }
0xe2: {  	s4 =	sadd.s32 $0x40, s4;
	s1 =	sshra.s32 s24, $0x2;
	s24 =	sadd.s32 $0x200, s24;
	v6 =	vadd.f32 v3, v0;
	[tilespmem:s7+$0x2400] =	vst v9  }
0xe3: {  	v3 =	vadd.f32 v3, v1  }
0xe4: {  	s3 =	sor.u32 $0x70, s0;
	v7 =	vadd.f32 v5, v0;
	[tilespmem:s1+$0x2460] =	vst v6  }
0xe5: {  	v59 =	vadd.f32 v5, v1;
	[tilespmem:s3+$0x2400] =	vst v3  }
0xe6: {  	v60 =	vadd.f32 v4, v0;
	[tilespmem:s1+$0x2400] =	vst v7  }
0xe7: {  	v61 =	vadd.f32 v2, v0;
	[tilespmem:s1+$0x2410] =	vst v59  }
0xe8: {  	s24 =	sadd.s32 $0xFFFFFFC0, s0;
	v62 =	vadd.f32 v4, v1;
	[tilespmem:s1+$0x2420] =	vst v60  }
0xe9: {  	s25 =	sadd.s32 $0xFFFFFFE0, s0;
	s3 =	sor.u32 $0x30, s24;
	v63 =	vadd.f32 v2, v1;
	[tilespmem:s1+$0x2440] =	vst v61  }
0xea: {  	s0 =	sor.u32 $0x50, s25;
	[tilespmem:s3+$0x2400] =	vst v62  }
0xeb: {  	[tilespmem:s0+$0x2400] =	vst v63  }
0xec: {  	_ =	swait.ge [sflag:s30], $0x8000  }
0xed: {  	[sflag:s30] =	ssyncset.done $0x0  }
0xee: {  	[sflag:s30] =	ssyncadd.s32 $0xFFFF8000  }
0xef: {  	_ =	swait.ge [sflag:s30], $0x8000  }
0xf0: {  	s24 =	simm.s32 $0x0;
	[sflag:s30] =	ssyncset.done $0x0  }
0xf1: {  	s1 =	simm.s32 $0x0;
	s0 =	simm.s32 $0x0;
	[sflag:s30] =	ssyncadd.s32 $0xFFFF8000  }
.LBB2_22:
0xf2: {  	s3 =	sshll.u32 s24, $0x4;
	s4 =	sshll.u32 s24, $0x7  }
0xf3: {  	s5 =	simm.s32 $0x2440;
	s3 =	sand.u32 $0x70, s3;
	s4 =	sand.u32 $0xC00, s4  }
0xf4: {  	v4 =	vld [tilespmem:s5+$0x30];
	s3 =	sor.u32 s3, s4  }
0xf5: {  	v0 =	vld [tilespmem:s3+$0x180]  }
0xf6: {  	v5 =	vld [tilespmem:s5+$0xFFFFFFD0]  }
0xf7: {  	s10 =	sshll.u32 s1, $0x2;
	s25 =	sand.u32 $0x7, s0;
	v7 =	vld [tilespmem:s5+$0xFFFFFFE0]  }
0xf8: {  	v3 =	vld [tilespmem:s5+$0xFFFFFFF0];
	s4 =	sshll.u32 s25, $0x9;
	s3 =	sand.u32 $0xFFFF8000, s10  }
0xf9: {  	v1 =	vld [tilespmem:s5+$0x0];
	s3 =	sor.u32 s4, s3  }
0xfa: {  	v2 =	vld [tilespmem:s5+$0x10];
	s3 =	sshrl.u32 s3, $0x2;
	v8 =	vadd.f32 v4, v0  }
0xfb: {  	s3 =	sadd.s32 $0xA800, s3;
	v4 =	vld [tilespmem:s5+$0x20];
	v6 =	vadd.f32 v5, v0  }
0xfc: {  	s25 =	simm.s32 $0x24C0;
	s4 =	simm.s32 $0x0;
	v5 =	vld [tilespmem:s5+$0xFFFFFFC0];
	v7 =	vadd.f32 v7, v0;
	[tilespmem:s3+$0x70] =	vst v8  }
.LBB2_23:
0xfd: {  	v8 =	vld [tilespmem:s25+$0x30];
	s4 =	sadd.s32 $0x8, s4;
	[tilespmem:s3+$0x10] =	vst v6;
	v3 =	vadd.f32 v3, v0  }
0xfe: {  	v6 =	vld [tilespmem:s25+$0xFFFFFFD0];
	p0 =	slt.u32 s4, $0x38;
	[tilespmem:s3+$0x20] =	vst v7;
	v1 =	vadd.f32 v1, v0  }
0xff: {  	v7 =	vld [tilespmem:s25+$0xFFFFFFE0];
	[tilespmem:s3+$0x30] =	vst v3;
	v2 =	vadd.f32 v2, v0  }
.Ltmp10:
0x100: {  	v3 =	vld [tilespmem:s25+$0xFFFFFFF0];
	[tilespmem:s3+$0x40] =	vst v1;
	v4 =	vadd.f32 v4, v0;
	(pc) =	sbr.rel @p0 .LBB2_23-.Ltmp10, $4  }
0x101: {  	v1 =	vld [tilespmem:s25+$0x0];
	v5 =	vadd.f32 v5, v0;
	[tilespmem:s3+$0x50] =	vst v2  }
0x102: {  	v2 =	vld [tilespmem:s25+$0x10];
	v8 =	vadd.f32 v8, v0;
	[tilespmem:s3+$0x60] =	vst v4  }
0x103: {  	v6 =	vadd.f32 v6, v0;
	v4 =	vld [tilespmem:s25+$0x20];
	[tilespmem:s3+$0x0] =	vst v5;
	s3 =	sadd.s32 $0x400, s3  }
0x104: {  	v5 =	vld [tilespmem:s25+$0xFFFFFFC0];
	v7 =	vadd.f32 v7, v0;
	[tilespmem:s3+$0x70] =	vst v8;
	s25 =	sadd.s32 $0x80, s25  }
0x105: {  	[tilespmem:s3+$0x10] =	vst v6;
	v3 =	vadd.f32 v3, v0;
	s24 =	sadd.s32 $0x1, s24  }
0x106: {  	[tilespmem:s3+$0x20] =	vst v7;
	v1 =	vadd.f32 v1, v0;
	p0 =	sne.s32 s24, $0x20  }
.Ltmp11:
0x107: {  	[tilespmem:s3+$0x30] =	vst v3;
	v2 =	vadd.f32 v2, v0;
	(pc) =	sbr.rel @p0 .LBB2_22-.Ltmp11, $4  }
0x108: {  	[tilespmem:s3+$0x40] =	vst v1;
	v62 =	vadd.f32 v4, v0  }
0x109: {  	v63 =	vadd.f32 v5, v0;
	[tilespmem:s3+$0x50] =	vst v2  }
0x10a: {  	[tilespmem:s3+$0x60] =	vst v62  }
0x10b: {  	s1 =	sadd.s32 $0x400, s1;
	s0 =	sadd.s32 $0x1, s0;
	[tilespmem:s3+$0x0] =	vst v63  }
0x10c: {  	s0 =	simm.s32 $0x0;
	p0 =	por $0x0, $0x0;
	s3 =	simm.s32 $0x1  }
0x10d: {  	[hbm4b:s12+s0] =	stream.linear.scatter [tilespmem:s28], [sflag:$0x2], $0x8000, $0x38;
	[tilespmem:$0x12800] =	vst v63  }
0x10e: {  	s1 =	sand.u32 $0x7, s0;
	s3 =	simm.s32 @!p0 $0x0  }
0x10f: {  	s1 =	sshll.u32 s1, $0x4;
	s3 =	sshll.u32 s3, $0x6  }
0x110: {  	[hbm4b:s13+s0] =	stream.linear.scatter [tilespmem:s28], [sflag:$0x2], $0x8000, $0x38;
	[tilespmem:$0x12800] =	vst v63  }
0x111: {  	s1 =	sadd.s32 $0x0, s1;
	s3 =	sadd.s32 $0x0, s3  }
0x112: {  	s0 =	sand.u32 $0x3, s0;
	s4 =	sadd.s32 $0x30, s1;
	v0 =	vld [tilespmem:$0x2200];
	s3 =	sor.u32 $0x200, s3  }
0x113: {  	s0 =	sshll.u32 s0, $0x5;
	s1 =	sadd.s32 $0x10, s1;
	s4 =	sor.u32 $0x200, s4;
	v4 =	vld [tilespmem:s3+$0x1000]  }
0x114: {  	s0 =	sadd.s32 $0x0, s0;
	s1 =	sor.u32 $0x200, s1;
	v2 =	vld [tilespmem:s4+$0x1000]  }
0x115: {  	s9 =	simm.s32 $0x2;
	s24 =	simm.s32 $0x4;
	s8 =	sadd.s32 $0x20, s0;
	v3 =	vld [tilespmem:s1+$0x1000]  }
0x116: {  	s6 =	simm.s32 $0x0;
	s5 =	sand.u32 $0x7, s24;
	v1 =	vld [tilespmem:$0x2210];
	s4 =	sor.u32 $0x200, s8  }
0x117: {  	s25 =	simm.s32 $0x4;
	p0 =	por !p0, !p0;
	s5 =	sshll.u32 s5, $0x4;
	v6 =	vld [tilespmem:s4+$0x1000]  }
0x118: {  	s5 =	sadd.s32 $0x200, s5;
	s0 =	simm.s32 $0x60;
	s1 =	sand.u32 $0x3, s9;
	v8 =	vadd.f32 v4, v0  }
0x119: {  	s9 =	sshll.u32 s1, $0x5;
	s1 =	simm.s32 $0x200;
	s7 =	sor.u32 $0x70, s0;
	v5 =	vadd.f32 v2, v0  }
0x11a: {  	s8 =	sadd.s32 $0x30, s5;
	s5 =	sadd.s32 $0x10, s5;
	s4 =	simm.s32 $0x1;
	v7 =	vadd.f32 v3, v0;
	[tilespmem:s6+$0x2400] =	vst v8  }
0x11b: {  	s8 =	sor.u32 $0x200, s8;
	s5 =	sor.u32 $0x200, s5;
	s4 =	simm.s32 @!p0 $0x0;
	v2 =	vadd.f32 v2, v1;
	[tilespmem:s6+$0x2460] =	vst v5  }
0x11c: {  	p0 =	por !p0, !p0;
	s10 =	sshll.u32 s4, $0x6;
	s4 =	sadd.s32 $0x200, s9;
	v5 =	vadd.f32 v6, v0;
	[tilespmem:s6+$0x2420] =	vst v7  }
0x11d: {  	s9 =	simm.s32 $0x20;
	s3 =	sadd.s32 $0x200, s10;
	s10 =	sadd.s32 $0x20, s4;
	v7 =	vadd.f32 v4, v1;
	v4 =	vld [tilespmem:s8+$0x1000];
	[tilespmem:s7+$0x2400] =	vst v2  }
0x11e: {  	s4 =	sor.u32 $0x200, s3;
	s7 =	sor.u32 $0x200, s10;
	v2 =	vld [tilespmem:s5+$0x1000];
	s10 =	simm.s32 $0x40;
	[tilespmem:s6+$0x2440] =	vst v5  }
0x11f: {  	s3 =	simm.s32 $0x4;
	v6 =	vadd.f32 v6, v1;
	v5 =	vadd.f32 v3, v1;
	v3 =	vld [tilespmem:s7+$0x1000];
	[tilespmem:s6+$0x2410] =	vst v7;
	s6 =	sor.u32 $0x30, s9;
	s5 =	sor.u32 $0x50, s10  }
.LBB2_26:
0x120: {  	s7 =	simm.s32 $0x1;
	s8 =	sand.u32 $0x3, s3  }
0x121: {  	v7 =	vld [tilespmem:s4+$0x1000];
	[tilespmem:s6+$0x2400] =	vst v5;
	s4 =	smov.u32 s1;
	s24 =	sadd.s32 $0x4, s24;
	s7 =	simm.s32 @!p0 $0x0  }
0x122: {  	s1 =	sadd.s32 $0x200, s1;
	s6 =	sshll.u32 s7, $0x6;
	s7 =	sshll.u32 s8, $0x5;
	[tilespmem:s5+$0x2400] =	vst v6  }
0x123: {  	s0 =	sadd.s32 $0x80, s0;
	s25 =	sadd.s32 $0x4, s25;
	s5 =	sand.u32 $0x7, s24;
	v6 =	vadd.f32 v4, v0  }
0x124: {  	p1 =	slt.u32 s25, $0x1C;
	s8 =	sshra.s32 s4, $0x2;
	v4 =	vadd.f32 v4, v1;
	s5 =	sshll.u32 s5, $0x4;
	v8 =	vadd.f32 v2, v0  }
0x125: {  	v5 =	vadd.f32 v2, v1;
	s7 =	sadd.s32 s1, s7;
	s4 =	sadd.s32 s1, s5;
	v2 =	vadd.f32 v3, v0;
	s5 =	sor.u32 $0x70, s0;
	[tilespmem:s8+$0x2460] =	vst v6  }
.Ltmp12:
0x126: {  	s9 =	sadd.s32 $0x30, s4;
	s10 =	sadd.s32 $0x10, s4;
	v9 =	vadd.f32 v7, v0;
	v6 =	vadd.f32 v3, v1;
	[tilespmem:s5+$0x2400] =	vst v4;
	(pc) =	sbr.rel @p1 .LBB2_26-.Ltmp12, $4  }
0x127: {  	s4 =	sadd.s32 s6, s1;
	v7 =	vadd.f32 v7, v1;
	s5 =	sadd.s32 $0x20, s7;
	s6 =	sor.u32 $0x200, s9;
	[tilespmem:s8+$0x2420] =	vst v8  }
0x128: {  	s4 =	sor.u32 $0x200, s4;
	s7 =	sor.u32 $0x200, s10;
	s5 =	sor.u32 $0x200, s5;
	v4 =	vld [tilespmem:s6+$0x1000];
	[tilespmem:s8+$0x2440] =	vst v2  }
0x129: {  	p0 =	por !p0, !p0;
	s6 =	sadd.s32 $0xFFFFFFC0, s0;
	v2 =	vld [tilespmem:s7+$0x1000];
	[tilespmem:s8+$0x2400] =	vst v9;
	s7 =	sadd.s32 $0xFFFFFFE0, s0  }
0x12a: {  	s3 =	sadd.s32 $0x2, s3;
	s6 =	sor.u32 $0x30, s6;
	v3 =	vld [tilespmem:s5+$0x1000];
	[tilespmem:s8+$0x2410] =	vst v7;
	s5 =	sor.u32 $0x50, s7  }
0x12b: {  	_ =	sdelay $0x1  }
0x12c: {  	v7 =	vld [tilespmem:s4+$0x1000];
	[tilespmem:s6+$0x2400] =	vst v5;
	v56 =	vadd.f32 v4, v0  }
0x12d: {  	[tilespmem:s5+$0x2400] =	vst v6;
	s0 =	sadd.s32 $0x80, s0;
	s1 =	sshra.s32 s1, $0x2;
	v57 =	vadd.f32 v4, v1  }
0x12e: {  	s3 =	sor.u32 $0x70, s0;
	v58 =	vadd.f32 v2, v0;
	[tilespmem:s1+$0x2460] =	vst v56  }
0x12f: {  	v59 =	vadd.f32 v3, v0;
	[tilespmem:s3+$0x2400] =	vst v57  }
0x130: {  	s24 =	sadd.s32 $0xFFFFFFC0, s0;
	v62 =	vadd.f32 v2, v1;
	[tilespmem:s1+$0x2420] =	vst v58  }
0x131: {  	s25 =	sor.u32 $0x30, s24;
	v60 =	vadd.f32 v7, v0;
	[tilespmem:s1+$0x2440] =	vst v59  }
0x132: {  	v61 =	vadd.f32 v7, v1;
	[tilespmem:s25+$0x2400] =	vst v62  }
0x133: {  	s0 =	sadd.s32 $0xFFFFFFE0, s0;
	v63 =	vadd.f32 v3, v1;
	[tilespmem:s1+$0x2400] =	vst v60  }
0x134: {  	s0 =	sor.u32 $0x50, s0;
	[tilespmem:s1+$0x2410] =	vst v61  }
0x135: {  	[tilespmem:s0+$0x2400] =	vst v63  }
0x136: {  	_ =	swait.ge [sflag:s29], $0x8000  }
0x137: {  	[sflag:s29] =	ssyncset.done $0x0  }
0x138: {  	[sflag:s29] =	ssyncadd.s32 $0xFFFF8000  }
0x139: {  	_ =	swait.ge [sflag:s29], $0x8000  }
0x13a: {  	s24 =	simm.s32 $0x0;
	[sflag:s29] =	ssyncset.done $0x0  }
0x13b: {  	s0 =	simm.s32 $0x0;
	s1 =	simm.s32 $0x0;
	[sflag:s29] =	ssyncadd.s32 $0xFFFF8000  }
.LBB2_28:
0x13c: {  	s3 =	sshll.u32 s24, $0x4;
	s4 =	sshll.u32 s24, $0x7  }
0x13d: {  	s5 =	simm.s32 $0x2440;
	s3 =	sand.u32 $0x70, s3;
	s4 =	sand.u32 $0xC00, s4  }
0x13e: {  	v4 =	vld [tilespmem:s5+$0x30];
	s3 =	sor.u32 s3, s4  }
0x13f: {  	v0 =	vld [tilespmem:s3+$0x200]  }
0x140: {  	v5 =	vld [tilespmem:s5+$0xFFFFFFD0]  }
0x141: {  	s10 =	sshll.u32 s1, $0x2;
	s25 =	sand.u32 $0x7, s0;
	v7 =	vld [tilespmem:s5+$0xFFFFFFE0]  }
0x142: {  	v3 =	vld [tilespmem:s5+$0xFFFFFFF0];
	s4 =	sshll.u32 s25, $0x9;
	s3 =	sand.u32 $0xFFFF8000, s10  }
0x143: {  	v1 =	vld [tilespmem:s5+$0x0];
	s3 =	sor.u32 s4, s3  }
0x144: {  	v2 =	vld [tilespmem:s5+$0x10];
	s3 =	sshrl.u32 s3, $0x2;
	v8 =	vadd.f32 v4, v0  }
0x145: {  	s3 =	sadd.s32 $0x2840, s3;
	v4 =	vld [tilespmem:s5+$0x20];
	v6 =	vadd.f32 v5, v0  }
0x146: {  	s25 =	simm.s32 $0x24C0;
	s4 =	simm.s32 $0x0;
	v5 =	vld [tilespmem:s5+$0xFFFFFFC0];
	v7 =	vadd.f32 v7, v0;
	[tilespmem:s3+$0x30] =	vst v8  }
.LBB2_29:
0x147: {  	v8 =	vld [tilespmem:s25+$0x30];
	s4 =	sadd.s32 $0x8, s4;
	[tilespmem:s3+$0xFFFFFFD0] =	vst v6;
	v3 =	vadd.f32 v3, v0  }
0x148: {  	v6 =	vld [tilespmem:s25+$0xFFFFFFD0];
	p0 =	slt.u32 s4, $0x38;
	[tilespmem:s3+$0xFFFFFFE0] =	vst v7;
	v1 =	vadd.f32 v1, v0  }
0x149: {  	v7 =	vld [tilespmem:s25+$0xFFFFFFE0];
	[tilespmem:s3+$0xFFFFFFF0] =	vst v3;
	v2 =	vadd.f32 v2, v0  }
.Ltmp13:
0x14a: {  	v3 =	vld [tilespmem:s25+$0xFFFFFFF0];
	[tilespmem:s3+$0x0] =	vst v1;
	v4 =	vadd.f32 v4, v0;
	(pc) =	sbr.rel @p0 .LBB2_29-.Ltmp13, $4  }
0x14b: {  	v1 =	vld [tilespmem:s25+$0x0];
	v5 =	vadd.f32 v5, v0;
	[tilespmem:s3+$0x10] =	vst v2  }
0x14c: {  	v2 =	vld [tilespmem:s25+$0x10];
	v8 =	vadd.f32 v8, v0;
	[tilespmem:s3+$0x20] =	vst v4  }
0x14d: {  	v6 =	vadd.f32 v6, v0;
	v4 =	vld [tilespmem:s25+$0x20];
	[tilespmem:s3+$0xFFFFFFC0] =	vst v5;
	s3 =	sadd.s32 $0x400, s3  }
0x14e: {  	v5 =	vld [tilespmem:s25+$0xFFFFFFC0];
	v7 =	vadd.f32 v7, v0;
	[tilespmem:s3+$0x30] =	vst v8;
	s25 =	sadd.s32 $0x80, s25  }
0x14f: {  	[tilespmem:s3+$0xFFFFFFD0] =	vst v6;
	v3 =	vadd.f32 v3, v0;
	s24 =	sadd.s32 $0x1, s24  }
0x150: {  	[tilespmem:s3+$0xFFFFFFE0] =	vst v7;
	v1 =	vadd.f32 v1, v0;
	p0 =	sne.s32 s24, $0x20  }
.Ltmp14:
0x151: {  	[tilespmem:s3+$0xFFFFFFF0] =	vst v3;
	v2 =	vadd.f32 v2, v0;
	(pc) =	sbr.rel @p0 .LBB2_28-.Ltmp14, $4  }
0x152: {  	[tilespmem:s3+$0x0] =	vst v1;
	v62 =	vadd.f32 v4, v0  }
0x153: {  	v63 =	vadd.f32 v5, v0;
	[tilespmem:s3+$0x10] =	vst v2  }
0x154: {  	[tilespmem:s3+$0x20] =	vst v62  }
0x155: {  	s1 =	sadd.s32 $0x400, s1;
	s0 =	sadd.s32 $0x1, s0;
	[tilespmem:s3+$0xFFFFFFC0] =	vst v63  }
0x156: {  	s0 =	simm.s32 $0x0;
	p0 =	por $0x0, $0x0;
	s3 =	simm.s32 $0x1  }
0x157: {  	[hbm4b:s14+s0] =	stream.linear.scatter [tilespmem:s26], [sflag:$0x1], $0x8000, $0x38;
	[tilespmem:$0x12800] =	vst v63  }
0x158: {  	s1 =	sand.u32 $0x7, s0;
	s3 =	simm.s32 @!p0 $0x0  }
0x159: {  	s1 =	sshll.u32 s1, $0x4;
	s3 =	sshll.u32 s3, $0x6  }
0x15a: {  	[hbm4b:s15+s0] =	stream.linear.scatter [tilespmem:s26], [sflag:$0x1], $0x8000, $0x38;
	[tilespmem:$0x12800] =	vst v63  }
0x15b: {  	s1 =	sadd.s32 $0x0, s1;
	s3 =	sadd.s32 $0x0, s3  }
0x15c: {  	s0 =	sand.u32 $0x3, s0;
	s4 =	sadd.s32 $0x30, s1;
	v0 =	vld [tilespmem:$0x2280];
	s3 =	sor.u32 $0x280, s3  }
0x15d: {  	s0 =	sshll.u32 s0, $0x5;
	s1 =	sadd.s32 $0x10, s1;
	s4 =	sor.u32 $0x280, s4;
	v4 =	vld [tilespmem:s3+$0x1000]  }
0x15e: {  	s0 =	sadd.s32 $0x0, s0;
	s1 =	sor.u32 $0x280, s1;
	v2 =	vld [tilespmem:s4+$0x1000]  }
0x15f: {  	s9 =	simm.s32 $0x2;
	s24 =	simm.s32 $0x4;
	s8 =	sadd.s32 $0x20, s0;
	v3 =	vld [tilespmem:s1+$0x1000]  }
0x160: {  	s6 =	simm.s32 $0x0;
	s5 =	sand.u32 $0x7, s24;
	v1 =	vld [tilespmem:$0x2290];
	s4 =	sor.u32 $0x280, s8  }
0x161: {  	s25 =	simm.s32 $0x4;
	p0 =	por !p0, !p0;
	s5 =	sshll.u32 s5, $0x4;
	v6 =	vld [tilespmem:s4+$0x1000]  }
0x162: {  	s5 =	sadd.s32 $0x200, s5;
	s0 =	simm.s32 $0x60;
	s1 =	sand.u32 $0x3, s9;
	v8 =	vadd.f32 v4, v0  }
0x163: {  	s9 =	sshll.u32 s1, $0x5;
	s1 =	simm.s32 $0x200;
	s7 =	sor.u32 $0x70, s0;
	v5 =	vadd.f32 v2, v0  }
0x164: {  	s8 =	sadd.s32 $0x30, s5;
	s5 =	sadd.s32 $0x10, s5;
	s4 =	simm.s32 $0x1;
	v7 =	vadd.f32 v3, v0;
	[tilespmem:s6+$0x2400] =	vst v8  }
0x165: {  	s8 =	sor.u32 $0x280, s8;
	s5 =	sor.u32 $0x280, s5;
	s4 =	simm.s32 @!p0 $0x0;
	v2 =	vadd.f32 v2, v1;
	[tilespmem:s6+$0x2460] =	vst v5  }
0x166: {  	p0 =	por !p0, !p0;
	s10 =	sshll.u32 s4, $0x6;
	s4 =	sadd.s32 $0x200, s9;
	v5 =	vadd.f32 v6, v0;
	[tilespmem:s6+$0x2420] =	vst v7  }
0x167: {  	s9 =	simm.s32 $0x20;
	s3 =	sadd.s32 $0x200, s10;
	s10 =	sadd.s32 $0x20, s4;
	v7 =	vadd.f32 v4, v1;
	v4 =	vld [tilespmem:s8+$0x1000];
	[tilespmem:s7+$0x2400] =	vst v2  }
0x168: {  	s4 =	sor.u32 $0x280, s3;
	s7 =	sor.u32 $0x280, s10;
	v2 =	vld [tilespmem:s5+$0x1000];
	s10 =	simm.s32 $0x40;
	[tilespmem:s6+$0x2440] =	vst v5  }
0x169: {  	s3 =	simm.s32 $0x4;
	v6 =	vadd.f32 v6, v1;
	v5 =	vadd.f32 v3, v1;
	v3 =	vld [tilespmem:s7+$0x1000];
	[tilespmem:s6+$0x2410] =	vst v7;
	s6 =	sor.u32 $0x30, s9;
	s5 =	sor.u32 $0x50, s10  }
.LBB2_32:
0x16a: {  	s7 =	simm.s32 $0x1;
	s8 =	sand.u32 $0x3, s3  }
0x16b: {  	v7 =	vld [tilespmem:s4+$0x1000];
	[tilespmem:s6+$0x2400] =	vst v5;
	s4 =	smov.u32 s1;
	s24 =	sadd.s32 $0x4, s24;
	s7 =	simm.s32 @!p0 $0x0  }
0x16c: {  	s1 =	sadd.s32 $0x200, s1;
	s6 =	sshll.u32 s7, $0x6;
	s7 =	sshll.u32 s8, $0x5;
	[tilespmem:s5+$0x2400] =	vst v6  }
0x16d: {  	s0 =	sadd.s32 $0x80, s0;
	s25 =	sadd.s32 $0x4, s25;
	s5 =	sand.u32 $0x7, s24;
	v6 =	vadd.f32 v4, v0  }
0x16e: {  	p1 =	slt.u32 s25, $0x1C;
	s8 =	sshra.s32 s4, $0x2;
	v4 =	vadd.f32 v4, v1;
	s5 =	sshll.u32 s5, $0x4;
	v8 =	vadd.f32 v2, v0  }
0x16f: {  	v5 =	vadd.f32 v2, v1;
	s7 =	sadd.s32 s1, s7;
	s4 =	sadd.s32 s1, s5;
	v2 =	vadd.f32 v3, v0;
	s5 =	sor.u32 $0x70, s0;
	[tilespmem:s8+$0x2460] =	vst v6  }
.Ltmp15:
0x170: {  	s9 =	sadd.s32 $0x30, s4;
	s10 =	sadd.s32 $0x10, s4;
	v9 =	vadd.f32 v7, v0;
	v6 =	vadd.f32 v3, v1;
	[tilespmem:s5+$0x2400] =	vst v4;
	(pc) =	sbr.rel @p1 .LBB2_32-.Ltmp15, $4  }
0x171: {  	s4 =	sadd.s32 s6, s1;
	v7 =	vadd.f32 v7, v1;
	s5 =	sadd.s32 $0x20, s7;
	s6 =	sor.u32 $0x280, s9;
	[tilespmem:s8+$0x2420] =	vst v8  }
0x172: {  	s4 =	sor.u32 $0x280, s4;
	s7 =	sor.u32 $0x280, s10;
	s5 =	sor.u32 $0x280, s5;
	v4 =	vld [tilespmem:s6+$0x1000];
	[tilespmem:s8+$0x2440] =	vst v2  }
0x173: {  	p0 =	por !p0, !p0;
	s6 =	sadd.s32 $0xFFFFFFC0, s0;
	v2 =	vld [tilespmem:s7+$0x1000];
	[tilespmem:s8+$0x2400] =	vst v9;
	s7 =	sadd.s32 $0xFFFFFFE0, s0  }
0x174: {  	s3 =	sadd.s32 $0x2, s3;
	s6 =	sor.u32 $0x30, s6;
	v3 =	vld [tilespmem:s5+$0x1000];
	[tilespmem:s8+$0x2410] =	vst v7;
	s5 =	sor.u32 $0x50, s7  }
0x175: {  	_ =	sdelay $0x1  }
0x176: {  	v7 =	vld [tilespmem:s4+$0x1000];
	[tilespmem:s6+$0x2400] =	vst v5;
	v56 =	vadd.f32 v4, v0  }
0x177: {  	[tilespmem:s5+$0x2400] =	vst v6;
	s0 =	sadd.s32 $0x80, s0;
	s1 =	sshra.s32 s1, $0x2;
	v57 =	vadd.f32 v4, v1  }
0x178: {  	s3 =	sor.u32 $0x70, s0;
	v58 =	vadd.f32 v2, v0;
	[tilespmem:s1+$0x2460] =	vst v56  }
0x179: {  	v59 =	vadd.f32 v3, v0;
	[tilespmem:s3+$0x2400] =	vst v57  }
0x17a: {  	s24 =	sadd.s32 $0xFFFFFFC0, s0;
	v62 =	vadd.f32 v2, v1;
	[tilespmem:s1+$0x2420] =	vst v58  }
0x17b: {  	s25 =	sor.u32 $0x30, s24;
	v60 =	vadd.f32 v7, v0;
	[tilespmem:s1+$0x2440] =	vst v59  }
0x17c: {  	v61 =	vadd.f32 v7, v1;
	[tilespmem:s25+$0x2400] =	vst v62  }
0x17d: {  	s0 =	sadd.s32 $0xFFFFFFE0, s0;
	v63 =	vadd.f32 v3, v1;
	[tilespmem:s1+$0x2400] =	vst v60  }
0x17e: {  	s0 =	sor.u32 $0x50, s0;
	[tilespmem:s1+$0x2410] =	vst v61  }
0x17f: {  	[tilespmem:s0+$0x2400] =	vst v63  }
0x180: {  	_ =	swait.ge [sflag:s30], $0x8000  }
0x181: {  	[sflag:s30] =	ssyncset.done $0x0  }
0x182: {  	[sflag:s30] =	ssyncadd.s32 $0xFFFF8000  }
0x183: {  	_ =	swait.ge [sflag:s30], $0x8000  }
0x184: {  	s24 =	simm.s32 $0x0;
	[sflag:s30] =	ssyncset.done $0x0  }
0x185: {  	s0 =	simm.s32 $0x0;
	s1 =	simm.s32 $0x0;
	[sflag:s30] =	ssyncadd.s32 $0xFFFF8000  }
.LBB2_34:
0x186: {  	s3 =	sshll.u32 s24, $0x4;
	s4 =	sshll.u32 s24, $0x7  }
0x187: {  	s5 =	simm.s32 $0x2440;
	s3 =	sand.u32 $0x70, s3;
	s4 =	sand.u32 $0xC00, s4  }
0x188: {  	v4 =	vld [tilespmem:s5+$0x30];
	s3 =	sor.u32 s3, s4  }
0x189: {  	v0 =	vld [tilespmem:s3+$0x280]  }
0x18a: {  	v5 =	vld [tilespmem:s5+$0xFFFFFFD0]  }
0x18b: {  	s10 =	sshll.u32 s1, $0x2;
	s25 =	sand.u32 $0x7, s0;
	v7 =	vld [tilespmem:s5+$0xFFFFFFE0]  }
0x18c: {  	v3 =	vld [tilespmem:s5+$0xFFFFFFF0];
	s4 =	sshll.u32 s25, $0x9;
	s3 =	sand.u32 $0xFFFF8000, s10  }
0x18d: {  	v1 =	vld [tilespmem:s5+$0x0];
	s3 =	sor.u32 s4, s3  }
0x18e: {  	v2 =	vld [tilespmem:s5+$0x10];
	s3 =	sshrl.u32 s3, $0x2;
	v8 =	vadd.f32 v4, v0  }
0x18f: {  	s3 =	sadd.s32 $0xA800, s3;
	v4 =	vld [tilespmem:s5+$0x20];
	v6 =	vadd.f32 v5, v0  }
0x190: {  	s25 =	simm.s32 $0x24C0;
	s4 =	simm.s32 $0x0;
	v5 =	vld [tilespmem:s5+$0xFFFFFFC0];
	v7 =	vadd.f32 v7, v0;
	[tilespmem:s3+$0x70] =	vst v8  }
.LBB2_35:
0x191: {  	v8 =	vld [tilespmem:s25+$0x30];
	s4 =	sadd.s32 $0x8, s4;
	[tilespmem:s3+$0x10] =	vst v6;
	v3 =	vadd.f32 v3, v0  }
0x192: {  	v6 =	vld [tilespmem:s25+$0xFFFFFFD0];
	p0 =	slt.u32 s4, $0x38;
	[tilespmem:s3+$0x20] =	vst v7;
	v1 =	vadd.f32 v1, v0  }
0x193: {  	v7 =	vld [tilespmem:s25+$0xFFFFFFE0];
	[tilespmem:s3+$0x30] =	vst v3;
	v2 =	vadd.f32 v2, v0  }
.Ltmp16:
0x194: {  	v3 =	vld [tilespmem:s25+$0xFFFFFFF0];
	[tilespmem:s3+$0x40] =	vst v1;
	v4 =	vadd.f32 v4, v0;
	(pc) =	sbr.rel @p0 .LBB2_35-.Ltmp16, $4  }
0x195: {  	v1 =	vld [tilespmem:s25+$0x0];
	v5 =	vadd.f32 v5, v0;
	[tilespmem:s3+$0x50] =	vst v2  }
0x196: {  	v2 =	vld [tilespmem:s25+$0x10];
	v8 =	vadd.f32 v8, v0;
	[tilespmem:s3+$0x60] =	vst v4  }
0x197: {  	v6 =	vadd.f32 v6, v0;
	v4 =	vld [tilespmem:s25+$0x20];
	[tilespmem:s3+$0x0] =	vst v5;
	s3 =	sadd.s32 $0x400, s3  }
0x198: {  	v5 =	vld [tilespmem:s25+$0xFFFFFFC0];
	v7 =	vadd.f32 v7, v0;
	[tilespmem:s3+$0x70] =	vst v8;
	s25 =	sadd.s32 $0x80, s25  }
0x199: {  	[tilespmem:s3+$0x10] =	vst v6;
	v3 =	vadd.f32 v3, v0;
	s24 =	sadd.s32 $0x1, s24  }
0x19a: {  	[tilespmem:s3+$0x20] =	vst v7;
	v1 =	vadd.f32 v1, v0;
	p0 =	sne.s32 s24, $0x20  }
.Ltmp17:
0x19b: {  	[tilespmem:s3+$0x30] =	vst v3;
	v2 =	vadd.f32 v2, v0;
	(pc) =	sbr.rel @p0 .LBB2_34-.Ltmp17, $4  }
0x19c: {  	[tilespmem:s3+$0x40] =	vst v1;
	v62 =	vadd.f32 v4, v0  }
0x19d: {  	v63 =	vadd.f32 v5, v0;
	[tilespmem:s3+$0x50] =	vst v2  }
0x19e: {  	[tilespmem:s3+$0x60] =	vst v62  }
0x19f: {  	s1 =	sadd.s32 $0x400, s1;
	s0 =	sadd.s32 $0x1, s0;
	[tilespmem:s3+$0x0] =	vst v63  }
0x1a0: {  	s0 =	simm.s32 $0x0;
	p0 =	por $0x0, $0x0;
	s3 =	simm.s32 $0x1  }
0x1a1: {  	[hbm4b:s16+s0] =	stream.linear.scatter [tilespmem:s28], [sflag:$0x2], $0x8000, $0x38;
	[tilespmem:$0x12800] =	vst v63  }
0x1a2: {  	s1 =	sand.u32 $0x7, s0;
	s3 =	simm.s32 @!p0 $0x0  }
0x1a3: {  	s1 =	sshll.u32 s1, $0x4;
	s3 =	sshll.u32 s3, $0x6  }
0x1a4: {  	[hbm4b:s17+s0] =	stream.linear.scatter [tilespmem:s28], [sflag:$0x2], $0x8000, $0x38;
	[tilespmem:$0x12800] =	vst v63  }
0x1a5: {  	s1 =	sadd.s32 $0x0, s1;
	s3 =	sadd.s32 $0x0, s3  }
0x1a6: {  	s0 =	sand.u32 $0x3, s0;
	s4 =	sadd.s32 $0x30, s1;
	v0 =	vld [tilespmem:$0x2300];
	s3 =	sor.u32 $0x300, s3  }
0x1a7: {  	s0 =	sshll.u32 s0, $0x5;
	s1 =	sadd.s32 $0x10, s1;
	s4 =	sor.u32 $0x300, s4;
	v4 =	vld [tilespmem:s3+$0x1000]  }
0x1a8: {  	s0 =	sadd.s32 $0x0, s0;
	s1 =	sor.u32 $0x300, s1;
	v2 =	vld [tilespmem:s4+$0x1000]  }
0x1a9: {  	s9 =	simm.s32 $0x2;
	s24 =	simm.s32 $0x4;
	s8 =	sadd.s32 $0x20, s0;
	v3 =	vld [tilespmem:s1+$0x1000]  }
0x1aa: {  	s6 =	simm.s32 $0x0;
	s5 =	sand.u32 $0x7, s24;
	v1 =	vld [tilespmem:$0x2310];
	s4 =	sor.u32 $0x300, s8  }
0x1ab: {  	s25 =	simm.s32 $0x4;
	p0 =	por !p0, !p0;
	s5 =	sshll.u32 s5, $0x4;
	v6 =	vld [tilespmem:s4+$0x1000]  }
0x1ac: {  	s5 =	sadd.s32 $0x200, s5;
	s0 =	simm.s32 $0x60;
	s1 =	sand.u32 $0x3, s9;
	v8 =	vadd.f32 v4, v0  }
0x1ad: {  	s9 =	sshll.u32 s1, $0x5;
	s1 =	simm.s32 $0x200;
	s7 =	sor.u32 $0x70, s0;
	v5 =	vadd.f32 v2, v0  }
0x1ae: {  	s8 =	sadd.s32 $0x30, s5;
	s5 =	sadd.s32 $0x10, s5;
	s4 =	simm.s32 $0x1;
	v7 =	vadd.f32 v3, v0;
	[tilespmem:s6+$0x2400] =	vst v8  }
0x1af: {  	s8 =	sor.u32 $0x300, s8;
	s5 =	sor.u32 $0x300, s5;
	s4 =	simm.s32 @!p0 $0x0;
	v2 =	vadd.f32 v2, v1;
	[tilespmem:s6+$0x2460] =	vst v5  }
0x1b0: {  	p0 =	por !p0, !p0;
	s10 =	sshll.u32 s4, $0x6;
	s4 =	sadd.s32 $0x200, s9;
	v5 =	vadd.f32 v6, v0;
	[tilespmem:s6+$0x2420] =	vst v7  }
0x1b1: {  	s9 =	simm.s32 $0x20;
	s3 =	sadd.s32 $0x200, s10;
	s10 =	sadd.s32 $0x20, s4;
	v7 =	vadd.f32 v4, v1;
	v4 =	vld [tilespmem:s8+$0x1000];
	[tilespmem:s7+$0x2400] =	vst v2  }
0x1b2: {  	s4 =	sor.u32 $0x300, s3;
	s7 =	sor.u32 $0x300, s10;
	v2 =	vld [tilespmem:s5+$0x1000];
	s10 =	simm.s32 $0x40;
	[tilespmem:s6+$0x2440] =	vst v5  }
0x1b3: {  	s3 =	simm.s32 $0x4;
	v6 =	vadd.f32 v6, v1;
	v5 =	vadd.f32 v3, v1;
	v3 =	vld [tilespmem:s7+$0x1000];
	[tilespmem:s6+$0x2410] =	vst v7;
	s6 =	sor.u32 $0x30, s9;
	s5 =	sor.u32 $0x50, s10  }
.LBB2_38:
0x1b4: {  	s7 =	simm.s32 $0x1;
	s8 =	sand.u32 $0x3, s3  }
0x1b5: {  	v7 =	vld [tilespmem:s4+$0x1000];
	[tilespmem:s6+$0x2400] =	vst v5;
	s4 =	smov.u32 s1;
	s24 =	sadd.s32 $0x4, s24;
	s7 =	simm.s32 @!p0 $0x0  }
0x1b6: {  	s1 =	sadd.s32 $0x200, s1;
	s6 =	sshll.u32 s7, $0x6;
	s7 =	sshll.u32 s8, $0x5;
	[tilespmem:s5+$0x2400] =	vst v6  }
0x1b7: {  	s0 =	sadd.s32 $0x80, s0;
	s25 =	sadd.s32 $0x4, s25;
	s5 =	sand.u32 $0x7, s24;
	v6 =	vadd.f32 v4, v0  }
0x1b8: {  	p1 =	slt.u32 s25, $0x1C;
	s8 =	sshra.s32 s4, $0x2;
	v4 =	vadd.f32 v4, v1;
	s5 =	sshll.u32 s5, $0x4;
	v8 =	vadd.f32 v2, v0  }
0x1b9: {  	v5 =	vadd.f32 v2, v1;
	s7 =	sadd.s32 s1, s7;
	s4 =	sadd.s32 s1, s5;
	v2 =	vadd.f32 v3, v0;
	s5 =	sor.u32 $0x70, s0;
	[tilespmem:s8+$0x2460] =	vst v6  }
.Ltmp18:
0x1ba: {  	s9 =	sadd.s32 $0x30, s4;
	s10 =	sadd.s32 $0x10, s4;
	v9 =	vadd.f32 v7, v0;
	v6 =	vadd.f32 v3, v1;
	[tilespmem:s5+$0x2400] =	vst v4;
	(pc) =	sbr.rel @p1 .LBB2_38-.Ltmp18, $4  }
0x1bb: {  	s4 =	sadd.s32 s6, s1;
	v7 =	vadd.f32 v7, v1;
	s5 =	sadd.s32 $0x20, s7;
	s6 =	sor.u32 $0x300, s9;
	[tilespmem:s8+$0x2420] =	vst v8  }
0x1bc: {  	s4 =	sor.u32 $0x300, s4;
	s7 =	sor.u32 $0x300, s10;
	s5 =	sor.u32 $0x300, s5;
	v4 =	vld [tilespmem:s6+$0x1000];
	[tilespmem:s8+$0x2440] =	vst v2  }
0x1bd: {  	p0 =	por !p0, !p0;
	s6 =	sadd.s32 $0xFFFFFFC0, s0;
	v2 =	vld [tilespmem:s7+$0x1000];
	[tilespmem:s8+$0x2400] =	vst v9;
	s7 =	sadd.s32 $0xFFFFFFE0, s0  }
0x1be: {  	s3 =	sadd.s32 $0x2, s3;
	s6 =	sor.u32 $0x30, s6;
	v3 =	vld [tilespmem:s5+$0x1000];
	[tilespmem:s8+$0x2410] =	vst v7;
	s5 =	sor.u32 $0x50, s7  }
0x1bf: {  	_ =	sdelay $0x1  }
0x1c0: {  	v7 =	vld [tilespmem:s4+$0x1000];
	[tilespmem:s6+$0x2400] =	vst v5;
	v56 =	vadd.f32 v4, v0  }
0x1c1: {  	[tilespmem:s5+$0x2400] =	vst v6;
	s0 =	sadd.s32 $0x80, s0;
	s1 =	sshra.s32 s1, $0x2;
	v57 =	vadd.f32 v4, v1  }
0x1c2: {  	s3 =	sor.u32 $0x70, s0;
	v58 =	vadd.f32 v2, v0;
	[tilespmem:s1+$0x2460] =	vst v56  }
0x1c3: {  	v59 =	vadd.f32 v3, v0;
	[tilespmem:s3+$0x2400] =	vst v57  }
0x1c4: {  	s24 =	sadd.s32 $0xFFFFFFC0, s0;
	v62 =	vadd.f32 v2, v1;
	[tilespmem:s1+$0x2420] =	vst v58  }
0x1c5: {  	s25 =	sor.u32 $0x30, s24;
	v60 =	vadd.f32 v7, v0;
	[tilespmem:s1+$0x2440] =	vst v59  }
0x1c6: {  	v61 =	vadd.f32 v7, v1;
	[tilespmem:s25+$0x2400] =	vst v62  }
0x1c7: {  	s0 =	sadd.s32 $0xFFFFFFE0, s0;
	v63 =	vadd.f32 v3, v1;
	[tilespmem:s1+$0x2400] =	vst v60  }
0x1c8: {  	s0 =	sor.u32 $0x50, s0;
	[tilespmem:s1+$0x2410] =	vst v61  }
0x1c9: {  	[tilespmem:s0+$0x2400] =	vst v63  }
0x1ca: {  	_ =	swait.ge [sflag:s29], $0x8000  }
0x1cb: {  	[sflag:s29] =	ssyncset.done $0x0  }
0x1cc: {  	[sflag:s29] =	ssyncadd.s32 $0xFFFF8000  }
0x1cd: {  	_ =	swait.ge [sflag:s29], $0x8000  }
0x1ce: {  	s24 =	simm.s32 $0x0;
	[sflag:s29] =	ssyncset.done $0x0  }
0x1cf: {  	s0 =	simm.s32 $0x0;
	s1 =	simm.s32 $0x0;
	[sflag:s29] =	ssyncadd.s32 $0xFFFF8000  }
.LBB2_40:
0x1d0: {  	s3 =	sshll.u32 s24, $0x4;
	s4 =	sshll.u32 s24, $0x7  }
0x1d1: {  	s5 =	simm.s32 $0x2440;
	s3 =	sand.u32 $0x70, s3;
	s4 =	sand.u32 $0xC00, s4  }
0x1d2: {  	v4 =	vld [tilespmem:s5+$0x30];
	s3 =	sor.u32 s3, s4  }
0x1d3: {  	v0 =	vld [tilespmem:s3+$0x300]  }
0x1d4: {  	v5 =	vld [tilespmem:s5+$0xFFFFFFD0]  }
0x1d5: {  	s10 =	sshll.u32 s1, $0x2;
	s25 =	sand.u32 $0x7, s0;
	v7 =	vld [tilespmem:s5+$0xFFFFFFE0]  }
0x1d6: {  	v3 =	vld [tilespmem:s5+$0xFFFFFFF0];
	s4 =	sshll.u32 s25, $0x9;
	s3 =	sand.u32 $0xFFFF8000, s10  }
0x1d7: {  	v1 =	vld [tilespmem:s5+$0x0];
	s3 =	sor.u32 s4, s3  }
0x1d8: {  	v2 =	vld [tilespmem:s5+$0x10];
	s3 =	sshrl.u32 s3, $0x2;
	v8 =	vadd.f32 v4, v0  }
0x1d9: {  	s3 =	sadd.s32 $0x2840, s3;
	v4 =	vld [tilespmem:s5+$0x20];
	v6 =	vadd.f32 v5, v0  }
0x1da: {  	s25 =	simm.s32 $0x24C0;
	s4 =	simm.s32 $0x0;
	v5 =	vld [tilespmem:s5+$0xFFFFFFC0];
	v7 =	vadd.f32 v7, v0;
	[tilespmem:s3+$0x30] =	vst v8  }
.LBB2_41:
0x1db: {  	v8 =	vld [tilespmem:s25+$0x30];
	s4 =	sadd.s32 $0x8, s4;
	[tilespmem:s3+$0xFFFFFFD0] =	vst v6;
	v3 =	vadd.f32 v3, v0  }
0x1dc: {  	v6 =	vld [tilespmem:s25+$0xFFFFFFD0];
	p0 =	slt.u32 s4, $0x38;
	[tilespmem:s3+$0xFFFFFFE0] =	vst v7;
	v1 =	vadd.f32 v1, v0  }
0x1dd: {  	v7 =	vld [tilespmem:s25+$0xFFFFFFE0];
	[tilespmem:s3+$0xFFFFFFF0] =	vst v3;
	v2 =	vadd.f32 v2, v0  }
.Ltmp19:
0x1de: {  	v3 =	vld [tilespmem:s25+$0xFFFFFFF0];
	[tilespmem:s3+$0x0] =	vst v1;
	v4 =	vadd.f32 v4, v0;
	(pc) =	sbr.rel @p0 .LBB2_41-.Ltmp19, $4  }
0x1df: {  	v1 =	vld [tilespmem:s25+$0x0];
	v5 =	vadd.f32 v5, v0;
	[tilespmem:s3+$0x10] =	vst v2  }
0x1e0: {  	v2 =	vld [tilespmem:s25+$0x10];
	v8 =	vadd.f32 v8, v0;
	[tilespmem:s3+$0x20] =	vst v4  }
0x1e1: {  	v6 =	vadd.f32 v6, v0;
	v4 =	vld [tilespmem:s25+$0x20];
	[tilespmem:s3+$0xFFFFFFC0] =	vst v5;
	s3 =	sadd.s32 $0x400, s3  }
0x1e2: {  	v5 =	vld [tilespmem:s25+$0xFFFFFFC0];
	v7 =	vadd.f32 v7, v0;
	[tilespmem:s3+$0x30] =	vst v8;
	s25 =	sadd.s32 $0x80, s25  }
0x1e3: {  	[tilespmem:s3+$0xFFFFFFD0] =	vst v6;
	v3 =	vadd.f32 v3, v0;
	s24 =	sadd.s32 $0x1, s24  }
0x1e4: {  	[tilespmem:s3+$0xFFFFFFE0] =	vst v7;
	v1 =	vadd.f32 v1, v0;
	p0 =	sne.s32 s24, $0x20  }
.Ltmp20:
0x1e5: {  	[tilespmem:s3+$0xFFFFFFF0] =	vst v3;
	v2 =	vadd.f32 v2, v0;
	(pc) =	sbr.rel @p0 .LBB2_40-.Ltmp20, $4  }
0x1e6: {  	[tilespmem:s3+$0x0] =	vst v1;
	v62 =	vadd.f32 v4, v0  }
0x1e7: {  	v63 =	vadd.f32 v5, v0;
	[tilespmem:s3+$0x10] =	vst v2  }
0x1e8: {  	[tilespmem:s3+$0x20] =	vst v62  }
0x1e9: {  	s1 =	sadd.s32 $0x400, s1;
	s0 =	sadd.s32 $0x1, s0;
	[tilespmem:s3+$0xFFFFFFC0] =	vst v63  }
0x1ea: {  	s0 =	simm.s32 $0x0  }
0x1eb: {  	[hbm4b:s18+s0] =	stream.linear.scatter [tilespmem:s26], [sflag:$0x1], $0x8000, $0x38;
	[tilespmem:$0x12800] =	vst v63  }
0x1ec: {  	s1 =	simm.s32 $0x30  }
0x1ed: {  	[hbm4b:s19+s0] =	stream.linear.scatter [tilespmem:s26], [sflag:$0x1], $0x8000, $0x38;
	[tilespmem:$0x12800] =	vst v63  }
0x1ee: {  	s3 =	simm.s32 $0x10;
	s1 =	sor.u32 $0x380, s1;
	v1 =	vld [tilespmem:$0x2380]  }
0x1ef: {  	s3 =	sor.u32 $0x380, s3;
	v2 =	vld [tilespmem:s1+$0x1000]  }
0x1f0: {  	v3 =	vld [tilespmem:s3+$0x1000]  }
0x1f1: {  	s7 =	simm.s32 $0x20;
	v0 =	vld [tilespmem:$0x2390]  }
0x1f2: {  	s1 =	sor.u32 $0x380, s7  }
0x1f3: {  	s0 =	sor.u32 $0x380, s0;
	v4 =	vld [tilespmem:s1+$0x1000]  }
0x1f4: {  	v6 =	vld [tilespmem:s0+$0x1000];
	v5 =	vadd.f32 v2, v1  }
0x1f5: {  	s8 =	simm.s32 $0x270;
	s1 =	simm.s32 $0x0;
	v8 =	vadd.f32 v3, v1  }
0x1f6: {  	s0 =	simm.s32 $0x60;
	s3 =	sor.u32 $0x380, s8;
	v7 =	vadd.f32 v2, v0;
	[tilespmem:s1+$0x2460] =	vst v5  }
0x1f7: {  	s6 =	simm.s32 $0x20;
	s4 =	sor.u32 $0x70, s0;
	v2 =	vld [tilespmem:s3+$0x1000];
	v3 =	vadd.f32 v3, v0;
	[tilespmem:s1+$0x2420] =	vst v8  }
0x1f8: {  	s10 =	simm.s32 $0x250;
	s6 =	sor.u32 $0x30, s6;
	v5 =	vadd.f32 v4, v1;
	[tilespmem:s4+$0x2400] =	vst v7  }
0x1f9: {  	s5 =	simm.s32 $0x260;
	v7 =	vadd.f32 v6, v1;
	s4 =	sor.u32 $0x380, s10;
	[tilespmem:s6+$0x2400] =	vst v3  }
0x1fa: {  	s9 =	simm.s32 $0x240;
	s24 =	simm.s32 $0x40;
	s5 =	sor.u32 $0x380, s5;
	v8 =	vadd.f32 v4, v0;
	[tilespmem:s1+$0x2440] =	vst v5;
	v5 =	vld [tilespmem:s4+$0x1000]  }
0x1fb: {  	s25 =	sor.u32 $0x50, s24;
	s7 =	sor.u32 $0x380, s9;
	v4 =	vld [tilespmem:s5+$0x1000];
	[tilespmem:s1+$0x2400] =	vst v7  }
0x1fc: {  	s24 =	simm.s32 $0x200;
	s3 =	simm.s32 $0x4;
	v6 =	vadd.f32 v6, v0;
	v3 =	vld [tilespmem:s7+$0x1000];
	s4 =	simm.s32 $0x480;
	v7 =	vadd.f32 v2, v1;
	[tilespmem:s25+$0x2400] =	vst v8  }
.LBB2_44:
0x1fd: {  	s5 =	sadd.s32 $0x30, s4  }
0x1fe: {  	v8 =	vadd.f32 v2, v0;
	[tilespmem:s1+$0x2410] =	vst v6;
	s1 =	sshra.s32 s24, $0x2;
	s0 =	sadd.s32 $0x80, s0;
	s3 =	sadd.s32 $0x4, s3  }
0x1ff: {  	s7 =	sadd.s32 $0x10, s4;
	s5 =	sor.u32 $0x380, s5;
	v9 =	vadd.f32 v5, v1;
	v10 =	vadd.f32 v5, v0;
	[tilespmem:s1+$0x2460] =	vst v7;
	s6 =	sor.u32 $0x70, s0  }
0x200: {  	s8 =	sadd.s32 $0x20, s4;
	p0 =	slt.u32 s3, $0x1C;
	v2 =	vld [tilespmem:s5+$0x1000];
	v7 =	vadd.f32 v4, v1;
	v11 =	vadd.f32 v4, v0;
	[tilespmem:s6+$0x2400] =	vst v8;
	s5 =	sor.u32 $0x380, s4  }
.Ltmp21:
0x201: {  	s6 =	sor.u32 $0x380, s7;
	s7 =	sor.u32 $0x380, s8;
	v8 =	vadd.f32 v3, v1;
	v6 =	vadd.f32 v3, v0;
	[tilespmem:s1+$0x2420] =	vst v9;
	(pc) =	sbr.rel @p0 .LBB2_44-.Ltmp21, $4  }
0x202: {  	s8 =	sadd.s32 $0xFFFFFFE0, s0;
	v5 =	vld [tilespmem:s6+$0x1000];
	s6 =	sadd.s32 $0xFFFFFFC0, s0;
	[tilespmem:s1+$0x2440] =	vst v7  }
0x203: {  	v4 =	vld [tilespmem:s7+$0x1000];
	[tilespmem:s1+$0x2400] =	vst v8;
	s6 =	sor.u32 $0x30, s6;
	s7 =	sor.u32 $0x50, s8  }
0x204: {  	v3 =	vld [tilespmem:s5+$0x1000];
	[tilespmem:s6+$0x2400] =	vst v10  }
0x205: {  	s24 =	sadd.s32 $0x200, s24;
	s4 =	sadd.s32 $0x240, s4;
	v7 =	vadd.f32 v2, v1;
	[tilespmem:s7+$0x2400] =	vst v11  }
0x206: {  	s3 =	sshra.s32 s24, $0x2;
	v2 =	vadd.f32 v2, v0;
	[tilespmem:s1+$0x2410] =	vst v6;
	s0 =	sadd.s32 $0x80, s0  }
0x207: {  	v58 =	vadd.f32 v5, v1;
	[tilespmem:s3+$0x2460] =	vst v7;
	s24 =	sor.u32 $0x70, s0  }
0x208: {  	v59 =	vadd.f32 v4, v1;
	[tilespmem:s24+$0x2400] =	vst v2  }
0x209: {  	v61 =	vadd.f32 v5, v0;
	s25 =	sadd.s32 $0xFFFFFFC0, s0;
	[tilespmem:s3+$0x2420] =	vst v58  }
0x20a: {  	s1 =	sor.u32 $0x30, s25;
	v60 =	vadd.f32 v3, v1;
	[tilespmem:s3+$0x2440] =	vst v59  }
0x20b: {  	s0 =	sadd.s32 $0xFFFFFFE0, s0;
	v62 =	vadd.f32 v4, v0;
	[tilespmem:s1+$0x2400] =	vst v61  }
0x20c: {  	s0 =	sor.u32 $0x50, s0;
	v63 =	vadd.f32 v3, v0;
	[tilespmem:s3+$0x2400] =	vst v60  }
0x20d: {  	[tilespmem:s0+$0x2400] =	vst v62  }
0x20e: {  	[tilespmem:s3+$0x2410] =	vst v63  }
0x20f: {  	_ =	swait.ge [sflag:s30], $0x8000  }
0x210: {  	[sflag:s30] =	ssyncset.done $0x0  }
0x211: {  	[sflag:s30] =	ssyncadd.s32 $0xFFFF8000  }
0x212: {  	_ =	swait.ge [sflag:s30], $0x8000  }
0x213: {  	s24 =	simm.s32 $0x0;
	[sflag:s30] =	ssyncset.done $0x0  }
0x214: {  	s1 =	simm.s32 $0x0;
	s0 =	simm.s32 $0x0;
	[sflag:s30] =	ssyncadd.s32 $0xFFFF8000  }
.LBB2_46:
0x215: {  	s3 =	sshll.u32 s24, $0x4;
	s4 =	sshll.u32 s24, $0x7  }
0x216: {  	s5 =	simm.s32 $0x2440;
	s3 =	sor.u32 s4, s3  }
0x217: {  	v4 =	vld [tilespmem:s5+$0x30];
	s3 =	sor.u32 $0x380, s3  }
0x218: {  	v0 =	vld [tilespmem:s3+$0x0]  }
0x219: {  	v5 =	vld [tilespmem:s5+$0xFFFFFFD0]  }
0x21a: {  	s10 =	sshll.u32 s1, $0x2;
	s25 =	sand.u32 $0x7, s0;
	v7 =	vld [tilespmem:s5+$0xFFFFFFE0]  }
0x21b: {  	s4 =	sshll.u32 s25, $0x9;
	v3 =	vld [tilespmem:s5+$0xFFFFFFF0];
	s3 =	sand.u32 $0xFFFF8000, s10  }
0x21c: {  	v1 =	vld [tilespmem:s5+$0x0];
	s3 =	sor.u32 s4, s3  }
0x21d: {  	v2 =	vld [tilespmem:s5+$0x10];
	s3 =	sshrl.u32 s3, $0x2;
	v8 =	vadd.f32 v4, v0  }
0x21e: {  	s3 =	sadd.s32 $0xA800, s3;
	v4 =	vld [tilespmem:s5+$0x20];
	v6 =	vadd.f32 v5, v0  }
0x21f: {  	s25 =	simm.s32 $0x24C0;
	s4 =	simm.s32 $0x0;
	v5 =	vld [tilespmem:s5+$0xFFFFFFC0];
	v7 =	vadd.f32 v7, v0;
	[tilespmem:s3+$0x70] =	vst v8  }
.LBB2_47:
0x220: {  	v8 =	vld [tilespmem:s25+$0x30];
	s4 =	sadd.s32 $0x8, s4;
	[tilespmem:s3+$0x10] =	vst v6;
	v3 =	vadd.f32 v3, v0  }
0x221: {  	v6 =	vld [tilespmem:s25+$0xFFFFFFD0];
	p0 =	slt.u32 s4, $0x38;
	[tilespmem:s3+$0x20] =	vst v7;
	v1 =	vadd.f32 v1, v0  }
0x222: {  	v7 =	vld [tilespmem:s25+$0xFFFFFFE0];
	[tilespmem:s3+$0x30] =	vst v3;
	v2 =	vadd.f32 v2, v0  }
.Ltmp22:
0x223: {  	v3 =	vld [tilespmem:s25+$0xFFFFFFF0];
	[tilespmem:s3+$0x40] =	vst v1;
	v4 =	vadd.f32 v4, v0;
	(pc) =	sbr.rel @p0 .LBB2_47-.Ltmp22, $4  }
0x224: {  	v1 =	vld [tilespmem:s25+$0x0];
	v5 =	vadd.f32 v5, v0;
	[tilespmem:s3+$0x50] =	vst v2  }
0x225: {  	v2 =	vld [tilespmem:s25+$0x10];
	v8 =	vadd.f32 v8, v0;
	[tilespmem:s3+$0x60] =	vst v4  }
0x226: {  	v6 =	vadd.f32 v6, v0;
	v4 =	vld [tilespmem:s25+$0x20];
	[tilespmem:s3+$0x0] =	vst v5;
	s3 =	sadd.s32 $0x400, s3  }
0x227: {  	v5 =	vld [tilespmem:s25+$0xFFFFFFC0];
	v7 =	vadd.f32 v7, v0;
	[tilespmem:s3+$0x70] =	vst v8;
	s25 =	sadd.s32 $0x80, s25  }
0x228: {  	[tilespmem:s3+$0x10] =	vst v6;
	v3 =	vadd.f32 v3, v0;
	s24 =	sadd.s32 $0x1, s24  }
0x229: {  	[tilespmem:s3+$0x20] =	vst v7;
	v1 =	vadd.f32 v1, v0;
	p0 =	sne.s32 s24, $0x20  }
.Ltmp23:
0x22a: {  	[tilespmem:s3+$0x30] =	vst v3;
	v2 =	vadd.f32 v2, v0;
	(pc) =	sbr.rel @p0 .LBB2_46-.Ltmp23, $4  }
0x22b: {  	[tilespmem:s3+$0x40] =	vst v1;
	v62 =	vadd.f32 v4, v0  }
0x22c: {  	v63 =	vadd.f32 v5, v0;
	[tilespmem:s3+$0x50] =	vst v2  }
0x22d: {  	[tilespmem:s3+$0x60] =	vst v62  }
0x22e: {  	s1 =	sadd.s32 $0x400, s1;
	s0 =	sadd.s32 $0x1, s0;
	[tilespmem:s3+$0x0] =	vst v63  }
0x22f: {  	[hbm4b:s20+s2] =	stream.linear.scatter [tilespmem:s28], [sflag:$0x2], $0x8000, $0x38;
	[tilespmem:$0x12800] =	vst v63  }
0x230: {  	_ = 	snop  }
0x231: {  	[hbm4b:s21+s2] =	stream.linear.scatter [tilespmem:s28], [sflag:$0x2], $0x8000, $0x38;
	[tilespmem:$0x12800] =	vst v63  }
0x232: {  	_ =	swait.ge [sflag:s29], $0x8000  }
0x233: {  	[sflag:s29] =	ssyncset.done $0x0  }
0x234: {  	[sflag:s29] =	ssyncadd.s32 $0xFFFF8000  }
0x235: {  	_ =	swait.ge [sflag:s29], $0x8000  }
0x236: {  	[sflag:s29] =	ssyncset.done $0x0  }
0x237: {  	s31 =	sadd.s32 $0x1, s31;
	[sflag:s29] =	ssyncadd.s32 $0xFFFF8000  }
0x238: {  	p0 =	sne.s32 s31, s22;
	_ =	swait.ge [sflag:s30], $0x8000  }
.Ltmp24:
0x239: {  	[sflag:s30] =	ssyncset.done $0x0;
	(pc) =	sbr.rel @p0 .LBB2_1-.Ltmp24, $4  }
0x23a: {  	[sflag:s30] =	ssyncadd.s32 $0xFFFF8000  }
0x23b: {  	_ =	swait.ge [sflag:s30], $0x8000  }
0x23c: {  	[sflag:s30] =	ssyncset.done $0x0  }
0x23d: {  	[sflag:s30] =	ssyncadd.s32 $0xFFFF8000  }
0x23e: {  	_ =	sfence.sel $0x180000  }
0x23f: {  	[bflag:$0x0] =	sbarrier.arrive $0xFFFF  }
0x240: {  	_ =	strace $0x90000047  }
0x241: {  	s0 =	stileid.u32;
	[bflag:$0x2] =	sbarrier.arrive $0xFFFF  }
0x242: {  	p0 =	sne.s32 s0, $0x0;
	s0 =	rddreg [dreg:$0x2]  }
0x243: {  	s0 =	sadd.s32 @!p0 $0x100000, s0  }
0x244: {  	[sflag:s0] =	ssyncadd.tile.s32 @!p0 $0x1;
	_ =	shalt  }
.Lfunc_end2:
_tile_overlayer_lowered:
.L_overlay_start_2:
0x245: {  	(tag) =	ssettag $0x2  }
0x246: {  	s0 =	rddreg [dreg:$0x0];
	s2 =	stileid.u32  }
0x247: {  	s1 =	rddreg [dreg:$0x1];
	p0 =	sne.s32 s2, $0x0  }
0x248: {  	s3 =	rddreg [dreg:$0x2];
	[bflag:$0x3] =	sbarrier.arrive $0xFFFF;
	s2 =	simm.s32 @!p0 $0x1C03  }
0x249: {  	[timem:s3], [sflag:s2] =	dma.local @!p0 [hbm:s0], s1  }
0x24a: {  	s0 =	simm.s32 @!p0 $0x3  }
0x24b: {  	_ =	swait.ge @!p0 [sflag:s0], s1  }
0x24c: {  	s1 =	ssub.s32 @!p0 $0x0, s1;
	[sflag:s0] =	ssyncset.done @!p0 $0x0  }
0x24d: {  	[sflag:s0] =	ssyncadd.s32 @!p0 s1  }
0x24e: {  	[bflag:$0x3] =	sbarrier.arrive $0xFFFF  }
0x24f: {  	_ =	shalt  }

</sc_bundles>
